<compile_context>
chip_gen: v7x
topology: tpu7x:2x2x1
jax: 0.10.2.dev20260603
libtpu: 0.0.44.dev20260713+nightly
codegen_flags: <defaults>
</compile_context>

<pallas_src>
import jax
import jax.numpy as jnp
from jax import lax
from jax.experimental import pallas as pl
from jax.experimental.pallas import tpu as pltpu
from jax.experimental.pallas import tpu_sc as plsc

NC = 2
NS = 16
L = 16
NW = NC * NS

BATCH = 4096
SEQ = 50
OUT_DIM = 128

B_PER_W = BATCH // NW
ROWS_PER_CHUNK = 2
IDX_PER_CHUNK = ROWS_PER_CHUNK * SEQ
N_CHUNKS = B_PER_W // ROWS_PER_CHUNK
N_VREG = OUT_DIM // L


def _accumulate(rows_v, out_v, c):
    for r in range(ROWS_PER_CHUNK):
        def seq_body(s, accs):
            base = r * SEQ + s
            return tuple(
                accs[j] + rows_v[base, pl.ds(j * L, L)]
                for j in range(N_VREG)
            )
        accs = lax.fori_loop(
            0, SEQ, seq_body,
            tuple(jnp.zeros((L,), jnp.float32) for _ in range(N_VREG)),
        )
        for j in range(N_VREG):
            out_v[c * ROWS_PER_CHUNK + r, pl.ds(j * L, L)] = (
                accs[j] * (1.0 / SEQ)
            )


NBUF = 6


def _sc_kernel(ids_hbm, table_hbm, out_hbm, idx_v, rows, sems, out_v):
    wid = lax.axis_index("subcore") * NC + lax.axis_index("core")
    pltpu.sync_copy(ids_hbm.at[pl.ds(wid * N_CHUNKS, N_CHUNKS), :], idx_v)

    for b in range(NBUF - 1):
        pltpu.async_copy(table_hbm.at[idx_v.at[b]], rows[b], sems[b])

    @pl.loop(0, N_CHUNKS, step=NBUF)
    def _chunk(c):
        for b in range(NBUF):
            nxt = c + b + NBUF - 1
            nb = (b + NBUF - 1) % NBUF

            @pl.when(nxt < N_CHUNKS)
            def _():
                pltpu.async_copy(table_hbm.at[idx_v.at[nxt]], rows[nb],
                                 sems[nb])

            @pl.when(c + b < N_CHUNKS)
            def _():
                pltpu.make_async_copy(table_hbm.at[idx_v.at[c + b]], rows[b],
                                      sems[b]).wait()
                _accumulate(rows[b], out_v, c + b)

    pltpu.sync_copy(out_v, out_hbm.at[pl.ds(wid * B_PER_W, B_PER_W), :])


@jax.jit
def kernel(input_ids, table):
    ids2d = input_ids.reshape(BATCH * SEQ // IDX_PER_CHUNK, IDX_PER_CHUNK)
    mesh = plsc.VectorSubcoreMesh(core_axis_name="core",
                                  subcore_axis_name="subcore")
    run = pl.kernel(
        _sc_kernel,
        out_type=jax.ShapeDtypeStruct((BATCH, OUT_DIM), jnp.float32),
        mesh=mesh,
        scratch_types=[
            pltpu.VMEM((N_CHUNKS, IDX_PER_CHUNK), jnp.int32),
            [pltpu.VMEM((IDX_PER_CHUNK, OUT_DIM), jnp.float32)
             for _ in range(NBUF)],
            [pltpu.SemaphoreType.DMA for _ in range(NBUF)],
            pltpu.VMEM((B_PER_W, OUT_DIM), jnp.float32),
        ],
    )
    return run(ids2d.astype(jnp.int32), table)

# --- scband reference (transcript-rebuilt; emitter-appended) ---
"""Pipeline reference for scband-hftext-encoder-6382321402432 (READ-ONLY COPY).

The authoritative reference and input builder live on the scoring server;
editing this copy changes nothing except your own understanding.
"""

import jax, jax.numpy as jnp
import numpy as np

VOCAB = 100000
OUT_DIM = 128
BATCH = 4096
SEQ = 50

def setup_inputs(seed: int = 0) -> dict:
    key = jax.random.key(seed)
    k_idx, k_tab = jax.random.split(key)
    input_ids = jax.random.randint(k_idx, (BATCH, SEQ), 0, VOCAB, dtype=jnp.int64 if jax.config.jax_enable_x64 else jnp.int32)
    table = jax.random.normal(k_tab, (VOCAB, OUT_DIM), dtype=jnp.float32) * 0.02
    return {"input_ids": input_ids, "table": table}

def reference(input_ids, table):
    # nn.Embedding lookup: gather rows of the table, then mean over the sequence dim
    emb = jnp.take(table, input_ids, axis=0)  # [B, L, D]
    return emb.mean(axis=1)  # [B, D]

if __name__ == "__main__":
    import jax
    _d = setup_inputs()
    print(jax.jit(kernel)(*tuple(_d.values())))

</pallas_src>

<mosaic_0001>
#map = affine_map<(d0, d1) -> (0, 0)>
module attributes {stable_mosaic.version = 14 : i64} {
  func.func @_sc_kernel(%arg0: i32, %arg1: i32, %arg2: memref<2048x100xi32, #tpu.memory_space<hbm>>, %arg3: memref<100000x128xf32, #tpu.memory_space<hbm>>, %arg4: memref<4096x128xf32, #tpu.memory_space<hbm>>, %arg5: memref<64x100xi32, #tpu.memory_space<vmem>>, %arg6: memref<100x128xf32, #tpu.memory_space<vmem>>, %arg7: memref<100x128xf32, #tpu.memory_space<vmem>>, %arg8: memref<100x128xf32, #tpu.memory_space<vmem>>, %arg9: memref<100x128xf32, #tpu.memory_space<vmem>>, %arg10: memref<100x128xf32, #tpu.memory_space<vmem>>, %arg11: memref<100x128xf32, #tpu.memory_space<vmem>>, %arg12: memref<!tpu.dma_semaphore, #tpu.memory_space<semaphore_mem>>, %arg13: memref<!tpu.dma_semaphore, #tpu.memory_space<semaphore_mem>>, %arg14: memref<!tpu.dma_semaphore, #tpu.memory_space<semaphore_mem>>, %arg15: memref<!tpu.dma_semaphore, #tpu.memory_space<semaphore_mem>>, %arg16: memref<!tpu.dma_semaphore, #tpu.memory_space<semaphore_mem>>, %arg17: memref<!tpu.dma_semaphore, #tpu.memory_space<semaphore_mem>>, %arg18: memref<128x128xf32, #tpu.memory_space<vmem>>) attributes {dimension_semantics = [#tpu.dimension_semantics<core_parallel>, #tpu.dimension_semantics<subcore_parallel>], iteration_bounds = array<i64: 2, 16>, scalar_prefetch = 0 : i64, scratch_operands = 14 : i64, tpu.core_type = #tpu.core_type<sc_vector_subcore>, window_params = [{transform_indices = #map}, {transform_indices = #map}, {transform_indices = #map}]} {
    %mul3A = arith.constant 2 : i32
    %mul3A_0 = arith.muli %arg1, %mul3A : i32
    %add3A = arith.addi %mul3A_0, %arg0 : i32
    %mul3A_1 = arith.constant 64 : i32
    %mul3A_2 = arith.muli %add3A, %mul3A_1 : i32
    "tpu.region"() ({
      %run_scoped3A = tpu.sem_alloc : memref<!tpu.dma_semaphore, #tpu.memory_space<semaphore_mem>>
      %dma_start3A_43 = arith.constant 0 : i32
      %dma_start3A_44 = tpu.memref_slice %arg2[%mul3A_2, %dma_start3A_43] : memref<2048x100xi32, #tpu.memory_space<hbm>> -> memref<64x100xi32, #tpu.memory_space<hbm>>
      %dma_start3A_45 = arith.constant 0 : i32
      %dma_start3A_46 = tpu.memref_slice %arg2[%mul3A_2, %dma_start3A_45] : memref<2048x100xi32, #tpu.memory_space<hbm>> -> memref<64x100xi32, #tpu.memory_space<hbm>>
      tpu.enqueue_dma source(%dma_start3A_46 : memref<64x100xi32, #tpu.memory_space<hbm>>) target(%arg5 : memref<64x100xi32, #tpu.memory_space<vmem>>) target_semaphore(%run_scoped3A : memref<!tpu.dma_semaphore, #tpu.memory_space<semaphore_mem>>)
      %dma_wait3A = arith.constant 0 : i32
      %dma_wait3A_47 = tpu.memref_slice %arg2[%mul3A_2, %dma_wait3A] : memref<2048x100xi32, #tpu.memory_space<hbm>> -> memref<64x100xi32, #tpu.memory_space<hbm>>
      %dma_wait3A_48 = arith.constant 0 : i32
      %dma_wait3A_49 = tpu.memref_slice %arg2[%mul3A_2, %dma_wait3A_48] : memref<2048x100xi32, #tpu.memory_space<hbm>> -> memref<64x100xi32, #tpu.memory_space<hbm>>
      tpu.wait_dma2 semaphore(%run_scoped3A : memref<!tpu.dma_semaphore, #tpu.memory_space<semaphore_mem>>) src(%dma_wait3A_49 : memref<64x100xi32, #tpu.memory_space<hbm>>) dst(%arg5 : memref<64x100xi32, #tpu.memory_space<vmem>>)
      tpu.yield
    }) : () -> ()
    %dma_start3A = arith.constant 0 : i32
    %dma_start3A_3 = arith.constant 0 : i32
    %dma_start3A_4 = tpu.memref_slice %arg5[%dma_start3A, %dma_start3A_3] : memref<64x100xi32, #tpu.memory_space<vmem>> -> memref<1x100xi32, #tpu.memory_space<vmem>>
    %dma_start3A_5 = tpu.memref_squeeze %dma_start3A_4 : memref<1x100xi32, #tpu.memory_space<vmem>> -> memref<100xi32, #tpu.memory_space<vmem>>
    %dma_start3A_6 = arith.constant 0 : i32
    %dma_start3A_7 = arith.constant 0 : i32
    %dma_start3A_8 = tpu.memref_slice %arg3[%dma_start3A_6, %dma_start3A_7] : memref<100000x128xf32, #tpu.memory_space<hbm>> -> memref<100000x128xf32, #tpu.memory_space<hbm>>
    tpu.enqueue_indirect_dma source(%dma_start3A_8 : memref<100000x128xf32, #tpu.memory_space<hbm>>) target(%arg6 : memref<100x128xf32, #tpu.memory_space<vmem>>) offsets(%dma_start3A_5 : memref<100xi32, #tpu.memory_space<vmem>>) semaphore(%arg12 : memref<!tpu.dma_semaphore, #tpu.memory_space<semaphore_mem>>)
    %dma_start3A_9 = arith.constant 1 : i32
    %dma_start3A_10 = arith.constant 0 : i32
    %dma_start3A_11 = tpu.memref_slice %arg5[%dma_start3A_9, %dma_start3A_10] : memref<64x100xi32, #tpu.memory_space<vmem>> -> memref<1x100xi32, #tpu.memory_space<vmem>>
    %dma_start3A_12 = tpu.memref_squeeze %dma_start3A_11 : memref<1x100xi32, #tpu.memory_space<vmem>> -> memref<100xi32, #tpu.memory_space<vmem>>
    %dma_start3A_13 = arith.constant 0 : i32
    %dma_start3A_14 = arith.constant 0 : i32
    %dma_start3A_15 = tpu.memref_slice %arg3[%dma_start3A_13, %dma_start3A_14] : memref<100000x128xf32, #tpu.memory_space<hbm>> -> memref<100000x128xf32, #tpu.memory_space<hbm>>
    tpu.enqueue_indirect_dma source(%dma_start3A_15 : memref<100000x128xf32, #tpu.memory_space<hbm>>) target(%arg7 : memref<100x128xf32, #tpu.memory_space<vmem>>) offsets(%dma_start3A_12 : memref<100xi32, #tpu.memory_space<vmem>>) semaphore(%arg13 : memref<!tpu.dma_semaphore, #tpu.memory_space<semaphore_mem>>)
    %dma_start3A_16 = arith.constant 2 : i32
    %dma_start3A_17 = arith.constant 0 : i32
    %dma_start3A_18 = tpu.memref_slice %arg5[%dma_start3A_16, %dma_start3A_17] : memref<64x100xi32, #tpu.memory_space<vmem>> -> memref<1x100xi32, #tpu.memory_space<vmem>>
    %dma_start3A_19 = tpu.memref_squeeze %dma_start3A_18 : memref<1x100xi32, #tpu.memory_space<vmem>> -> memref<100xi32, #tpu.memory_space<vmem>>
    %dma_start3A_20 = arith.constant 0 : i32
    %dma_start3A_21 = arith.constant 0 : i32
    %dma_start3A_22 = tpu.memref_slice %arg3[%dma_start3A_20, %dma_start3A_21] : memref<100000x128xf32, #tpu.memory_space<hbm>> -> memref<100000x128xf32, #tpu.memory_space<hbm>>
    tpu.enqueue_indirect_dma source(%dma_start3A_22 : memref<100000x128xf32, #tpu.memory_space<hbm>>) target(%arg8 : memref<100x128xf32, #tpu.memory_space<vmem>>) offsets(%dma_start3A_19 : memref<100xi32, #tpu.memory_space<vmem>>) semaphore(%arg14 : memref<!tpu.dma_semaphore, #tpu.memory_space<semaphore_mem>>)
    %dma_start3A_23 = arith.constant 3 : i32
    %dma_start3A_24 = arith.constant 0 : i32
    %dma_start3A_25 = tpu.memref_slice %arg5[%dma_start3A_23, %dma_start3A_24] : memref<64x100xi32, #tpu.memory_space<vmem>> -> memref<1x100xi32, #tpu.memory_space<vmem>>
    %dma_start3A_26 = tpu.memref_squeeze %dma_start3A_25 : memref<1x100xi32, #tpu.memory_space<vmem>> -> memref<100xi32, #tpu.memory_space<vmem>>
    %dma_start3A_27 = arith.constant 0 : i32
    %dma_start3A_28 = arith.constant 0 : i32
    %dma_start3A_29 = tpu.memref_slice %arg3[%dma_start3A_27, %dma_start3A_28] : memref<100000x128xf32, #tpu.memory_space<hbm>> -> memref<100000x128xf32, #tpu.memory_space<hbm>>
    tpu.enqueue_indirect_dma source(%dma_start3A_29 : memref<100000x128xf32, #tpu.memory_space<hbm>>) target(%arg9 : memref<100x128xf32, #tpu.memory_space<vmem>>) offsets(%dma_start3A_26 : memref<100xi32, #tpu.memory_space<vmem>>) semaphore(%arg15 : memref<!tpu.dma_semaphore, #tpu.memory_space<semaphore_mem>>)
    %dma_start3A_30 = arith.constant 4 : i32
    %dma_start3A_31 = arith.constant 0 : i32
    %dma_start3A_32 = tpu.memref_slice %arg5[%dma_start3A_30, %dma_start3A_31] : memref<64x100xi32, #tpu.memory_space<vmem>> -> memref<1x100xi32, #tpu.memory_space<vmem>>
    %dma_start3A_33 = tpu.memref_squeeze %dma_start3A_32 : memref<1x100xi32, #tpu.memory_space<vmem>> -> memref<100xi32, #tpu.memory_space<vmem>>
    %dma_start3A_34 = arith.constant 0 : i32
    %dma_start3A_35 = arith.constant 0 : i32
    %dma_start3A_36 = tpu.memref_slice %arg3[%dma_start3A_34, %dma_start3A_35] : memref<100000x128xf32, #tpu.memory_space<hbm>> -> memref<100000x128xf32, #tpu.memory_space<hbm>>
    tpu.enqueue_indirect_dma source(%dma_start3A_36 : memref<100000x128xf32, #tpu.memory_space<hbm>>) target(%arg10 : memref<100x128xf32, #tpu.memory_space<vmem>>) offsets(%dma_start3A_33 : memref<100xi32, #tpu.memory_space<vmem>>) semaphore(%arg16 : memref<!tpu.dma_semaphore, #tpu.memory_space<semaphore_mem>>)
    %scan3A = arith.constant 0 : i32
    %scan3A_37 = arith.constant 11 : i32
    %scan3A_38 = arith.addi %scan3A, %scan3A_37 : i32
    %scan3A_39 = arith.constant 1 : i32
    scf.for %scan3A_43 = %scan3A to %scan3A_38 step %scan3A_39  : i32 {
      %mul3A_44 = arith.constant 6 : i32
      %mul3A_45 = arith.muli %scan3A_43, %mul3A_44 : i32
      %add3A_46 = arith.constant 0 : i32
      %add3A_47 = arith.addi %add3A_46, %mul3A_45 : i32
      %add3A_48 = arith.constant 0 : i32
      %add3A_49 = arith.addi %add3A_47, %add3A_48 : i32
      %add3A_50 = arith.constant 6 : i32
      %add3A_51 = arith.addi %add3A_49, %add3A_50 : i32
      %sub3A = arith.constant 1 : i32
      %sub3A_52 = arith.subi %add3A_51, %sub3A : i32
      %lt3A = arith.constant 64 : i32
      %lt3A_53 = arith.cmpi slt, %sub3A_52, %lt3A : i32
      %convert_element_type3A = arith.extui %lt3A_53 : i1 to i32
      %cond3A = arith.constant 0 : i32
      %cond3A_54 = arith.cmpi ne, %convert_element_type3A, %cond3A : i32
      scf.if %cond3A_54 {
        %dma_start3A_152 = arith.constant 0 : i32
        %dma_start3A_153 = tpu.memref_slice %arg5[%sub3A_52, %dma_start3A_152] : memref<64x100xi32, #tpu.memory_space<vmem>> -> memref<1x100xi32, #tpu.memory_space<vmem>>
        %dma_start3A_154 = tpu.memref_squeeze %dma_start3A_153 : memref<1x100xi32, #tpu.memory_space<vmem>> -> memref<100xi32, #tpu.memory_space<vmem>>
        %dma_start3A_155 = arith.constant 0 : i32
        %dma_start3A_156 = arith.constant 0 : i32
        %dma_start3A_157 = tpu.memref_slice %arg3[%dma_start3A_155, %dma_start3A_156] : memref<100000x128xf32, #tpu.memory_space<hbm>> -> memref<100000x128xf32, #tpu.memory_space<hbm>>
        tpu.enqueue_indirect_dma source(%dma_start3A_157 : memref<100000x128xf32, #tpu.memory_space<hbm>>) target(%arg11 : memref<100x128xf32, #tpu.memory_space<vmem>>) offsets(%dma_start3A_154 : memref<100xi32, #tpu.memory_space<vmem>>) semaphore(%arg17 : memref<!tpu.dma_semaphore, #tpu.memory_space<semaphore_mem>>)
      } else {
      }
      %add3A_55 = arith.constant 0 : i32
      %add3A_56 = arith.addi %add3A_47, %add3A_55 : i32
      %lt3A_57 = arith.constant 64 : i32
      %lt3A_58 = arith.cmpi slt, %add3A_56, %lt3A_57 : i32
      %convert_element_type3A_59 = arith.extui %lt3A_58 : i1 to i32
      %cond3A_60 = arith.constant 0 : i32
      %cond3A_61 = arith.cmpi ne, %convert_element_type3A_59, %cond3A_60 : i32
      scf.if %cond3A_61 {
        %add3A_152 = arith.constant 0 : i32
        %add3A_153 = arith.addi %add3A_47, %add3A_152 : i32
        %dma_wait3A = arith.constant 0 : i32
        %dma_wait3A_154 = tpu.memref_slice %arg5[%add3A_153, %dma_wait3A] : memref<64x100xi32, #tpu.memory_space<vmem>> -> memref<1x100xi32, #tpu.memory_space<vmem>>
        %dma_wait3A_155 = tpu.memref_squeeze %dma_wait3A_154 : memref<1x100xi32, #tpu.memory_space<vmem>> -> memref<100xi32, #tpu.memory_space<vmem>>
        %dma_wait3A_156 = arith.constant 0 : i32
        %dma_wait3A_157 = arith.constant 0 : i32
        %dma_wait3A_158 = tpu.memref_slice %arg3[%dma_wait3A_156, %dma_wait3A_157] : memref<100000x128xf32, #tpu.memory_space<hbm>> -> memref<100000x128xf32, #tpu.memory_space<hbm>>
        tpu.wait_indirect_dma semaphore(%arg12 : memref<!tpu.dma_semaphore, #tpu.memory_space<semaphore_mem>>) src(%dma_wait3A_158 : memref<100000x128xf32, #tpu.memory_space<hbm>>) dst(%arg6 : memref<100x128xf32, #tpu.memory_space<vmem>>)
        %add3A_159 = arith.constant 0 : i32
        %add3A_160 = arith.addi %add3A_47, %add3A_159 : i32
        %broadcast_in_dim3A = arith.constant 0.000000e+00 : f32
        %broadcast_in_dim3A_161 = vector.broadcast %broadcast_in_dim3A : f32 to vector<16xf32>
        %broadcast_in_dim3A_162 = arith.constant 0.000000e+00 : f32
        %broadcast_in_dim3A_163 = vector.broadcast %broadcast_in_dim3A_162 : f32 to vector<16xf32>
        %broadcast_in_dim3A_164 = arith.constant 0.000000e+00 : f32
        %broadcast_in_dim3A_165 = vector.broadcast %broadcast_in_dim3A_164 : f32 to vector<16xf32>
        %broadcast_in_dim3A_166 = arith.constant 0.000000e+00 : f32
        %broadcast_in_dim3A_167 = vector.broadcast %broadcast_in_dim3A_166 : f32 to vector<16xf32>
        %broadcast_in_dim3A_168 = arith.constant 0.000000e+00 : f32
        %broadcast_in_dim3A_169 = vector.broadcast %broadcast_in_dim3A_168 : f32 to vector<16xf32>
        %broadcast_in_dim3A_170 = arith.constant 0.000000e+00 : f32
        %broadcast_in_dim3A_171 = vector.broadcast %broadcast_in_dim3A_170 : f32 to vector<16xf32>
        %broadcast_in_dim3A_172 = arith.constant 0.000000e+00 : f32
        %broadcast_in_dim3A_173 = vector.broadcast %broadcast_in_dim3A_172 : f32 to vector<16xf32>
        %broadcast_in_dim3A_174 = arith.constant 0.000000e+00 : f32
        %broadcast_in_dim3A_175 = vector.broadcast %broadcast_in_dim3A_174 : f32 to vector<16xf32>
        %scan3A_176 = arith.constant 0 : i32
        %scan3A_177 = arith.constant 50 : i32
        %scan3A_178 = arith.addi %scan3A_176, %scan3A_177 : i32
        %scan3A_179 = arith.constant 1 : i32
        %scan3A_180:8 = scf.for %scan3A_395 = %scan3A_176 to %scan3A_178 step %scan3A_179 iter_args(%scan3A_396 = %broadcast_in_dim3A_161, %scan3A_397 = %broadcast_in_dim3A_163, %scan3A_398 = %broadcast_in_dim3A_165, %scan3A_399 = %broadcast_in_dim3A_167, %scan3A_400 = %broadcast_in_dim3A_169, %scan3A_401 = %broadcast_in_dim3A_171, %scan3A_402 = %broadcast_in_dim3A_173, %scan3A_403 = %broadcast_in_dim3A_175) -> (vector<16xf32>, vector<16xf32>, vector<16xf32>, vector<16xf32>, vector<16xf32>, vector<16xf32>, vector<16xf32>, vector<16xf32>)  : i32 {
          %add3A_404 = arith.constant 0 : i32
          %add3A_405 = arith.addi %add3A_404, %scan3A_395 : i32
          %get3A = arith.index_cast %add3A_405 : i32 to index
          %get3A_406 = arith.constant 0 : index
          %get3A_407 = tpu.vector_load %arg6[%get3A, %get3A_406] {strides = array<i32>} : memref<100x128xf32, #tpu.memory_space<vmem>>, vector<1x16xf32>,
          %get3A_408 = vector.shape_cast %get3A_407 : vector<1x16xf32> to vector<16xf32>
          %add3A_409 = arith.addf %scan3A_396, %get3A_408 : vector<16xf32>
          %get3A_410 = arith.index_cast %add3A_405 : i32 to index
          %get3A_411 = arith.constant 16 : index
          %get3A_412 = tpu.vector_load %arg6[%get3A_410, %get3A_411] {strides = array<i32>} : memref<100x128xf32, #tpu.memory_space<vmem>>, vector<1x16xf32>,
          %get3A_413 = vector.shape_cast %get3A_412 : vector<1x16xf32> to vector<16xf32>
          %add3A_414 = arith.addf %scan3A_397, %get3A_413 : vector<16xf32>
          %get3A_415 = arith.index_cast %add3A_405 : i32 to index
          %get3A_416 = arith.constant 32 : index
          %get3A_417 = tpu.vector_load %arg6[%get3A_415, %get3A_416] {strides = array<i32>} : memref<100x128xf32, #tpu.memory_space<vmem>>, vector<1x16xf32>,
          %get3A_418 = vector.shape_cast %get3A_417 : vector<1x16xf32> to vector<16xf32>
          %add3A_419 = arith.addf %scan3A_398, %get3A_418 : vector<16xf32>
          %get3A_420 = arith.index_cast %add3A_405 : i32 to index
          %get3A_421 = arith.constant 48 : index
          %get3A_422 = tpu.vector_load %arg6[%get3A_420, %get3A_421] {strides = array<i32>} : memref<100x128xf32, #tpu.memory_space<vmem>>, vector<1x16xf32>,
          %get3A_423 = vector.shape_cast %get3A_422 : vector<1x16xf32> to vector<16xf32>
          %add3A_424 = arith.addf %scan3A_399, %get3A_423 : vector<16xf32>
          %get3A_425 = arith.index_cast %add3A_405 : i32 to index
          %get3A_426 = arith.constant 64 : index
          %get3A_427 = tpu.vector_load %arg6[%get3A_425, %get3A_426] {strides = array<i32>} : memref<100x128xf32, #tpu.memory_space<vmem>>, vector<1x16xf32>,
          %get3A_428 = vector.shape_cast %get3A_427 : vector<1x16xf32> to vector<16xf32>
          %add3A_429 = arith.addf %scan3A_400, %get3A_428 : vector<16xf32>
          %get3A_430 = arith.index_cast %add3A_405 : i32 to index
          %get3A_431 = arith.constant 80 : index
          %get3A_432 = tpu.vector_load %arg6[%get3A_430, %get3A_431] {strides = array<i32>} : memref<100x128xf32, #tpu.memory_space<vmem>>, vector<1x16xf32>,
          %get3A_433 = vector.shape_cast %get3A_432 : vector<1x16xf32> to vector<16xf32>
          %add3A_434 = arith.addf %scan3A_401, %get3A_433 : vector<16xf32>
          %get3A_435 = arith.index_cast %add3A_405 : i32 to index
          %get3A_436 = arith.constant 96 : index
          %get3A_437 = tpu.vector_load %arg6[%get3A_435, %get3A_436] {strides = array<i32>} : memref<100x128xf32, #tpu.memory_space<vmem>>, vector<1x16xf32>,
          %get3A_438 = vector.shape_cast %get3A_437 : vector<1x16xf32> to vector<16xf32>
          %add3A_439 = arith.addf %scan3A_402, %get3A_438 : vector<16xf32>
          %get3A_440 = arith.index_cast %add3A_405 : i32 to index
          %get3A_441 = arith.constant 112 : index
          %get3A_442 = tpu.vector_load %arg6[%get3A_440, %get3A_441] {strides = array<i32>} : memref<100x128xf32, #tpu.memory_space<vmem>>, vector<1x16xf32>,
          %get3A_443 = vector.shape_cast %get3A_442 : vector<1x16xf32> to vector<16xf32>
          %add3A_444 = arith.addf %scan3A_403, %get3A_443 : vector<16xf32>
          scf.yield %add3A_409, %add3A_414, %add3A_419, %add3A_424, %add3A_429, %add3A_434, %add3A_439, %add3A_444 : vector<16xf32>, vector<16xf32>, vector<16xf32>, vector<16xf32>, vector<16xf32>, vector<16xf32>, vector<16xf32>, vector<16xf32>
        }
        %scan3A_181 = arith.constant 50 : i32
        %mul3A_182 = arith.constant 2.000000e-02 : f32
        %mul3A_183 = vector.broadcast %mul3A_182 : f32 to vector<16xf32>
        %mul3A_184 = arith.mulf %scan3A_180#0, %mul3A_183 : vector<16xf32>
        %mul3A_185 = arith.constant 2 : i32
        %mul3A_186 = arith.muli %add3A_160, %mul3A_185 : i32
        %add3A_187 = arith.constant 0 : i32
        %add3A_188 = arith.addi %mul3A_186, %add3A_187 : i32
        %swap3A = arith.index_cast %add3A_188 : i32 to index
        %swap3A_189 = arith.constant 0 : index
        %swap3A_190 = tpu.vector_load %arg18[%swap3A, %swap3A_189] {strides = array<i32>} : memref<128x128xf32, #tpu.memory_space<vmem>>, vector<1x16xf32>,
        %swap3A_191 = vector.shape_cast %swap3A_190 : vector<1x16xf32> to vector<16xf32>
        %swap3A_192 = vector.shape_cast %mul3A_184 : vector<16xf32> to vector<1x16xf32>
        tpu.vector_store %arg18[%swap3A, %swap3A_189], %swap3A_192 {strides = array<i32>} : memref<128x128xf32, #tpu.memory_space<vmem>>, vector<1x16xf32>,
        %mul3A_193 = arith.constant 2.000000e-02 : f32
        %mul3A_194 = vector.broadcast %mul3A_193 : f32 to vector<16xf32>
        %mul3A_195 = arith.mulf %scan3A_180#1, %mul3A_194 : vector<16xf32>
        %mul3A_196 = arith.constant 2 : i32
        %mul3A_197 = arith.muli %add3A_160, %mul3A_196 : i32
        %add3A_198 = arith.constant 0 : i32
        %add3A_199 = arith.addi %mul3A_197, %add3A_198 : i32
        %swap3A_200 = arith.index_cast %add3A_199 : i32 to index
        %swap3A_201 = arith.constant 16 : index
        %swap3A_202 = tpu.vector_load %arg18[%swap3A_200, %swap3A_201] {strides = array<i32>} : memref<128x128xf32, #tpu.memory_space<vmem>>, vector<1x16xf32>,
        %swap3A_203 = vector.shape_cast %swap3A_202 : vector<1x16xf32> to vector<16xf32>
        %swap3A_204 = vector.shape_cast %mul3A_195 : vector<16xf32> to vector<1x16xf32>
        tpu.vector_store %arg18[%swap3A_200, %swap3A_201], %swap3A_204 {strides = array<i32>} : memref<128x128xf32, #tpu.memory_space<vmem>>, vector<1x16xf32>,
        %mul3A_205 = arith.constant 2.000000e-02 : f32
        %mul3A_206 = vector.broadcast %mul3A_205 : f32 to vector<16xf32>
        %mul3A_207 = arith.mulf %scan3A_180#2, %mul3A_206 : vector<16xf32>
        %mul3A_208 = arith.constant 2 : i32
        %mul3A_209 = arith.muli %add3A_160, %mul3A_208 : i32
        %add3A_210 = arith.constant 0 : i32
        %add3A_211 = arith.addi %mul3A_209, %add3A_210 : i32
        %swap3A_212 = arith.index_cast %add3A_211 : i32 to index
        %swap3A_213 = arith.constant 32 : index
        %swap3A_214 = tpu.vector_load %arg18[%swap3A_212, %swap3A_213] {strides = array<i32>} : memref<128x128xf32, #tpu.memory_space<vmem>>, vector<1x16xf32>,
        %swap3A_215 = vector.shape_cast %swap3A_214 : vector<1x16xf32> to vector<16xf32>
        %swap3A_216 = vector.shape_cast %mul3A_207 : vector<16xf32> to vector<1x16xf32>
        tpu.vector_store %arg18[%swap3A_212, %swap3A_213], %swap3A_216 {strides = array<i32>} : memref<128x128xf32, #tpu.memory_space<vmem>>, vector<1x16xf32>,
        %mul3A_217 = arith.constant 2.000000e-02 : f32
        %mul3A_218 = vector.broadcast %mul3A_217 : f32 to vector<16xf32>
        %mul3A_219 = arith.mulf %scan3A_180#3, %mul3A_218 : vector<16xf32>
        %mul3A_220 = arith.constant 2 : i32
        %mul3A_221 = arith.muli %add3A_160, %mul3A_220 : i32
        %add3A_222 = arith.constant 0 : i32
        %add3A_223 = arith.addi %mul3A_221, %add3A_222 : i32
        %swap3A_224 = arith.index_cast %add3A_223 : i32 to index
        %swap3A_225 = arith.constant 48 : index
        %swap3A_226 = tpu.vector_load %arg18[%swap3A_224, %swap3A_225] {strides = array<i32>} : memref<128x128xf32, #tpu.memory_space<vmem>>, vector<1x16xf32>,
        %swap3A_227 = vector.shape_cast %swap3A_226 : vector<1x16xf32> to vector<16xf32>
        %swap3A_228 = vector.shape_cast %mul3A_219 : vector<16xf32> to vector<1x16xf32>
        tpu.vector_store %arg18[%swap3A_224, %swap3A_225], %swap3A_228 {strides = array<i32>} : memref<128x128xf32, #tpu.memory_space<vmem>>, vector<1x16xf32>,
        %mul3A_229 = arith.constant 2.000000e-02 : f32
        %mul3A_230 = vector.broadcast %mul3A_229 : f32 to vector<16xf32>
        %mul3A_231 = arith.mulf %scan3A_180#4, %mul3A_230 : vector<16xf32>
        %mul3A_232 = arith.constant 2 : i32
        %mul3A_233 = arith.muli %add3A_160, %mul3A_232 : i32
        %add3A_234 = arith.constant 0 : i32
        %add3A_235 = arith.addi %mul3A_233, %add3A_234 : i32
        %swap3A_236 = arith.index_cast %add3A_235 : i32 to index
        %swap3A_237 = arith.constant 64 : index
        %swap3A_238 = tpu.vector_load %arg18[%swap3A_236, %swap3A_237] {strides = array<i32>} : memref<128x128xf32, #tpu.memory_space<vmem>>, vector<1x16xf32>,
        %swap3A_239 = vector.shape_cast %swap3A_238 : vector<1x16xf32> to vector<16xf32>
        %swap3A_240 = vector.shape_cast %mul3A_231 : vector<16xf32> to vector<1x16xf32>
        tpu.vector_store %arg18[%swap3A_236, %swap3A_237], %swap3A_240 {strides = array<i32>} : memref<128x128xf32, #tpu.memory_space<vmem>>, vector<1x16xf32>,
        %mul3A_241 = arith.constant 2.000000e-02 : f32
        %mul3A_242 = vector.broadcast %mul3A_241 : f32 to vector<16xf32>
        %mul3A_243 = arith.mulf %scan3A_180#5, %mul3A_242 : vector<16xf32>
        %mul3A_244 = arith.constant 2 : i32
        %mul3A_245 = arith.muli %add3A_160, %mul3A_244 : i32
        %add3A_246 = arith.constant 0 : i32
        %add3A_247 = arith.addi %mul3A_245, %add3A_246 : i32
        %swap3A_248 = arith.index_cast %add3A_247 : i32 to index
        %swap3A_249 = arith.constant 80 : index
        %swap3A_250 = tpu.vector_load %arg18[%swap3A_248, %swap3A_249] {strides = array<i32>} : memref<128x128xf32, #tpu.memory_space<vmem>>, vector<1x16xf32>,
        %swap3A_251 = vector.shape_cast %swap3A_250 : vector<1x16xf32> to vector<16xf32>
        %swap3A_252 = vector.shape_cast %mul3A_243 : vector<16xf32> to vector<1x16xf32>
        tpu.vector_store %arg18[%swap3A_248, %swap3A_249], %swap3A_252 {strides = array<i32>} : memref<128x128xf32, #tpu.memory_space<vmem>>, vector<1x16xf32>,
        %mul3A_253 = arith.constant 2.000000e-02 : f32
        %mul3A_254 = vector.broadcast %mul3A_253 : f32 to vector<16xf32>
        %mul3A_255 = arith.mulf %scan3A_180#6, %mul3A_254 : vector<16xf32>
        %mul3A_256 = arith.constant 2 : i32
        %mul3A_257 = arith.muli %add3A_160, %mul3A_256 : i32
        %add3A_258 = arith.constant 0 : i32
        %add3A_259 = arith.addi %mul3A_257, %add3A_258 : i32
        %swap3A_260 = arith.index_cast %add3A_259 : i32 to index
        %swap3A_261 = arith.constant 96 : index
        %swap3A_262 = tpu.vector_load %arg18[%swap3A_260, %swap3A_261] {strides = array<i32>} : memref<128x128xf32, #tpu.memory_space<vmem>>, vector<1x16xf32>,
        %swap3A_263 = vector.shape_cast %swap3A_262 : vector<1x16xf32> to vector<16xf32>
        %swap3A_264 = vector.shape_cast %mul3A_255 : vector<16xf32> to vector<1x16xf32>
        tpu.vector_store %arg18[%swap3A_260, %swap3A_261], %swap3A_264 {strides = array<i32>} : memref<128x128xf32, #tpu.memory_space<vmem>>, vector<1x16xf32>,
        %mul3A_265 = arith.constant 2.000000e-02 : f32
        %mul3A_266 = vector.broadcast %mul3A_265 : f32 to vector<16xf32>
        %mul3A_267 = arith.mulf %scan3A_180#7, %mul3A_266 : vector<16xf32>
        %mul3A_268 = arith.constant 2 : i32
        %mul3A_269 = arith.muli %add3A_160, %mul3A_268 : i32
        %add3A_270 = arith.constant 0 : i32
        %add3A_271 = arith.addi %mul3A_269, %add3A_270 : i32
        %swap3A_272 = arith.index_cast %add3A_271 : i32 to index
        %swap3A_273 = arith.constant 112 : index
        %swap3A_274 = tpu.vector_load %arg18[%swap3A_272, %swap3A_273] {strides = array<i32>} : memref<128x128xf32, #tpu.memory_space<vmem>>, vector<1x16xf32>,
        %swap3A_275 = vector.shape_cast %swap3A_274 : vector<1x16xf32> to vector<16xf32>
        %swap3A_276 = vector.shape_cast %mul3A_267 : vector<16xf32> to vector<1x16xf32>
        tpu.vector_store %arg18[%swap3A_272, %swap3A_273], %swap3A_276 {strides = array<i32>} : memref<128x128xf32, #tpu.memory_space<vmem>>, vector<1x16xf32>,
        %broadcast_in_dim3A_277 = arith.constant 0.000000e+00 : f32
        %broadcast_in_dim3A_278 = vector.broadcast %broadcast_in_dim3A_277 : f32 to vector<16xf32>
        %broadcast_in_dim3A_279 = arith.constant 0.000000e+00 : f32
        %broadcast_in_dim3A_280 = vector.broadcast %broadcast_in_dim3A_279 : f32 to vector<16xf32>
        %broadcast_in_dim3A_281 = arith.constant 0.000000e+00 : f32
        %broadcast_in_dim3A_282 = vector.broadcast %broadcast_in_dim3A_281 : f32 to vector<16xf32>
        %broadcast_in_dim3A_283 = arith.constant 0.000000e+00 : f32
        %broadcast_in_dim3A_284 = vector.broadcast %broadcast_in_dim3A_283 : f32 to vector<16xf32>
        %broadcast_in_dim3A_285 = arith.constant 0.000000e+00 : f32
        %broadcast_in_dim3A_286 = vector.broadcast %broadcast_in_dim3A_285 : f32 to vector<16xf32>
        %broadcast_in_dim3A_287 = arith.constant 0.000000e+00 : f32
        %broadcast_in_dim3A_288 = vector.broadcast %broadcast_in_dim3A_287 : f32 to vector<16xf32>
        %broadcast_in_dim3A_289 = arith.constant 0.000000e+00 : f32
        %broadcast_in_dim3A_290 = vector.broadcast %broadcast_in_dim3A_289 : f32 to vector<16xf32>
        %broadcast_in_dim3A_291 = arith.constant 0.000000e+00 : f32
        %broadcast_in_dim3A_292 = vector.broadcast %broadcast_in_dim3A_291 : f32 to vector<16xf32>
        %scan3A_293 = arith.constant 0 : i32
        %scan3A_294 = arith.constant 50 : i32
        %scan3A_295 = arith.addi %scan3A_293, %scan3A_294 : i32
        %scan3A_296 = arith.constant 1 : i32
        %scan3A_297:8 = scf.for %scan3A_395 = %scan3A_293 to %scan3A_295 step %scan3A_296 iter_args(%scan3A_396 = %broadcast_in_dim3A_278, %scan3A_397 = %broadcast_in_dim3A_280, %scan3A_398 = %broadcast_in_dim3A_282, %scan3A_399 = %broadcast_in_dim3A_284, %scan3A_400 = %broadcast_in_dim3A_286, %scan3A_401 = %broadcast_in_dim3A_288, %scan3A_402 = %broadcast_in_dim3A_290, %scan3A_403 = %broadcast_in_dim3A_292) -> (vector<16xf32>, vector<16xf32>, vector<16xf32>, vector<16xf32>, vector<16xf32>, vector<16xf32>, vector<16xf32>, vector<16xf32>)  : i32 {
          %add3A_404 = arith.constant 50 : i32
          %add3A_405 = arith.addi %add3A_404, %scan3A_395 : i32
          %get3A = arith.index_cast %add3A_405 : i32 to index
          %get3A_406 = arith.constant 0 : index
          %get3A_407 = tpu.vector_load %arg6[%get3A, %get3A_406] {strides = array<i32>} : memref<100x128xf32, #tpu.memory_space<vmem>>, vector<1x16xf32>,
          %get3A_408 = vector.shape_cast %get3A_407 : vector<1x16xf32> to vector<16xf32>
          %add3A_409 = arith.addf %scan3A_396, %get3A_408 : vector<16xf32>
          %get3A_410 = arith.index_cast %add3A_405 : i32 to index
          %get3A_411 = arith.constant 16 : index
          %get3A_412 = tpu.vector_load %arg6[%get3A_410, %get3A_411] {strides = array<i32>} : memref<100x128xf32, #tpu.memory_space<vmem>>, vector<1x16xf32>,
          %get3A_413 = vector.shape_cast %get3A_412 : vector<1x16xf32> to vector<16xf32>
          %add3A_414 = arith.addf %scan3A_397, %get3A_413 : vector<16xf32>
          %get3A_415 = arith.index_cast %add3A_405 : i32 to index
          %get3A_416 = arith.constant 32 : index
          %get3A_417 = tpu.vector_load %arg6[%get3A_415, %get3A_416] {strides = array<i32>} : memref<100x128xf32, #tpu.memory_space<vmem>>, vector<1x16xf32>,
          %get3A_418 = vector.shape_cast %get3A_417 : vector<1x16xf32> to vector<16xf32>
          %add3A_419 = arith.addf %scan3A_398, %get3A_418 : vector<16xf32>
          %get3A_420 = arith.index_cast %add3A_405 : i32 to index
          %get3A_421 = arith.constant 48 : index
          %get3A_422 = tpu.vector_load %arg6[%get3A_420, %get3A_421] {strides = array<i32>} : memref<100x128xf32, #tpu.memory_space<vmem>>, vector<1x16xf32>,
          %get3A_423 = vector.shape_cast %get3A_422 : vector<1x16xf32> to vector<16xf32>
          %add3A_424 = arith.addf %scan3A_399, %get3A_423 : vector<16xf32>
          %get3A_425 = arith.index_cast %add3A_405 : i32 to index
          %get3A_426 = arith.constant 64 : index
          %get3A_427 = tpu.vector_load %arg6[%get3A_425, %get3A_426] {strides = array<i32>} : memref<100x128xf32, #tpu.memory_space<vmem>>, vector<1x16xf32>,
          %get3A_428 = vector.shape_cast %get3A_427 : vector<1x16xf32> to vector<16xf32>
          %add3A_429 = arith.addf %scan3A_400, %get3A_428 : vector<16xf32>
          %get3A_430 = arith.index_cast %add3A_405 : i32 to index
          %get3A_431 = arith.constant 80 : index
          %get3A_432 = tpu.vector_load %arg6[%get3A_430, %get3A_431] {strides = array<i32>} : memref<100x128xf32, #tpu.memory_space<vmem>>, vector<1x16xf32>,
          %get3A_433 = vector.shape_cast %get3A_432 : vector<1x16xf32> to vector<16xf32>
          %add3A_434 = arith.addf %scan3A_401, %get3A_433 : vector<16xf32>
          %get3A_435 = arith.index_cast %add3A_405 : i32 to index
          %get3A_436 = arith.constant 96 : index
          %get3A_437 = tpu.vector_load %arg6[%get3A_435, %get3A_436] {strides = array<i32>} : memref<100x128xf32, #tpu.memory_space<vmem>>, vector<1x16xf32>,
          %get3A_438 = vector.shape_cast %get3A_437 : vector<1x16xf32> to vector<16xf32>
          %add3A_439 = arith.addf %scan3A_402, %get3A_438 : vector<16xf32>
          %get3A_440 = arith.index_cast %add3A_405 : i32 to index
          %get3A_441 = arith.constant 112 : index
          %get3A_442 = tpu.vector_load %arg6[%get3A_440, %get3A_441] {strides = array<i32>} : memref<100x128xf32, #tpu.memory_space<vmem>>, vector<1x16xf32>,
          %get3A_443 = vector.shape_cast %get3A_442 : vector<1x16xf32> to vector<16xf32>
          %add3A_444 = arith.addf %scan3A_403, %get3A_443 : vector<16xf32>
          scf.yield %add3A_409, %add3A_414, %add3A_419, %add3A_424, %add3A_429, %add3A_434, %add3A_439, %add3A_444 : vector<16xf32>, vector<16xf32>, vector<16xf32>, vector<16xf32>, vector<16xf32>, vector<16xf32>, vector<16xf32>, vector<16xf32>
        }
        %scan3A_298 = arith.constant 50 : i32
        %mul3A_299 = arith.constant 2.000000e-02 : f32
        %mul3A_300 = vector.broadcast %mul3A_299 : f32 to vector<16xf32>
        %mul3A_301 = arith.mulf %scan3A_297#0, %mul3A_300 : vector<16xf32>
        %mul3A_302 = arith.constant 2 : i32
        %mul3A_303 = arith.muli %add3A_160, %mul3A_302 : i32
        %add3A_304 = arith.constant 1 : i32
        %add3A_305 = arith.addi %mul3A_303, %add3A_304 : i32
        %swap3A_306 = arith.index_cast %add3A_305 : i32 to index
        %swap3A_307 = arith.constant 0 : index
        %swap3A_308 = tpu.vector_load %arg18[%swap3A_306, %swap3A_307] {strides = array<i32>} : memref<128x128xf32, #tpu.memory_space<vmem>>, vector<1x16xf32>,
        %swap3A_309 = vector.shape_cast %swap3A_308 : vector<1x16xf32> to vector<16xf32>
        %swap3A_310 = vector.shape_cast %mul3A_301 : vector<16xf32> to vector<1x16xf32>
        tpu.vector_store %arg18[%swap3A_306, %swap3A_307], %swap3A_310 {strides = array<i32>} : memref<128x128xf32, #tpu.memory_space<vmem>>, vector<1x16xf32>,
        %mul3A_311 = arith.constant 2.000000e-02 : f32
        %mul3A_312 = vector.broadcast %mul3A_311 : f32 to vector<16xf32>
        %mul3A_313 = arith.mulf %scan3A_297#1, %mul3A_312 : vector<16xf32>
        %mul3A_314 = arith.constant 2 : i32
        %mul3A_315 = arith.muli %add3A_160, %mul3A_314 : i32
        %add3A_316 = arith.constant 1 : i32
        %add3A_317 = arith.addi %mul3A_315, %add3A_316 : i32
        %swap3A_318 = arith.index_cast %add3A_317 : i32 to index
        %swap3A_319 = arith.constant 16 : index
        %swap3A_320 = tpu.vector_load %arg18[%swap3A_318, %swap3A_319] {strides = array<i32>} : memref<128x128xf32, #tpu.memory_space<vmem>>, vector<1x16xf32>,
        %swap3A_321 = vector.shape_cast %swap3A_320 : vector<1x16xf32> to vector<16xf32>
        %swap3A_322 = vector.shape_cast %mul3A_313 : vector<16xf32> to vector<1x16xf32>
        tpu.vector_store %arg18[%swap3A_318, %swap3A_319], %swap3A_322 {strides = array<i32>} : memref<128x128xf32, #tpu.memory_space<vmem>>, vector<1x16xf32>,
        %mul3A_323 = arith.constant 2.000000e-02 : f32
        %mul3A_324 = vector.broadcast %mul3A_323 : f32 to vector<16xf32>
        %mul3A_325 = arith.mulf %scan3A_297#2, %mul3A_324 : vector<16xf32>
        %mul3A_326 = arith.constant 2 : i32
        %mul3A_327 = arith.muli %add3A_160, %mul3A_326 : i32
        %add3A_328 = arith.constant 1 : i32
        %add3A_329 = arith.addi %mul3A_327, %add3A_328 : i32
        %swap3A_330 = arith.index_cast %add3A_329 : i32 to index
        %swap3A_331 = arith.constant 32 : index
        %swap3A_332 = tpu.vector_load %arg18[%swap3A_330, %swap3A_331] {strides = array<i32>} : memref<128x128xf32, #tpu.memory_space<vmem>>, vector<1x16xf32>,
        %swap3A_333 = vector.shape_cast %swap3A_332 : vector<1x16xf32> to vector<16xf32>
        %swap3A_334 = vector.shape_cast %mul3A_325 : vector<16xf32> to vector<1x16xf32>
        tpu.vector_store %arg18[%swap3A_330, %swap3A_331], %swap3A_334 {strides = array<i32>} : memref<128x128xf32, #tpu.memory_space<vmem>>, vector<1x16xf32>,
        %mul3A_335 = arith.constant 2.000000e-02 : f32
        %mul3A_336 = vector.broadcast %mul3A_335 : f32 to vector<16xf32>
        %mul3A_337 = arith.mulf %scan3A_297#3, %mul3A_336 : vector<16xf32>
        %mul3A_338 = arith.constant 2 : i32
        %mul3A_339 = arith.muli %add3A_160, %mul3A_338 : i32
        %add3A_340 = arith.constant 1 : i32
        %add3A_341 = arith.addi %mul3A_339, %add3A_340 : i32
        %swap3A_342 = arith.index_cast %add3A_341 : i32 to index
        %swap3A_343 = arith.constant 48 : index
        %swap3A_344 = tpu.vector_load %arg18[%swap3A_342, %swap3A_343] {strides = array<i32>} : memref<128x128xf32, #tpu.memory_space<vmem>>, vector<1x16xf32>,
        %swap3A_345 = vector.shape_cast %swap3A_344 : vector<1x16xf32> to vector<16xf32>
        %swap3A_346 = vector.shape_cast %mul3A_337 : vector<16xf32> to vector<1x16xf32>
        tpu.vector_store %arg18[%swap3A_342, %swap3A_343], %swap3A_346 {strides = array<i32>} : memref<128x128xf32, #tpu.memory_space<vmem>>, vector<1x16xf32>,
        %mul3A_347 = arith.constant 2.000000e-02 : f32
        %mul3A_348 = vector.broadcast %mul3A_347 : f32 to vector<16xf32>
        %mul3A_349 = arith.mulf %scan3A_297#4, %mul3A_348 : vector<16xf32>
        %mul3A_350 = arith.constant 2 : i32
        %mul3A_351 = arith.muli %add3A_160, %mul3A_350 : i32
        %add3A_352 = arith.constant 1 : i32
        %add3A_353 = arith.addi %mul3A_351, %add3A_352 : i32
        %swap3A_354 = arith.index_cast %add3A_353 : i32 to index
        %swap3A_355 = arith.constant 64 : index
        %swap3A_356 = tpu.vector_load %arg18[%swap3A_354, %swap3A_355] {strides = array<i32>} : memref<128x128xf32, #tpu.memory_space<vmem>>, vector<1x16xf32>,
        %swap3A_357 = vector.shape_cast %swap3A_356 : vector<1x16xf32> to vector<16xf32>
        %swap3A_358 = vector.shape_cast %mul3A_349 : vector<16xf32> to vector<1x16xf32>
        tpu.vector_store %arg18[%swap3A_354, %swap3A_355], %swap3A_358 {strides = array<i32>} : memref<128x128xf32, #tpu.memory_space<vmem>>, vector<1x16xf32>,
        %mul3A_359 = arith.constant 2.000000e-02 : f32
        %mul3A_360 = vector.broadcast %mul3A_359 : f32 to vector<16xf32>
        %mul3A_361 = arith.mulf %scan3A_297#5, %mul3A_360 : vector<16xf32>
        %mul3A_362 = arith.constant 2 : i32
        %mul3A_363 = arith.muli %add3A_160, %mul3A_362 : i32
        %add3A_364 = arith.constant 1 : i32
        %add3A_365 = arith.addi %mul3A_363, %add3A_364 : i32
        %swap3A_366 = arith.index_cast %add3A_365 : i32 to index
        %swap3A_367 = arith.constant 80 : index
        %swap3A_368 = tpu.vector_load %arg18[%swap3A_366, %swap3A_367] {strides = array<i32>} : memref<128x128xf32, #tpu.memory_space<vmem>>, vector<1x16xf32>,
        %swap3A_369 = vector.shape_cast %swap3A_368 : vector<1x16xf32> to vector<16xf32>
        %swap3A_370 = vector.shape_cast %mul3A_361 : vector<16xf32> to vector<1x16xf32>
        tpu.vector_store %arg18[%swap3A_366, %swap3A_367], %swap3A_370 {strides = array<i32>} : memref<128x128xf32, #tpu.memory_space<vmem>>, vector<1x16xf32>,
        %mul3A_371 = arith.constant 2.000000e-02 : f32
        %mul3A_372 = vector.broadcast %mul3A_371 : f32 to vector<16xf32>
        %mul3A_373 = arith.mulf %scan3A_297#6, %mul3A_372 : vector<16xf32>
        %mul3A_374 = arith.constant 2 : i32
        %mul3A_375 = arith.muli %add3A_160, %mul3A_374 : i32
        %add3A_376 = arith.constant 1 : i32
        %add3A_377 = arith.addi %mul3A_375, %add3A_376 : i32
        %swap3A_378 = arith.index_cast %add3A_377 : i32 to index
        %swap3A_379 = arith.constant 96 : index
        %swap3A_380 = tpu.vector_load %arg18[%swap3A_378, %swap3A_379] {strides = array<i32>} : memref<128x128xf32, #tpu.memory_space<vmem>>, vector<1x16xf32>,
        %swap3A_381 = vector.shape_cast %swap3A_380 : vector<1x16xf32> to vector<16xf32>
        %swap3A_382 = vector.shape_cast %mul3A_373 : vector<16xf32> to vector<1x16xf32>
        tpu.vector_store %arg18[%swap3A_378, %swap3A_379], %swap3A_382 {strides = array<i32>} : memref<128x128xf32, #tpu.memory_space<vmem>>, vector<1x16xf32>,
        %mul3A_383 = arith.constant 2.000000e-02 : f32
        %mul3A_384 = vector.broadcast %mul3A_383 : f32 to vector<16xf32>
        %mul3A_385 = arith.mulf %scan3A_297#7, %mul3A_384 : vector<16xf32>
        %mul3A_386 = arith.constant 2 : i32
        %mul3A_387 = arith.muli %add3A_160, %mul3A_386 : i32
        %add3A_388 = arith.constant 1 : i32
        %add3A_389 = arith.addi %mul3A_387, %add3A_388 : i32
        %swap3A_390 = arith.index_cast %add3A_389 : i32 to index
        %swap3A_391 = arith.constant 112 : index
        %swap3A_392 = tpu.vector_load %arg18[%swap3A_390, %swap3A_391] {strides = array<i32>} : memref<128x128xf32, #tpu.memory_space<vmem>>, vector<1x16xf32>,
        %swap3A_393 = vector.shape_cast %swap3A_392 : vector<1x16xf32> to vector<16xf32>
        %swap3A_394 = vector.shape_cast %mul3A_385 : vector<16xf32> to vector<1x16xf32>
        tpu.vector_store %arg18[%swap3A_390, %swap3A_391], %swap3A_394 {strides = array<i32>} : memref<128x128xf32, #tpu.memory_space<vmem>>, vector<1x16xf32>,
      } else {
      }
      %add3A_62 = arith.constant 1 : i32
      %add3A_63 = arith.addi %add3A_47, %add3A_62 : i32
      %add3A_64 = arith.constant 6 : i32
      %add3A_65 = arith.addi %add3A_63, %add3A_64 : i32
      %sub3A_66 = arith.constant 1 : i32
      %sub3A_67 = arith.subi %add3A_65, %sub3A_66 : i32
      %lt3A_68 = arith.constant 64 : i32
      %lt3A_69 = arith.cmpi slt, %sub3A_67, %lt3A_68 : i32
      %convert_element_type3A_70 = arith.extui %lt3A_69 : i1 to i32
      %cond3A_71 = arith.constant 0 : i32
      %cond3A_72 = arith.cmpi ne, %convert_element_type3A_70, %cond3A_71 : i32
      scf.if %cond3A_72 {
        %dma_start3A_152 = arith.constant 0 : i32
        %dma_start3A_153 = tpu.memref_slice %arg5[%sub3A_67, %dma_start3A_152] : memref<64x100xi32, #tpu.memory_space<vmem>> -> memref<1x100xi32, #tpu.memory_space<vmem>>
        %dma_start3A_154 = tpu.memref_squeeze %dma_start3A_153 : memref<1x100xi32, #tpu.memory_space<vmem>> -> memref<100xi32, #tpu.memory_space<vmem>>
        %dma_start3A_155 = arith.constant 0 : i32
        %dma_start3A_156 = arith.constant 0 : i32
        %dma_start3A_157 = tpu.memref_slice %arg3[%dma_start3A_155, %dma_start3A_156] : memref<100000x128xf32, #tpu.memory_space<hbm>> -> memref<100000x128xf32, #tpu.memory_space<hbm>>
        tpu.enqueue_indirect_dma source(%dma_start3A_157 : memref<100000x128xf32, #tpu.memory_space<hbm>>) target(%arg6 : memref<100x128xf32, #tpu.memory_space<vmem>>) offsets(%dma_start3A_154 : memref<100xi32, #tpu.memory_space<vmem>>) semaphore(%arg12 : memref<!tpu.dma_semaphore, #tpu.memory_space<semaphore_mem>>)
      } else {
      }
      %add3A_73 = arith.constant 1 : i32
      %add3A_74 = arith.addi %add3A_47, %add3A_73 : i32
      %lt3A_75 = arith.constant 64 : i32
      %lt3A_76 = arith.cmpi slt, %add3A_74, %lt3A_75 : i32
      %convert_element_type3A_77 = arith.extui %lt3A_76 : i1 to i32
      %cond3A_78 = arith.constant 0 : i32
      %cond3A_79 = arith.cmpi ne, %convert_element_type3A_77, %cond3A_78 : i32
      scf.if %cond3A_79 {
        %add3A_152 = arith.constant 1 : i32
        %add3A_153 = arith.addi %add3A_47, %add3A_152 : i32
        %dma_wait3A = arith.constant 0 : i32
        %dma_wait3A_154 = tpu.memref_slice %arg5[%add3A_153, %dma_wait3A] : memref<64x100xi32, #tpu.memory_space<vmem>> -> memref<1x100xi32, #tpu.memory_space<vmem>>
        %dma_wait3A_155 = tpu.memref_squeeze %dma_wait3A_154 : memref<1x100xi32, #tpu.memory_space<vmem>> -> memref<100xi32, #tpu.memory_space<vmem>>
        %dma_wait3A_156 = arith.constant 0 : i32
        %dma_wait3A_157 = arith.constant 0 : i32
        %dma_wait3A_158 = tpu.memref_slice %arg3[%dma_wait3A_156, %dma_wait3A_157] : memref<100000x128xf32, #tpu.memory_space<hbm>> -> memref<100000x128xf32, #tpu.memory_space<hbm>>
        tpu.wait_indirect_dma semaphore(%arg13 : memref<!tpu.dma_semaphore, #tpu.memory_space<semaphore_mem>>) src(%dma_wait3A_158 : memref<100000x128xf32, #tpu.memory_space<hbm>>) dst(%arg7 : memref<100x128xf32, #tpu.memory_space<vmem>>)
        %add3A_159 = arith.constant 1 : i32
        %add3A_160 = arith.addi %add3A_47, %add3A_159 : i32
        %broadcast_in_dim3A = arith.constant 0.000000e+00 : f32
        %broadcast_in_dim3A_161 = vector.broadcast %broadcast_in_dim3A : f32 to vector<16xf32>
        %broadcast_in_dim3A_162 = arith.constant 0.000000e+00 : f32
        %broadcast_in_dim3A_163 = vector.broadcast %broadcast_in_dim3A_162 : f32 to vector<16xf32>
        %broadcast_in_dim3A_164 = arith.constant 0.000000e+00 : f32
        %broadcast_in_dim3A_165 = vector.broadcast %broadcast_in_dim3A_164 : f32 to vector<16xf32>
        %broadcast_in_dim3A_166 = arith.constant 0.000000e+00 : f32
        %broadcast_in_dim3A_167 = vector.broadcast %broadcast_in_dim3A_166 : f32 to vector<16xf32>
        %broadcast_in_dim3A_168 = arith.constant 0.000000e+00 : f32
        %broadcast_in_dim3A_169 = vector.broadcast %broadcast_in_dim3A_168 : f32 to vector<16xf32>
        %broadcast_in_dim3A_170 = arith.constant 0.000000e+00 : f32
        %broadcast_in_dim3A_171 = vector.broadcast %broadcast_in_dim3A_170 : f32 to vector<16xf32>
        %broadcast_in_dim3A_172 = arith.constant 0.000000e+00 : f32
        %broadcast_in_dim3A_173 = vector.broadcast %broadcast_in_dim3A_172 : f32 to vector<16xf32>
        %broadcast_in_dim3A_174 = arith.constant 0.000000e+00 : f32
        %broadcast_in_dim3A_175 = vector.broadcast %broadcast_in_dim3A_174 : f32 to vector<16xf32>
        %scan3A_176 = arith.constant 0 : i32
        %scan3A_177 = arith.constant 50 : i32
        %scan3A_178 = arith.addi %scan3A_176, %scan3A_177 : i32
        %scan3A_179 = arith.constant 1 : i32
        %scan3A_180:8 = scf.for %scan3A_395 = %scan3A_176 to %scan3A_178 step %scan3A_179 iter_args(%scan3A_396 = %broadcast_in_dim3A_161, %scan3A_397 = %broadcast_in_dim3A_163, %scan3A_398 = %broadcast_in_dim3A_165, %scan3A_399 = %broadcast_in_dim3A_167, %scan3A_400 = %broadcast_in_dim3A_169, %scan3A_401 = %broadcast_in_dim3A_171, %scan3A_402 = %broadcast_in_dim3A_173, %scan3A_403 = %broadcast_in_dim3A_175) -> (vector<16xf32>, vector<16xf32>, vector<16xf32>, vector<16xf32>, vector<16xf32>, vector<16xf32>, vector<16xf32>, vector<16xf32>)  : i32 {
          %add3A_404 = arith.constant 0 : i32
          %add3A_405 = arith.addi %add3A_404, %scan3A_395 : i32
          %get3A = arith.index_cast %add3A_405 : i32 to index
          %get3A_406 = arith.constant 0 : index
          %get3A_407 = tpu.vector_load %arg7[%get3A, %get3A_406] {strides = array<i32>} : memref<100x128xf32, #tpu.memory_space<vmem>>, vector<1x16xf32>,
          %get3A_408 = vector.shape_cast %get3A_407 : vector<1x16xf32> to vector<16xf32>
          %add3A_409 = arith.addf %scan3A_396, %get3A_408 : vector<16xf32>
          %get3A_410 = arith.index_cast %add3A_405 : i32 to index
          %get3A_411 = arith.constant 16 : index
          %get3A_412 = tpu.vector_load %arg7[%get3A_410, %get3A_411] {strides = array<i32>} : memref<100x128xf32, #tpu.memory_space<vmem>>, vector<1x16xf32>,
          %get3A_413 = vector.shape_cast %get3A_412 : vector<1x16xf32> to vector<16xf32>
          %add3A_414 = arith.addf %scan3A_397, %get3A_413 : vector<16xf32>
          %get3A_415 = arith.index_cast %add3A_405 : i32 to index
          %get3A_416 = arith.constant 32 : index
          %get3A_417 = tpu.vector_load %arg7[%get3A_415, %get3A_416] {strides = array<i32>} : memref<100x128xf32, #tpu.memory_space<vmem>>, vector<1x16xf32>,
          %get3A_418 = vector.shape_cast %get3A_417 : vector<1x16xf32> to vector<16xf32>
          %add3A_419 = arith.addf %scan3A_398, %get3A_418 : vector<16xf32>
          %get3A_420 = arith.index_cast %add3A_405 : i32 to index
          %get3A_421 = arith.constant 48 : index
          %get3A_422 = tpu.vector_load %arg7[%get3A_420, %get3A_421] {strides = array<i32>} : memref<100x128xf32, #tpu.memory_space<vmem>>, vector<1x16xf32>,
          %get3A_423 = vector.shape_cast %get3A_422 : vector<1x16xf32> to vector<16xf32>
          %add3A_424 = arith.addf %scan3A_399, %get3A_423 : vector<16xf32>
          %get3A_425 = arith.index_cast %add3A_405 : i32 to index
          %get3A_426 = arith.constant 64 : index
          %get3A_427 = tpu.vector_load %arg7[%get3A_425, %get3A_426] {strides = array<i32>} : memref<100x128xf32, #tpu.memory_space<vmem>>, vector<1x16xf32>,
          %get3A_428 = vector.shape_cast %get3A_427 : vector<1x16xf32> to vector<16xf32>
          %add3A_429 = arith.addf %scan3A_400, %get3A_428 : vector<16xf32>
          %get3A_430 = arith.index_cast %add3A_405 : i32 to index
          %get3A_431 = arith.constant 80 : index
          %get3A_432 = tpu.vector_load %arg7[%get3A_430, %get3A_431] {strides = array<i32>} : memref<100x128xf32, #tpu.memory_space<vmem>>, vector<1x16xf32>,
          %get3A_433 = vector.shape_cast %get3A_432 : vector<1x16xf32> to vector<16xf32>
          %add3A_434 = arith.addf %scan3A_401, %get3A_433 : vector<16xf32>
          %get3A_435 = arith.index_cast %add3A_405 : i32 to index
          %get3A_436 = arith.constant 96 : index
          %get3A_437 = tpu.vector_load %arg7[%get3A_435, %get3A_436] {strides = array<i32>} : memref<100x128xf32, #tpu.memory_space<vmem>>, vector<1x16xf32>,
          %get3A_438 = vector.shape_cast %get3A_437 : vector<1x16xf32> to vector<16xf32>
          %add3A_439 = arith.addf %scan3A_402, %get3A_438 : vector<16xf32>
          %get3A_440 = arith.index_cast %add3A_405 : i32 to index
          %get3A_441 = arith.constant 112 : index
          %get3A_442 = tpu.vector_load %arg7[%get3A_440, %get3A_441] {strides = array<i32>} : memref<100x128xf32, #tpu.memory_space<vmem>>, vector<1x16xf32>,
          %get3A_443 = vector.shape_cast %get3A_442 : vector<1x16xf32> to vector<16xf32>
          %add3A_444 = arith.addf %scan3A_403, %get3A_443 : vector<16xf32>
          scf.yield %add3A_409, %add3A_414, %add3A_419, %add3A_424, %add3A_429, %add3A_434, %add3A_439, %add3A_444 : vector<16xf32>, vector<16xf32>, vector<16xf32>, vector<16xf32>, vector<16xf32>, vector<16xf32>, vector<16xf32>, vector<16xf32>
        }
        %scan3A_181 = arith.constant 50 : i32
        %mul3A_182 = arith.constant 2.000000e-02 : f32
        %mul3A_183 = vector.broadcast %mul3A_182 : f32 to vector<16xf32>
        %mul3A_184 = arith.mulf %scan3A_180#0, %mul3A_183 : vector<16xf32>
        %mul3A_185 = arith.constant 2 : i32
        %mul3A_186 = arith.muli %add3A_160, %mul3A_185 : i32
        %add3A_187 = arith.constant 0 : i32
        %add3A_188 = arith.addi %mul3A_186, %add3A_187 : i32
        %swap3A = arith.index_cast %add3A_188 : i32 to index
        %swap3A_189 = arith.constant 0 : index
        %swap3A_190 = tpu.vector_load %arg18[%swap3A, %swap3A_189] {strides = array<i32>} : memref<128x128xf32, #tpu.memory_space<vmem>>, vector<1x16xf32>,
        %swap3A_191 = vector.shape_cast %swap3A_190 : vector<1x16xf32> to vector<16xf32>
        %swap3A_192 = vector.shape_cast %mul3A_184 : vector<16xf32> to vector<1x16xf32>
        tpu.vector_store %arg18[%swap3A, %swap3A_189], %swap3A_192 {strides = array<i32>} : memref<128x128xf32, #tpu.memory_space<vmem>>, vector<1x16xf32>,
        %mul3A_193 = arith.constant 2.000000e-02 : f32
        %mul3A_194 = vector.broadcast %mul3A_193 : f32 to vector<16xf32>
        %mul3A_195 = arith.mulf %scan3A_180#1, %mul3A_194 : vector<16xf32>
        %mul3A_196 = arith.constant 2 : i32
        %mul3A_197 = arith.muli %add3A_160, %mul3A_196 : i32
        %add3A_198 = arith.constant 0 : i32
        %add3A_199 = arith.addi %mul3A_197, %add3A_198 : i32
        %swap3A_200 = arith.index_cast %add3A_199 : i32 to index
        %swap3A_201 = arith.constant 16 : index
        %swap3A_202 = tpu.vector_load %arg18[%swap3A_200, %swap3A_201] {strides = array<i32>} : memref<128x128xf32, #tpu.memory_space<vmem>>, vector<1x16xf32>,
        %swap3A_203 = vector.shape_cast %swap3A_202 : vector<1x16xf32> to vector<16xf32>
        %swap3A_204 = vector.shape_cast %mul3A_195 : vector<16xf32> to vector<1x16xf32>
        tpu.vector_store %arg18[%swap3A_200, %swap3A_201], %swap3A_204 {strides = array<i32>} : memref<128x128xf32, #tpu.memory_space<vmem>>, vector<1x16xf32>,
        %mul3A_205 = arith.constant 2.000000e-02 : f32
        %mul3A_206 = vector.broadcast %mul3A_205 : f32 to vector<16xf32>
        %mul3A_207 = arith.mulf %scan3A_180#2, %mul3A_206 : vector<16xf32>
        %mul3A_208 = arith.constant 2 : i32
        %mul3A_209 = arith.muli %add3A_160, %mul3A_208 : i32
        %add3A_210 = arith.constant 0 : i32
        %add3A_211 = arith.addi %mul3A_209, %add3A_210 : i32
        %swap3A_212 = arith.index_cast %add3A_211 : i32 to index
        %swap3A_213 = arith.constant 32 : index
        %swap3A_214 = tpu.vector_load %arg18[%swap3A_212, %swap3A_213] {strides = array<i32>} : memref<128x128xf32, #tpu.memory_space<vmem>>, vector<1x16xf32>,
        %swap3A_215 = vector.shape_cast %swap3A_214 : vector<1x16xf32> to vector<16xf32>
        %swap3A_216 = vector.shape_cast %mul3A_207 : vector<16xf32> to vector<1x16xf32>
        tpu.vector_store %arg18[%swap3A_212, %swap3A_213], %swap3A_216 {strides = array<i32>} : memref<128x128xf32, #tpu.memory_space<vmem>>, vector<1x16xf32>,
        %mul3A_217 = arith.constant 2.000000e-02 : f32
        %mul3A_218 = vector.broadcast %mul3A_217 : f32 to vector<16xf32>
        %mul3A_219 = arith.mulf %scan3A_180#3, %mul3A_218 : vector<16xf32>
        %mul3A_220 = arith.constant 2 : i32
        %mul3A_221 = arith.muli %add3A_160, %mul3A_220 : i32
        %add3A_222 = arith.constant 0 : i32
        %add3A_223 = arith.addi %mul3A_221, %add3A_222 : i32
        %swap3A_224 = arith.index_cast %add3A_223 : i32 to index
        %swap3A_225 = arith.constant 48 : index
        %swap3A_226 = tpu.vector_load %arg18[%swap3A_224, %swap3A_225] {strides = array<i32>} : memref<128x128xf32, #tpu.memory_space<vmem>>, vector<1x16xf32>,
        %swap3A_227 = vector.shape_cast %swap3A_226 : vector<1x16xf32> to vector<16xf32>
        %swap3A_228 = vector.shape_cast %mul3A_219 : vector<16xf32> to vector<1x16xf32>
        tpu.vector_store %arg18[%swap3A_224, %swap3A_225], %swap3A_228 {strides = array<i32>} : memref<128x128xf32, #tpu.memory_space<vmem>>, vector<1x16xf32>,
        %mul3A_229 = arith.constant 2.000000e-02 : f32
        %mul3A_230 = vector.broadcast %mul3A_229 : f32 to vector<16xf32>
        %mul3A_231 = arith.mulf %scan3A_180#4, %mul3A_230 : vector<16xf32>
        %mul3A_232 = arith.constant 2 : i32
        %mul3A_233 = arith.muli %add3A_160, %mul3A_232 : i32
        %add3A_234 = arith.constant 0 : i32
        %add3A_235 = arith.addi %mul3A_233, %add3A_234 : i32
        %swap3A_236 = arith.index_cast %add3A_235 : i32 to index
        %swap3A_237 = arith.constant 64 : index
        %swap3A_238 = tpu.vector_load %arg18[%swap3A_236, %swap3A_237] {strides = array<i32>} : memref<128x128xf32, #tpu.memory_space<vmem>>, vector<1x16xf32>,
        %swap3A_239 = vector.shape_cast %swap3A_238 : vector<1x16xf32> to vector<16xf32>
        %swap3A_240 = vector.shape_cast %mul3A_231 : vector<16xf32> to vector<1x16xf32>
        tpu.vector_store %arg18[%swap3A_236, %swap3A_237], %swap3A_240 {strides = array<i32>} : memref<128x128xf32, #tpu.memory_space<vmem>>, vector<1x16xf32>,
        %mul3A_241 = arith.constant 2.000000e-02 : f32
        %mul3A_242 = vector.broadcast %mul3A_241 : f32 to vector<16xf32>
        %mul3A_243 = arith.mulf %scan3A_180#5, %mul3A_242 : vector<16xf32>
        %mul3A_244 = arith.constant 2 : i32
        %mul3A_245 = arith.muli %add3A_160, %mul3A_244 : i32
        %add3A_246 = arith.constant 0 : i32
        %add3A_247 = arith.addi %mul3A_245, %add3A_246 : i32
        %swap3A_248 = arith.index_cast %add3A_247 : i32 to index
        %swap3A_249 = arith.constant 80 : index
        %swap3A_250 = tpu.vector_load %arg18[%swap3A_248, %swap3A_249] {strides = array<i32>} : memref<128x128xf32, #tpu.memory_space<vmem>>, vector<1x16xf32>,
        %swap3A_251 = vector.shape_cast %swap3A_250 : vector<1x16xf32> to vector<16xf32>
        %swap3A_252 = vector.shape_cast %mul3A_243 : vector<16xf32> to vector<1x16xf32>
        tpu.vector_store %arg18[%swap3A_248, %swap3A_249], %swap3A_252 {strides = array<i32>} : memref<128x128xf32, #tpu.memory_space<vmem>>, vector<1x16xf32>,
        %mul3A_253 = arith.constant 2.000000e-02 : f32
        %mul3A_254 = vector.broadcast %mul3A_253 : f32 to vector<16xf32>
        %mul3A_255 = arith.mulf %scan3A_180#6, %mul3A_254 : vector<16xf32>
        %mul3A_256 = arith.constant 2 : i32
        %mul3A_257 = arith.muli %add3A_160, %mul3A_256 : i32
        %add3A_258 = arith.constant 0 : i32
        %add3A_259 = arith.addi %mul3A_257, %add3A_258 : i32
        %swap3A_260 = arith.index_cast %add3A_259 : i32 to index
        %swap3A_261 = arith.constant 96 : index
        %swap3A_262 = tpu.vector_load %arg18[%swap3A_260, %swap3A_261] {strides = array<i32>} : memref<128x128xf32, #tpu.memory_space<vmem>>, vector<1x16xf32>,
        %swap3A_263 = vector.shape_cast %swap3A_262 : vector<1x16xf32> to vector<16xf32>
        %swap3A_264 = vector.shape_cast %mul3A_255 : vector<16xf32> to vector<1x16xf32>
        tpu.vector_store %arg18[%swap3A_260, %swap3A_261], %swap3A_264 {strides = array<i32>} : memref<128x128xf32, #tpu.memory_space<vmem>>, vector<1x16xf32>,
        %mul3A_265 = arith.constant 2.000000e-02 : f32
        %mul3A_266 = vector.broadcast %mul3A_265 : f32 to vector<16xf32>
        %mul3A_267 = arith.mulf %scan3A_180#7, %mul3A_266 : vector<16xf32>
        %mul3A_268 = arith.constant 2 : i32
        %mul3A_269 = arith.muli %add3A_160, %mul3A_268 : i32
        %add3A_270 = arith.constant 0 : i32
        %add3A_271 = arith.addi %mul3A_269, %add3A_270 : i32
        %swap3A_272 = arith.index_cast %add3A_271 : i32 to index
        %swap3A_273 = arith.constant 112 : index
        %swap3A_274 = tpu.vector_load %arg18[%swap3A_272, %swap3A_273] {strides = array<i32>} : memref<128x128xf32, #tpu.memory_space<vmem>>, vector<1x16xf32>,
        %swap3A_275 = vector.shape_cast %swap3A_274 : vector<1x16xf32> to vector<16xf32>
        %swap3A_276 = vector.shape_cast %mul3A_267 : vector<16xf32> to vector<1x16xf32>
        tpu.vector_store %arg18[%swap3A_272, %swap3A_273], %swap3A_276 {strides = array<i32>} : memref<128x128xf32, #tpu.memory_space<vmem>>, vector<1x16xf32>,
        %broadcast_in_dim3A_277 = arith.constant 0.000000e+00 : f32
        %broadcast_in_dim3A_278 = vector.broadcast %broadcast_in_dim3A_277 : f32 to vector<16xf32>
        %broadcast_in_dim3A_279 = arith.constant 0.000000e+00 : f32
        %broadcast_in_dim3A_280 = vector.broadcast %broadcast_in_dim3A_279 : f32 to vector<16xf32>
        %broadcast_in_dim3A_281 = arith.constant 0.000000e+00 : f32
        %broadcast_in_dim3A_282 = vector.broadcast %broadcast_in_dim3A_281 : f32 to vector<16xf32>
        %broadcast_in_dim3A_283 = arith.constant 0.000000e+00 : f32
        %broadcast_in_dim3A_284 = vector.broadcast %broadcast_in_dim3A_283 : f32 to vector<16xf32>
        %broadcast_in_dim3A_285 = arith.constant 0.000000e+00 : f32
        %broadcast_in_dim3A_286 = vector.broadcast %broadcast_in_dim3A_285 : f32 to vector<16xf32>
        %broadcast_in_dim3A_287 = arith.constant 0.000000e+00 : f32
        %broadcast_in_dim3A_288 = vector.broadcast %broadcast_in_dim3A_287 : f32 to vector<16xf32>
        %broadcast_in_dim3A_289 = arith.constant 0.000000e+00 : f32
        %broadcast_in_dim3A_290 = vector.broadcast %broadcast_in_dim3A_289 : f32 to vector<16xf32>
        %broadcast_in_dim3A_291 = arith.constant 0.000000e+00 : f32
        %broadcast_in_dim3A_292 = vector.broadcast %broadcast_in_dim3A_291 : f32 to vector<16xf32>
        %scan3A_293 = arith.constant 0 : i32
        %scan3A_294 = arith.constant 50 : i32
        %scan3A_295 = arith.addi %scan3A_293, %scan3A_294 : i32
        %scan3A_296 = arith.constant 1 : i32
        %scan3A_297:8 = scf.for %scan3A_395 = %scan3A_293 to %scan3A_295 step %scan3A_296 iter_args(%scan3A_396 = %broadcast_in_dim3A_278, %scan3A_397 = %broadcast_in_dim3A_280, %scan3A_398 = %broadcast_in_dim3A_282, %scan3A_399 = %broadcast_in_dim3A_284, %scan3A_400 = %broadcast_in_dim3A_286, %scan3A_401 = %broadcast_in_dim3A_288, %scan3A_402 = %broadcast_in_dim3A_290, %scan3A_403 = %broadcast_in_dim3A_292) -> (vector<16xf32>, vector<16xf32>, vector<16xf32>, vector<16xf32>, vector<16xf32>, vector<16xf32>, vector<16xf32>, vector<16xf32>)  : i32 {
          %add3A_404 = arith.constant 50 : i32
          %add3A_405 = arith.addi %add3A_404, %scan3A_395 : i32
          %get3A = arith.index_cast %add3A_405 : i32 to index
          %get3A_406 = arith.constant 0 : index
          %get3A_407 = tpu.vector_load %arg7[%get3A, %get3A_406] {strides = array<i32>} : memref<100x128xf32, #tpu.memory_space<vmem>>, vector<1x16xf32>,
          %get3A_408 = vector.shape_cast %get3A_407 : vector<1x16xf32> to vector<16xf32>
          %add3A_409 = arith.addf %scan3A_396, %get3A_408 : vector<16xf32>
          %get3A_410 = arith.index_cast %add3A_405 : i32 to index
          %get3A_411 = arith.constant 16 : index
          %get3A_412 = tpu.vector_load %arg7[%get3A_410, %get3A_411] {strides = array<i32>} : memref<100x128xf32, #tpu.memory_space<vmem>>, vector<1x16xf32>,
          %get3A_413 = vector.shape_cast %get3A_412 : vector<1x16xf32> to vector<16xf32>
          %add3A_414 = arith.addf %scan3A_397, %get3A_413 : vector<16xf32>
          %get3A_415 = arith.index_cast %add3A_405 : i32 to index
          %get3A_416 = arith.constant 32 : index
          %get3A_417 = tpu.vector_load %arg7[%get3A_415, %get3A_416] {strides = array<i32>} : memref<100x128xf32, #tpu.memory_space<vmem>>, vector<1x16xf32>,
          %get3A_418 = vector.shape_cast %get3A_417 : vector<1x16xf32> to vector<16xf32>
          %add3A_419 = arith.addf %scan3A_398, %get3A_418 : vector<16xf32>
          %get3A_420 = arith.index_cast %add3A_405 : i32 to index
          %get3A_421 = arith.constant 48 : index
          %get3A_422 = tpu.vector_load %arg7[%get3A_420, %get3A_421] {strides = array<i32>} : memref<100x128xf32, #tpu.memory_space<vmem>>, vector<1x16xf32>,
          %get3A_423 = vector.shape_cast %get3A_422 : vector<1x16xf32> to vector<16xf32>
          %add3A_424 = arith.addf %scan3A_399, %get3A_423 : vector<16xf32>
          %get3A_425 = arith.index_cast %add3A_405 : i32 to index
          %get3A_426 = arith.constant 64 : index
          %get3A_427 = tpu.vector_load %arg7[%get3A_425, %get3A_426] {strides = array<i32>} : memref<100x128xf32, #tpu.memory_space<vmem>>, vector<1x16xf32>,
          %get3A_428 = vector.shape_cast %get3A_427 : vector<1x16xf32> to vector<16xf32>
          %add3A_429 = arith.addf %scan3A_400, %get3A_428 : vector<16xf32>
          %get3A_430 = arith.index_cast %add3A_405 : i32 to index
          %get3A_431 = arith.constant 80 : index
          %get3A_432 = tpu.vector_load %arg7[%get3A_430, %get3A_431] {strides = array<i32>} : memref<100x128xf32, #tpu.memory_space<vmem>>, vector<1x16xf32>,
          %get3A_433 = vector.shape_cast %get3A_432 : vector<1x16xf32> to vector<16xf32>
          %add3A_434 = arith.addf %scan3A_401, %get3A_433 : vector<16xf32>
          %get3A_435 = arith.index_cast %add3A_405 : i32 to index
          %get3A_436 = arith.constant 96 : index
          %get3A_437 = tpu.vector_load %arg7[%get3A_435, %get3A_436] {strides = array<i32>} : memref<100x128xf32, #tpu.memory_space<vmem>>, vector<1x16xf32>,
          %get3A_438 = vector.shape_cast %get3A_437 : vector<1x16xf32> to vector<16xf32>
          %add3A_439 = arith.addf %scan3A_402, %get3A_438 : vector<16xf32>
          %get3A_440 = arith.index_cast %add3A_405 : i32 to index
          %get3A_441 = arith.constant 112 : index
          %get3A_442 = tpu.vector_load %arg7[%get3A_440, %get3A_441] {strides = array<i32>} : memref<100x128xf32, #tpu.memory_space<vmem>>, vector<1x16xf32>,
          %get3A_443 = vector.shape_cast %get3A_442 : vector<1x16xf32> to vector<16xf32>
          %add3A_444 = arith.addf %scan3A_403, %get3A_443 : vector<16xf32>
          scf.yield %add3A_409, %add3A_414, %add3A_419, %add3A_424, %add3A_429, %add3A_434, %add3A_439, %add3A_444 : vector<16xf32>, vector<16xf32>, vector<16xf32>, vector<16xf32>, vector<16xf32>, vector<16xf32>, vector<16xf32>, vector<16xf32>
        }
        %scan3A_298 = arith.constant 50 : i32
        %mul3A_299 = arith.constant 2.000000e-02 : f32
        %mul3A_300 = vector.broadcast %mul3A_299 : f32 to vector<16xf32>
        %mul3A_301 = arith.mulf %scan3A_297#0, %mul3A_300 : vector<16xf32>
        %mul3A_302 = arith.constant 2 : i32
        %mul3A_303 = arith.muli %add3A_160, %mul3A_302 : i32
        %add3A_304 = arith.constant 1 : i32
        %add3A_305 = arith.addi %mul3A_303, %add3A_304 : i32
        %swap3A_306 = arith.index_cast %add3A_305 : i32 to index
        %swap3A_307 = arith.constant 0 : index
        %swap3A_308 = tpu.vector_load %arg18[%swap3A_306, %swap3A_307] {strides = array<i32>} : memref<128x128xf32, #tpu.memory_space<vmem>>, vector<1x16xf32>,
        %swap3A_309 = vector.shape_cast %swap3A_308 : vector<1x16xf32> to vector<16xf32>
        %swap3A_310 = vector.shape_cast %mul3A_301 : vector<16xf32> to vector<1x16xf32>
        tpu.vector_store %arg18[%swap3A_306, %swap3A_307], %swap3A_310 {strides = array<i32>} : memref<128x128xf32, #tpu.memory_space<vmem>>, vector<1x16xf32>,
        %mul3A_311 = arith.constant 2.000000e-02 : f32
        %mul3A_312 = vector.broadcast %mul3A_311 : f32 to vector<16xf32>
        %mul3A_313 = arith.mulf %scan3A_297#1, %mul3A_312 : vector<16xf32>
        %mul3A_314 = arith.constant 2 : i32
        %mul3A_315 = arith.muli %add3A_160, %mul3A_314 : i32
        %add3A_316 = arith.constant 1 : i32
        %add3A_317 = arith.addi %mul3A_315, %add3A_316 : i32
        %swap3A_318 = arith.index_cast %add3A_317 : i32 to index
        %swap3A_319 = arith.constant 16 : index
        %swap3A_320 = tpu.vector_load %arg18[%swap3A_318, %swap3A_319] {strides = array<i32>} : memref<128x128xf32, #tpu.memory_space<vmem>>, vector<1x16xf32>,
        %swap3A_321 = vector.shape_cast %swap3A_320 : vector<1x16xf32> to vector<16xf32>
        %swap3A_322 = vector.shape_cast %mul3A_313 : vector<16xf32> to vector<1x16xf32>
        tpu.vector_store %arg18[%swap3A_318, %swap3A_319], %swap3A_322 {strides = array<i32>} : memref<128x128xf32, #tpu.memory_space<vmem>>, vector<1x16xf32>,
        %mul3A_323 = arith.constant 2.000000e-02 : f32
        %mul3A_324 = vector.broadcast %mul3A_323 : f32 to vector<16xf32>
        %mul3A_325 = arith.mulf %scan3A_297#2, %mul3A_324 : vector<16xf32>
        %mul3A_326 = arith.constant 2 : i32
        %mul3A_327 = arith.muli %add3A_160, %mul3A_326 : i32
        %add3A_328 = arith.constant 1 : i32
        %add3A_329 = arith.addi %mul3A_327, %add3A_328 : i32
        %swap3A_330 = arith.index_cast %add3A_329 : i32 to index
        %swap3A_331 = arith.constant 32 : index
        %swap3A_332 = tpu.vector_load %arg18[%swap3A_330, %swap3A_331] {strides = array<i32>} : memref<128x128xf32, #tpu.memory_space<vmem>>, vector<1x16xf32>,
        %swap3A_333 = vector.shape_cast %swap3A_332 : vector<1x16xf32> to vector<16xf32>
        %swap3A_334 = vector.shape_cast %mul3A_325 : vector<16xf32> to vector<1x16xf32>
        tpu.vector_store %arg18[%swap3A_330, %swap3A_331], %swap3A_334 {strides = array<i32>} : memref<128x128xf32, #tpu.memory_space<vmem>>, vector<1x16xf32>,
        %mul3A_335 = arith.constant 2.000000e-02 : f32
        %mul3A_336 = vector.broadcast %mul3A_335 : f32 to vector<16xf32>
        %mul3A_337 = arith.mulf %scan3A_297#3, %mul3A_336 : vector<16xf32>
        %mul3A_338 = arith.constant 2 : i32
        %mul3A_339 = arith.muli %add3A_160, %mul3A_338 : i32
        %add3A_340 = arith.constant 1 : i32
        %add3A_341 = arith.addi %mul3A_339, %add3A_340 : i32
        %swap3A_342 = arith.index_cast %add3A_341 : i32 to index
        %swap3A_343 = arith.constant 48 : index
        %swap3A_344 = tpu.vector_load %arg18[%swap3A_342, %swap3A_343] {strides = array<i32>} : memref<128x128xf32, #tpu.memory_space<vmem>>, vector<1x16xf32>,
        %swap3A_345 = vector.shape_cast %swap3A_344 : vector<1x16xf32> to vector<16xf32>
        %swap3A_346 = vector.shape_cast %mul3A_337 : vector<16xf32> to vector<1x16xf32>
        tpu.vector_store %arg18[%swap3A_342, %swap3A_343], %swap3A_346 {strides = array<i32>} : memref<128x128xf32, #tpu.memory_space<vmem>>, vector<1x16xf32>,
        %mul3A_347 = arith.constant 2.000000e-02 : f32
        %mul3A_348 = vector.broadcast %mul3A_347 : f32 to vector<16xf32>
        %mul3A_349 = arith.mulf %scan3A_297#4, %mul3A_348 : vector<16xf32>
        %mul3A_350 = arith.constant 2 : i32
        %mul3A_351 = arith.muli %add3A_160, %mul3A_350 : i32
        %add3A_352 = arith.constant 1 : i32
        %add3A_353 = arith.addi %mul3A_351, %add3A_352 : i32
        %swap3A_354 = arith.index_cast %add3A_353 : i32 to index
        %swap3A_355 = arith.constant 64 : index
        %swap3A_356 = tpu.vector_load %arg18[%swap3A_354, %swap3A_355] {strides = array<i32>} : memref<128x128xf32, #tpu.memory_space<vmem>>, vector<1x16xf32>,
        %swap3A_357 = vector.shape_cast %swap3A_356 : vector<1x16xf32> to vector<16xf32>
        %swap3A_358 = vector.shape_cast %mul3A_349 : vector<16xf32> to vector<1x16xf32>
        tpu.vector_store %arg18[%swap3A_354, %swap3A_355], %swap3A_358 {strides = array<i32>} : memref<128x128xf32, #tpu.memory_space<vmem>>, vector<1x16xf32>,
        %mul3A_359 = arith.constant 2.000000e-02 : f32
        %mul3A_360 = vector.broadcast %mul3A_359 : f32 to vector<16xf32>
        %mul3A_361 = arith.mulf %scan3A_297#5, %mul3A_360 : vector<16xf32>
        %mul3A_362 = arith.constant 2 : i32
        %mul3A_363 = arith.muli %add3A_160, %mul3A_362 : i32
        %add3A_364 = arith.constant 1 : i32
        %add3A_365 = arith.addi %mul3A_363, %add3A_364 : i32
        %swap3A_366 = arith.index_cast %add3A_365 : i32 to index
        %swap3A_367 = arith.constant 80 : index
        %swap3A_368 = tpu.vector_load %arg18[%swap3A_366, %swap3A_367] {strides = array<i32>} : memref<128x128xf32, #tpu.memory_space<vmem>>, vector<1x16xf32>,
        %swap3A_369 = vector.shape_cast %swap3A_368 : vector<1x16xf32> to vector<16xf32>
        %swap3A_370 = vector.shape_cast %mul3A_361 : vector<16xf32> to vector<1x16xf32>
        tpu.vector_store %arg18[%swap3A_366, %swap3A_367], %swap3A_370 {strides = array<i32>} : memref<128x128xf32, #tpu.memory_space<vmem>>, vector<1x16xf32>,
        %mul3A_371 = arith.constant 2.000000e-02 : f32
        %mul3A_372 = vector.broadcast %mul3A_371 : f32 to vector<16xf32>
        %mul3A_373 = arith.mulf %scan3A_297#6, %mul3A_372 : vector<16xf32>
        %mul3A_374 = arith.constant 2 : i32
        %mul3A_375 = arith.muli %add3A_160, %mul3A_374 : i32
        %add3A_376 = arith.constant 1 : i32
        %add3A_377 = arith.addi %mul3A_375, %add3A_376 : i32
        %swap3A_378 = arith.index_cast %add3A_377 : i32 to index
        %swap3A_379 = arith.constant 96 : index
        %swap3A_380 = tpu.vector_load %arg18[%swap3A_378, %swap3A_379] {strides = array<i32>} : memref<128x128xf32, #tpu.memory_space<vmem>>, vector<1x16xf32>,
        %swap3A_381 = vector.shape_cast %swap3A_380 : vector<1x16xf32> to vector<16xf32>
        %swap3A_382 = vector.shape_cast %mul3A_373 : vector<16xf32> to vector<1x16xf32>
        tpu.vector_store %arg18[%swap3A_378, %swap3A_379], %swap3A_382 {strides = array<i32>} : memref<128x128xf32, #tpu.memory_space<vmem>>, vector<1x16xf32>,
        %mul3A_383 = arith.constant 2.000000e-02 : f32
        %mul3A_384 = vector.broadcast %mul3A_383 : f32 to vector<16xf32>
        %mul3A_385 = arith.mulf %scan3A_297#7, %mul3A_384 : vector<16xf32>
        %mul3A_386 = arith.constant 2 : i32
        %mul3A_387 = arith.muli %add3A_160, %mul3A_386 : i32
        %add3A_388 = arith.constant 1 : i32
        %add3A_389 = arith.addi %mul3A_387, %add3A_388 : i32
        %swap3A_390 = arith.index_cast %add3A_389 : i32 to index
        %swap3A_391 = arith.constant 112 : index
        %swap3A_392 = tpu.vector_load %arg18[%swap3A_390, %swap3A_391] {strides = array<i32>} : memref<128x128xf32, #tpu.memory_space<vmem>>, vector<1x16xf32>,
        %swap3A_393 = vector.shape_cast %swap3A_392 : vector<1x16xf32> to vector<16xf32>
        %swap3A_394 = vector.shape_cast %mul3A_385 : vector<16xf32> to vector<1x16xf32>
        tpu.vector_store %arg18[%swap3A_390, %swap3A_391], %swap3A_394 {strides = array<i32>} : memref<128x128xf32, #tpu.memory_space<vmem>>, vector<1x16xf32>,
      } else {
      }
      %add3A_80 = arith.constant 2 : i32
      %add3A_81 = arith.addi %add3A_47, %add3A_80 : i32
      %add3A_82 = arith.constant 6 : i32
      %add3A_83 = arith.addi %add3A_81, %add3A_82 : i32
      %sub3A_84 = arith.constant 1 : i32
      %sub3A_85 = arith.subi %add3A_83, %sub3A_84 : i32
      %lt3A_86 = arith.constant 64 : i32
      %lt3A_87 = arith.cmpi slt, %sub3A_85, %lt3A_86 : i32
      %convert_element_type3A_88 = arith.extui %lt3A_87 : i1 to i32
      %cond3A_89 = arith.constant 0 : i32
      %cond3A_90 = arith.cmpi ne, %convert_element_type3A_88, %cond3A_89 : i32
      scf.if %cond3A_90 {
        %dma_start3A_152 = arith.constant 0 : i32
        %dma_start3A_153 = tpu.memref_slice %arg5[%sub3A_85, %dma_start3A_152] : memref<64x100xi32, #tpu.memory_space<vmem>> -> memref<1x100xi32, #tpu.memory_space<vmem>>
        %dma_start3A_154 = tpu.memref_squeeze %dma_start3A_153 : memref<1x100xi32, #tpu.memory_space<vmem>> -> memref<100xi32, #tpu.memory_space<vmem>>
        %dma_start3A_155 = arith.constant 0 : i32
        %dma_start3A_156 = arith.constant 0 : i32
        %dma_start3A_157 = tpu.memref_slice %arg3[%dma_start3A_155, %dma_start3A_156] : memref<100000x128xf32, #tpu.memory_space<hbm>> -> memref<100000x128xf32, #tpu.memory_space<hbm>>
        tpu.enqueue_indirect_dma source(%dma_start3A_157 : memref<100000x128xf32, #tpu.memory_space<hbm>>) target(%arg7 : memref<100x128xf32, #tpu.memory_space<vmem>>) offsets(%dma_start3A_154 : memref<100xi32, #tpu.memory_space<vmem>>) semaphore(%arg13 : memref<!tpu.dma_semaphore, #tpu.memory_space<semaphore_mem>>)
      } else {
      }
      %add3A_91 = arith.constant 2 : i32
      %add3A_92 = arith.addi %add3A_47, %add3A_91 : i32
      %lt3A_93 = arith.constant 64 : i32
      %lt3A_94 = arith.cmpi slt, %add3A_92, %lt3A_93 : i32
      %convert_element_type3A_95 = arith.extui %lt3A_94 : i1 to i32
      %cond3A_96 = arith.constant 0 : i32
      %cond3A_97 = arith.cmpi ne, %convert_element_type3A_95, %cond3A_96 : i32
      scf.if %cond3A_97 {
        %add3A_152 = arith.constant 2 : i32
        %add3A_153 = arith.addi %add3A_47, %add3A_152 : i32
        %dma_wait3A = arith.constant 0 : i32
        %dma_wait3A_154 = tpu.memref_slice %arg5[%add3A_153, %dma_wait3A] : memref<64x100xi32, #tpu.memory_space<vmem>> -> memref<1x100xi32, #tpu.memory_space<vmem>>
        %dma_wait3A_155 = tpu.memref_squeeze %dma_wait3A_154 : memref<1x100xi32, #tpu.memory_space<vmem>> -> memref<100xi32, #tpu.memory_space<vmem>>
        %dma_wait3A_156 = arith.constant 0 : i32
        %dma_wait3A_157 = arith.constant 0 : i32
        %dma_wait3A_158 = tpu.memref_slice %arg3[%dma_wait3A_156, %dma_wait3A_157] : memref<100000x128xf32, #tpu.memory_space<hbm>> -> memref<100000x128xf32, #tpu.memory_space<hbm>>
        tpu.wait_indirect_dma semaphore(%arg14 : memref<!tpu.dma_semaphore, #tpu.memory_space<semaphore_mem>>) src(%dma_wait3A_158 : memref<100000x128xf32, #tpu.memory_space<hbm>>) dst(%arg8 : memref<100x128xf32, #tpu.memory_space<vmem>>)
        %add3A_159 = arith.constant 2 : i32
        %add3A_160 = arith.addi %add3A_47, %add3A_159 : i32
        %broadcast_in_dim3A = arith.constant 0.000000e+00 : f32
        %broadcast_in_dim3A_161 = vector.broadcast %broadcast_in_dim3A : f32 to vector<16xf32>
        %broadcast_in_dim3A_162 = arith.constant 0.000000e+00 : f32
        %broadcast_in_dim3A_163 = vector.broadcast %broadcast_in_dim3A_162 : f32 to vector<16xf32>
        %broadcast_in_dim3A_164 = arith.constant 0.000000e+00 : f32
        %broadcast_in_dim3A_165 = vector.broadcast %broadcast_in_dim3A_164 : f32 to vector<16xf32>
        %broadcast_in_dim3A_166 = arith.constant 0.000000e+00 : f32
        %broadcast_in_dim3A_167 = vector.broadcast %broadcast_in_dim3A_166 : f32 to vector<16xf32>
        %broadcast_in_dim3A_168 = arith.constant 0.000000e+00 : f32
        %broadcast_in_dim3A_169 = vector.broadcast %broadcast_in_dim3A_168 : f32 to vector<16xf32>
        %broadcast_in_dim3A_170 = arith.constant 0.000000e+00 : f32
        %broadcast_in_dim3A_171 = vector.broadcast %broadcast_in_dim3A_170 : f32 to vector<16xf32>
        %broadcast_in_dim3A_172 = arith.constant 0.000000e+00 : f32
        %broadcast_in_dim3A_173 = vector.broadcast %broadcast_in_dim3A_172 : f32 to vector<16xf32>
        %broadcast_in_dim3A_174 = arith.constant 0.000000e+00 : f32
        %broadcast_in_dim3A_175 = vector.broadcast %broadcast_in_dim3A_174 : f32 to vector<16xf32>
        %scan3A_176 = arith.constant 0 : i32
        %scan3A_177 = arith.constant 50 : i32
        %scan3A_178 = arith.addi %scan3A_176, %scan3A_177 : i32
        %scan3A_179 = arith.constant 1 : i32
        %scan3A_180:8 = scf.for %scan3A_395 = %scan3A_176 to %scan3A_178 step %scan3A_179 iter_args(%scan3A_396 = %broadcast_in_dim3A_161, %scan3A_397 = %broadcast_in_dim3A_163, %scan3A_398 = %broadcast_in_dim3A_165, %scan3A_399 = %broadcast_in_dim3A_167, %scan3A_400 = %broadcast_in_dim3A_169, %scan3A_401 = %broadcast_in_dim3A_171, %scan3A_402 = %broadcast_in_dim3A_173, %scan3A_403 = %broadcast_in_dim3A_175) -> (vector<16xf32>, vector<16xf32>, vector<16xf32>, vector<16xf32>, vector<16xf32>, vector<16xf32>, vector<16xf32>, vector<16xf32>)  : i32 {
          %add3A_404 = arith.constant 0 : i32
          %add3A_405 = arith.addi %add3A_404, %scan3A_395 : i32
          %get3A = arith.index_cast %add3A_405 : i32 to index
          %get3A_406 = arith.constant 0 : index
          %get3A_407 = tpu.vector_load %arg8[%get3A, %get3A_406] {strides = array<i32>} : memref<100x128xf32, #tpu.memory_space<vmem>>, vector<1x16xf32>,
          %get3A_408 = vector.shape_cast %get3A_407 : vector<1x16xf32> to vector<16xf32>
          %add3A_409 = arith.addf %scan3A_396, %get3A_408 : vector<16xf32>
          %get3A_410 = arith.index_cast %add3A_405 : i32 to index
          %get3A_411 = arith.constant 16 : index
          %get3A_412 = tpu.vector_load %arg8[%get3A_410, %get3A_411] {strides = array<i32>} : memref<100x128xf32, #tpu.memory_space<vmem>>, vector<1x16xf32>,
          %get3A_413 = vector.shape_cast %get3A_412 : vector<1x16xf32> to vector<16xf32>
          %add3A_414 = arith.addf %scan3A_397, %get3A_413 : vector<16xf32>
          %get3A_415 = arith.index_cast %add3A_405 : i32 to index
          %get3A_416 = arith.constant 32 : index
          %get3A_417 = tpu.vector_load %arg8[%get3A_415, %get3A_416] {strides = array<i32>} : memref<100x128xf32, #tpu.memory_space<vmem>>, vector<1x16xf32>,
          %get3A_418 = vector.shape_cast %get3A_417 : vector<1x16xf32> to vector<16xf32>
          %add3A_419 = arith.addf %scan3A_398, %get3A_418 : vector<16xf32>
          %get3A_420 = arith.index_cast %add3A_405 : i32 to index
          %get3A_421 = arith.constant 48 : index
          %get3A_422 = tpu.vector_load %arg8[%get3A_420, %get3A_421] {strides = array<i32>} : memref<100x128xf32, #tpu.memory_space<vmem>>, vector<1x16xf32>,
          %get3A_423 = vector.shape_cast %get3A_422 : vector<1x16xf32> to vector<16xf32>
          %add3A_424 = arith.addf %scan3A_399, %get3A_423 : vector<16xf32>
          %get3A_425 = arith.index_cast %add3A_405 : i32 to index
          %get3A_426 = arith.constant 64 : index
          %get3A_427 = tpu.vector_load %arg8[%get3A_425, %get3A_426] {strides = array<i32>} : memref<100x128xf32, #tpu.memory_space<vmem>>, vector<1x16xf32>,
          %get3A_428 = vector.shape_cast %get3A_427 : vector<1x16xf32> to vector<16xf32>
          %add3A_429 = arith.addf %scan3A_400, %get3A_428 : vector<16xf32>
          %get3A_430 = arith.index_cast %add3A_405 : i32 to index
          %get3A_431 = arith.constant 80 : index
          %get3A_432 = tpu.vector_load %arg8[%get3A_430, %get3A_431] {strides = array<i32>} : memref<100x128xf32, #tpu.memory_space<vmem>>, vector<1x16xf32>,
          %get3A_433 = vector.shape_cast %get3A_432 : vector<1x16xf32> to vector<16xf32>
          %add3A_434 = arith.addf %scan3A_401, %get3A_433 : vector<16xf32>
          %get3A_435 = arith.index_cast %add3A_405 : i32 to index
          %get3A_436 = arith.constant 96 : index
          %get3A_437 = tpu.vector_load %arg8[%get3A_435, %get3A_436] {strides = array<i32>} : memref<100x128xf32, #tpu.memory_space<vmem>>, vector<1x16xf32>,
          %get3A_438 = vector.shape_cast %get3A_437 : vector<1x16xf32> to vector<16xf32>
          %add3A_439 = arith.addf %scan3A_402, %get3A_438 : vector<16xf32>
          %get3A_440 = arith.index_cast %add3A_405 : i32 to index
          %get3A_441 = arith.constant 112 : index
          %get3A_442 = tpu.vector_load %arg8[%get3A_440, %get3A_441] {strides = array<i32>} : memref<100x128xf32, #tpu.memory_space<vmem>>, vector<1x16xf32>,
          %get3A_443 = vector.shape_cast %get3A_442 : vector<1x16xf32> to vector<16xf32>
          %add3A_444 = arith.addf %scan3A_403, %get3A_443 : vector<16xf32>
          scf.yield %add3A_409, %add3A_414, %add3A_419, %add3A_424, %add3A_429, %add3A_434, %add3A_439, %add3A_444 : vector<16xf32>, vector<16xf32>, vector<16xf32>, vector<16xf32>, vector<16xf32>, vector<16xf32>, vector<16xf32>, vector<16xf32>
        }
        %scan3A_181 = arith.constant 50 : i32
        %mul3A_182 = arith.constant 2.000000e-02 : f32
        %mul3A_183 = vector.broadcast %mul3A_182 : f32 to vector<16xf32>
        %mul3A_184 = arith.mulf %scan3A_180#0, %mul3A_183 : vector<16xf32>
        %mul3A_185 = arith.constant 2 : i32
        %mul3A_186 = arith.muli %add3A_160, %mul3A_185 : i32
        %add3A_187 = arith.constant 0 : i32
        %add3A_188 = arith.addi %mul3A_186, %add3A_187 : i32
        %swap3A = arith.index_cast %add3A_188 : i32 to index
        %swap3A_189 = arith.constant 0 : index
        %swap3A_190 = tpu.vector_load %arg18[%swap3A, %swap3A_189] {strides = array<i32>} : memref<128x128xf32, #tpu.memory_space<vmem>>, vector<1x16xf32>,
        %swap3A_191 = vector.shape_cast %swap3A_190 : vector<1x16xf32> to vector<16xf32>
        %swap3A_192 = vector.shape_cast %mul3A_184 : vector<16xf32> to vector<1x16xf32>
        tpu.vector_store %arg18[%swap3A, %swap3A_189], %swap3A_192 {strides = array<i32>} : memref<128x128xf32, #tpu.memory_space<vmem>>, vector<1x16xf32>,
        %mul3A_193 = arith.constant 2.000000e-02 : f32
        %mul3A_194 = vector.broadcast %mul3A_193 : f32 to vector<16xf32>
        %mul3A_195 = arith.mulf %scan3A_180#1, %mul3A_194 : vector<16xf32>
        %mul3A_196 = arith.constant 2 : i32
        %mul3A_197 = arith.muli %add3A_160, %mul3A_196 : i32
        %add3A_198 = arith.constant 0 : i32
        %add3A_199 = arith.addi %mul3A_197, %add3A_198 : i32
        %swap3A_200 = arith.index_cast %add3A_199 : i32 to index
        %swap3A_201 = arith.constant 16 : index
        %swap3A_202 = tpu.vector_load %arg18[%swap3A_200, %swap3A_201] {strides = array<i32>} : memref<128x128xf32, #tpu.memory_space<vmem>>, vector<1x16xf32>,
        %swap3A_203 = vector.shape_cast %swap3A_202 : vector<1x16xf32> to vector<16xf32>
        %swap3A_204 = vector.shape_cast %mul3A_195 : vector<16xf32> to vector<1x16xf32>
        tpu.vector_store %arg18[%swap3A_200, %swap3A_201], %swap3A_204 {strides = array<i32>} : memref<128x128xf32, #tpu.memory_space<vmem>>, vector<1x16xf32>,
        %mul3A_205 = arith.constant 2.000000e-02 : f32
        %mul3A_206 = vector.broadcast %mul3A_205 : f32 to vector<16xf32>
        %mul3A_207 = arith.mulf %scan3A_180#2, %mul3A_206 : vector<16xf32>
        %mul3A_208 = arith.constant 2 : i32
        %mul3A_209 = arith.muli %add3A_160, %mul3A_208 : i32
        %add3A_210 = arith.constant 0 : i32
        %add3A_211 = arith.addi %mul3A_209, %add3A_210 : i32
        %swap3A_212 = arith.index_cast %add3A_211 : i32 to index
        %swap3A_213 = arith.constant 32 : index
        %swap3A_214 = tpu.vector_load %arg18[%swap3A_212, %swap3A_213] {strides = array<i32>} : memref<128x128xf32, #tpu.memory_space<vmem>>, vector<1x16xf32>,
        %swap3A_215 = vector.shape_cast %swap3A_214 : vector<1x16xf32> to vector<16xf32>
        %swap3A_216 = vector.shape_cast %mul3A_207 : vector<16xf32> to vector<1x16xf32>
        tpu.vector_store %arg18[%swap3A_212, %swap3A_213], %swap3A_216 {strides = array<i32>} : memref<128x128xf32, #tpu.memory_space<vmem>>, vector<1x16xf32>,
        %mul3A_217 = arith.constant 2.000000e-02 : f32
        %mul3A_218 = vector.broadcast %mul3A_217 : f32 to vector<16xf32>
        %mul3A_219 = arith.mulf %scan3A_180#3, %mul3A_218 : vector<16xf32>
        %mul3A_220 = arith.constant 2 : i32
        %mul3A_221 = arith.muli %add3A_160, %mul3A_220 : i32
        %add3A_222 = arith.constant 0 : i32
        %add3A_223 = arith.addi %mul3A_221, %add3A_222 : i32
        %swap3A_224 = arith.index_cast %add3A_223 : i32 to index
        %swap3A_225 = arith.constant 48 : index
        %swap3A_226 = tpu.vector_load %arg18[%swap3A_224, %swap3A_225] {strides = array<i32>} : memref<128x128xf32, #tpu.memory_space<vmem>>, vector<1x16xf32>,
        %swap3A_227 = vector.shape_cast %swap3A_226 : vector<1x16xf32> to vector<16xf32>
        %swap3A_228 = vector.shape_cast %mul3A_219 : vector<16xf32> to vector<1x16xf32>
        tpu.vector_store %arg18[%swap3A_224, %swap3A_225], %swap3A_228 {strides = array<i32>} : memref<128x128xf32, #tpu.memory_space<vmem>>, vector<1x16xf32>,
        %mul3A_229 = arith.constant 2.000000e-02 : f32
        %mul3A_230 = vector.broadcast %mul3A_229 : f32 to vector<16xf32>
        %mul3A_231 = arith.mulf %scan3A_180#4, %mul3A_230 : vector<16xf32>
        %mul3A_232 = arith.constant 2 : i32
        %mul3A_233 = arith.muli %add3A_160, %mul3A_232 : i32
        %add3A_234 = arith.constant 0 : i32
        %add3A_235 = arith.addi %mul3A_233, %add3A_234 : i32
        %swap3A_236 = arith.index_cast %add3A_235 : i32 to index
        %swap3A_237 = arith.constant 64 : index
        %swap3A_238 = tpu.vector_load %arg18[%swap3A_236, %swap3A_237] {strides = array<i32>} : memref<128x128xf32, #tpu.memory_space<vmem>>, vector<1x16xf32>,
        %swap3A_239 = vector.shape_cast %swap3A_238 : vector<1x16xf32> to vector<16xf32>
        %swap3A_240 = vector.shape_cast %mul3A_231 : vector<16xf32> to vector<1x16xf32>
        tpu.vector_store %arg18[%swap3A_236, %swap3A_237], %swap3A_240 {strides = array<i32>} : memref<128x128xf32, #tpu.memory_space<vmem>>, vector<1x16xf32>,
        %mul3A_241 = arith.constant 2.000000e-02 : f32
        %mul3A_242 = vector.broadcast %mul3A_241 : f32 to vector<16xf32>
        %mul3A_243 = arith.mulf %scan3A_180#5, %mul3A_242 : vector<16xf32>
        %mul3A_244 = arith.constant 2 : i32
        %mul3A_245 = arith.muli %add3A_160, %mul3A_244 : i32
        %add3A_246 = arith.constant 0 : i32
        %add3A_247 = arith.addi %mul3A_245, %add3A_246 : i32
        %swap3A_248 = arith.index_cast %add3A_247 : i32 to index
        %swap3A_249 = arith.constant 80 : index
        %swap3A_250 = tpu.vector_load %arg18[%swap3A_248, %swap3A_249] {strides = array<i32>} : memref<128x128xf32, #tpu.memory_space<vmem>>, vector<1x16xf32>,
        %swap3A_251 = vector.shape_cast %swap3A_250 : vector<1x16xf32> to vector<16xf32>
        %swap3A_252 = vector.shape_cast %mul3A_243 : vector<16xf32> to vector<1x16xf32>
        tpu.vector_store %arg18[%swap3A_248, %swap3A_249], %swap3A_252 {strides = array<i32>} : memref<128x128xf32, #tpu.memory_space<vmem>>, vector<1x16xf32>,
        %mul3A_253 = arith.constant 2.000000e-02 : f32
        %mul3A_254 = vector.broadcast %mul3A_253 : f32 to vector<16xf32>
        %mul3A_255 = arith.mulf %scan3A_180#6, %mul3A_254 : vector<16xf32>
        %mul3A_256 = arith.constant 2 : i32
        %mul3A_257 = arith.muli %add3A_160, %mul3A_256 : i32
        %add3A_258 = arith.constant 0 : i32
        %add3A_259 = arith.addi %mul3A_257, %add3A_258 : i32
        %swap3A_260 = arith.index_cast %add3A_259 : i32 to index
        %swap3A_261 = arith.constant 96 : index
        %swap3A_262 = tpu.vector_load %arg18[%swap3A_260, %swap3A_261] {strides = array<i32>} : memref<128x128xf32, #tpu.memory_space<vmem>>, vector<1x16xf32>,
        %swap3A_263 = vector.shape_cast %swap3A_262 : vector<1x16xf32> to vector<16xf32>
        %swap3A_264 = vector.shape_cast %mul3A_255 : vector<16xf32> to vector<1x16xf32>
        tpu.vector_store %arg18[%swap3A_260, %swap3A_261], %swap3A_264 {strides = array<i32>} : memref<128x128xf32, #tpu.memory_space<vmem>>, vector<1x16xf32>,
        %mul3A_265 = arith.constant 2.000000e-02 : f32
        %mul3A_266 = vector.broadcast %mul3A_265 : f32 to vector<16xf32>
        %mul3A_267 = arith.mulf %scan3A_180#7, %mul3A_266 : vector<16xf32>
        %mul3A_268 = arith.constant 2 : i32
        %mul3A_269 = arith.muli %add3A_160, %mul3A_268 : i32
        %add3A_270 = arith.constant 0 : i32
        %add3A_271 = arith.addi %mul3A_269, %add3A_270 : i32
        %swap3A_272 = arith.index_cast %add3A_271 : i32 to index
        %swap3A_273 = arith.constant 112 : index
        %swap3A_274 = tpu.vector_load %arg18[%swap3A_272, %swap3A_273] {strides = array<i32>} : memref<128x128xf32, #tpu.memory_space<vmem>>, vector<1x16xf32>,
        %swap3A_275 = vector.shape_cast %swap3A_274 : vector<1x16xf32> to vector<16xf32>
        %swap3A_276 = vector.shape_cast %mul3A_267 : vector<16xf32> to vector<1x16xf32>
        tpu.vector_store %arg18[%swap3A_272, %swap3A_273], %swap3A_276 {strides = array<i32>} : memref<128x128xf32, #tpu.memory_space<vmem>>, vector<1x16xf32>,
        %broadcast_in_dim3A_277 = arith.constant 0.000000e+00 : f32
        %broadcast_in_dim3A_278 = vector.broadcast %broadcast_in_dim3A_277 : f32 to vector<16xf32>
        %broadcast_in_dim3A_279 = arith.constant 0.000000e+00 : f32
        %broadcast_in_dim3A_280 = vector.broadcast %broadcast_in_dim3A_279 : f32 to vector<16xf32>
        %broadcast_in_dim3A_281 = arith.constant 0.000000e+00 : f32
        %broadcast_in_dim3A_282 = vector.broadcast %broadcast_in_dim3A_281 : f32 to vector<16xf32>
        %broadcast_in_dim3A_283 = arith.constant 0.000000e+00 : f32
        %broadcast_in_dim3A_284 = vector.broadcast %broadcast_in_dim3A_283 : f32 to vector<16xf32>
        %broadcast_in_dim3A_285 = arith.constant 0.000000e+00 : f32
        %broadcast_in_dim3A_286 = vector.broadcast %broadcast_in_dim3A_285 : f32 to vector<16xf32>
        %broadcast_in_dim3A_287 = arith.constant 0.000000e+00 : f32
        %broadcast_in_dim3A_288 = vector.broadcast %broadcast_in_dim3A_287 : f32 to vector<16xf32>
        %broadcast_in_dim3A_289 = arith.constant 0.000000e+00 : f32
        %broadcast_in_dim3A_290 = vector.broadcast %broadcast_in_dim3A_289 : f32 to vector<16xf32>
        %broadcast_in_dim3A_291 = arith.constant 0.000000e+00 : f32
        %broadcast_in_dim3A_292 = vector.broadcast %broadcast_in_dim3A_291 : f32 to vector<16xf32>
        %scan3A_293 = arith.constant 0 : i32
        %scan3A_294 = arith.constant 50 : i32
        %scan3A_295 = arith.addi %scan3A_293, %scan3A_294 : i32
        %scan3A_296 = arith.constant 1 : i32
        %scan3A_297:8 = scf.for %scan3A_395 = %scan3A_293 to %scan3A_295 step %scan3A_296 iter_args(%scan3A_396 = %broadcast_in_dim3A_278, %scan3A_397 = %broadcast_in_dim3A_280, %scan3A_398 = %broadcast_in_dim3A_282, %scan3A_399 = %broadcast_in_dim3A_284, %scan3A_400 = %broadcast_in_dim3A_286, %scan3A_401 = %broadcast_in_dim3A_288, %scan3A_402 = %broadcast_in_dim3A_290, %scan3A_403 = %broadcast_in_dim3A_292) -> (vector<16xf32>, vector<16xf32>, vector<16xf32>, vector<16xf32>, vector<16xf32>, vector<16xf32>, vector<16xf32>, vector<16xf32>)  : i32 {
          %add3A_404 = arith.constant 50 : i32
          %add3A_405 = arith.addi %add3A_404, %scan3A_395 : i32
          %get3A = arith.index_cast %add3A_405 : i32 to index
          %get3A_406 = arith.constant 0 : index
          %get3A_407 = tpu.vector_load %arg8[%get3A, %get3A_406] {strides = array<i32>} : memref<100x128xf32, #tpu.memory_space<vmem>>, vector<1x16xf32>,
          %get3A_408 = vector.shape_cast %get3A_407 : vector<1x16xf32> to vector<16xf32>
          %add3A_409 = arith.addf %scan3A_396, %get3A_408 : vector<16xf32>
          %get3A_410 = arith.index_cast %add3A_405 : i32 to index
          %get3A_411 = arith.constant 16 : index
          %get3A_412 = tpu.vector_load %arg8[%get3A_410, %get3A_411] {strides = array<i32>} : memref<100x128xf32, #tpu.memory_space<vmem>>, vector<1x16xf32>,
          %get3A_413 = vector.shape_cast %get3A_412 : vector<1x16xf32> to vector<16xf32>
          %add3A_414 = arith.addf %scan3A_397, %get3A_413 : vector<16xf32>
          %get3A_415 = arith.index_cast %add3A_405 : i32 to index
          %get3A_416 = arith.constant 32 : index
          %get3A_417 = tpu.vector_load %arg8[%get3A_415, %get3A_416] {strides = array<i32>} : memref<100x128xf32, #tpu.memory_space<vmem>>, vector<1x16xf32>,
          %get3A_418 = vector.shape_cast %get3A_417 : vector<1x16xf32> to vector<16xf32>
          %add3A_419 = arith.addf %scan3A_398, %get3A_418 : vector<16xf32>
          %get3A_420 = arith.index_cast %add3A_405 : i32 to index
          %get3A_421 = arith.constant 48 : index
          %get3A_422 = tpu.vector_load %arg8[%get3A_420, %get3A_421] {strides = array<i32>} : memref<100x128xf32, #tpu.memory_space<vmem>>, vector<1x16xf32>,
          %get3A_423 = vector.shape_cast %get3A_422 : vector<1x16xf32> to vector<16xf32>
          %add3A_424 = arith.addf %scan3A_399, %get3A_423 : vector<16xf32>
          %get3A_425 = arith.index_cast %add3A_405 : i32 to index
          %get3A_426 = arith.constant 64 : index
          %get3A_427 = tpu.vector_load %arg8[%get3A_425, %get3A_426] {strides = array<i32>} : memref<100x128xf32, #tpu.memory_space<vmem>>, vector<1x16xf32>,
          %get3A_428 = vector.shape_cast %get3A_427 : vector<1x16xf32> to vector<16xf32>
          %add3A_429 = arith.addf %scan3A_400, %get3A_428 : vector<16xf32>
          %get3A_430 = arith.index_cast %add3A_405 : i32 to index
          %get3A_431 = arith.constant 80 : index
          %get3A_432 = tpu.vector_load %arg8[%get3A_430, %get3A_431] {strides = array<i32>} : memref<100x128xf32, #tpu.memory_space<vmem>>, vector<1x16xf32>,
          %get3A_433 = vector.shape_cast %get3A_432 : vector<1x16xf32> to vector<16xf32>
          %add3A_434 = arith.addf %scan3A_401, %get3A_433 : vector<16xf32>
          %get3A_435 = arith.index_cast %add3A_405 : i32 to index
          %get3A_436 = arith.constant 96 : index
          %get3A_437 = tpu.vector_load %arg8[%get3A_435, %get3A_436] {strides = array<i32>} : memref<100x128xf32, #tpu.memory_space<vmem>>, vector<1x16xf32>,
          %get3A_438 = vector.shape_cast %get3A_437 : vector<1x16xf32> to vector<16xf32>
          %add3A_439 = arith.addf %scan3A_402, %get3A_438 : vector<16xf32>
          %get3A_440 = arith.index_cast %add3A_405 : i32 to index
          %get3A_441 = arith.constant 112 : index
          %get3A_442 = tpu.vector_load %arg8[%get3A_440, %get3A_441] {strides = array<i32>} : memref<100x128xf32, #tpu.memory_space<vmem>>, vector<1x16xf32>,
          %get3A_443 = vector.shape_cast %get3A_442 : vector<1x16xf32> to vector<16xf32>
          %add3A_444 = arith.addf %scan3A_403, %get3A_443 : vector<16xf32>
          scf.yield %add3A_409, %add3A_414, %add3A_419, %add3A_424, %add3A_429, %add3A_434, %add3A_439, %add3A_444 : vector<16xf32>, vector<16xf32>, vector<16xf32>, vector<16xf32>, vector<16xf32>, vector<16xf32>, vector<16xf32>, vector<16xf32>
        }
        %scan3A_298 = arith.constant 50 : i32
        %mul3A_299 = arith.constant 2.000000e-02 : f32
        %mul3A_300 = vector.broadcast %mul3A_299 : f32 to vector<16xf32>
        %mul3A_301 = arith.mulf %scan3A_297#0, %mul3A_300 : vector<16xf32>
        %mul3A_302 = arith.constant 2 : i32
        %mul3A_303 = arith.muli %add3A_160, %mul3A_302 : i32
        %add3A_304 = arith.constant 1 : i32
        %add3A_305 = arith.addi %mul3A_303, %add3A_304 : i32
        %swap3A_306 = arith.index_cast %add3A_305 : i32 to index
        %swap3A_307 = arith.constant 0 : index
        %swap3A_308 = tpu.vector_load %arg18[%swap3A_306, %swap3A_307] {strides = array<i32>} : memref<128x128xf32, #tpu.memory_space<vmem>>, vector<1x16xf32>,
        %swap3A_309 = vector.shape_cast %swap3A_308 : vector<1x16xf32> to vector<16xf32>
        %swap3A_310 = vector.shape_cast %mul3A_301 : vector<16xf32> to vector<1x16xf32>
        tpu.vector_store %arg18[%swap3A_306, %swap3A_307], %swap3A_310 {strides = array<i32>} : memref<128x128xf32, #tpu.memory_space<vmem>>, vector<1x16xf32>,
        %mul3A_311 = arith.constant 2.000000e-02 : f32
        %mul3A_312 = vector.broadcast %mul3A_311 : f32 to vector<16xf32>
        %mul3A_313 = arith.mulf %scan3A_297#1, %mul3A_312 : vector<16xf32>
        %mul3A_314 = arith.constant 2 : i32
        %mul3A_315 = arith.muli %add3A_160, %mul3A_314 : i32
        %add3A_316 = arith.constant 1 : i32
        %add3A_317 = arith.addi %mul3A_315, %add3A_316 : i32
        %swap3A_318 = arith.index_cast %add3A_317 : i32 to index
        %swap3A_319 = arith.constant 16 : index
        %swap3A_320 = tpu.vector_load %arg18[%swap3A_318, %swap3A_319] {strides = array<i32>} : memref<128x128xf32, #tpu.memory_space<vmem>>, vector<1x16xf32>,
        %swap3A_321 = vector.shape_cast %swap3A_320 : vector<1x16xf32> to vector<16xf32>
        %swap3A_322 = vector.shape_cast %mul3A_313 : vector<16xf32> to vector<1x16xf32>
        tpu.vector_store %arg18[%swap3A_318, %swap3A_319], %swap3A_322 {strides = array<i32>} : memref<128x128xf32, #tpu.memory_space<vmem>>, vector<1x16xf32>,
        %mul3A_323 = arith.constant 2.000000e-02 : f32
        %mul3A_324 = vector.broadcast %mul3A_323 : f32 to vector<16xf32>
        %mul3A_325 = arith.mulf %scan3A_297#2, %mul3A_324 : vector<16xf32>
        %mul3A_326 = arith.constant 2 : i32
        %mul3A_327 = arith.muli %add3A_160, %mul3A_326 : i32
        %add3A_328 = arith.constant 1 : i32
        %add3A_329 = arith.addi %mul3A_327, %add3A_328 : i32
        %swap3A_330 = arith.index_cast %add3A_329 : i32 to index
        %swap3A_331 = arith.constant 32 : index
        %swap3A_332 = tpu.vector_load %arg18[%swap3A_330, %swap3A_331] {strides = array<i32>} : memref<128x128xf32, #tpu.memory_space<vmem>>, vector<1x16xf32>,
        %swap3A_333 = vector.shape_cast %swap3A_332 : vector<1x16xf32> to vector<16xf32>
        %swap3A_334 = vector.shape_cast %mul3A_325 : vector<16xf32> to vector<1x16xf32>
        tpu.vector_store %arg18[%swap3A_330, %swap3A_331], %swap3A_334 {strides = array<i32>} : memref<128x128xf32, #tpu.memory_space<vmem>>, vector<1x16xf32>,
        %mul3A_335 = arith.constant 2.000000e-02 : f32
        %mul3A_336 = vector.broadcast %mul3A_335 : f32 to vector<16xf32>
        %mul3A_337 = arith.mulf %scan3A_297#3, %mul3A_336 : vector<16xf32>
        %mul3A_338 = arith.constant 2 : i32
        %mul3A_339 = arith.muli %add3A_160, %mul3A_338 : i32
        %add3A_340 = arith.constant 1 : i32
        %add3A_341 = arith.addi %mul3A_339, %add3A_340 : i32
        %swap3A_342 = arith.index_cast %add3A_341 : i32 to index
        %swap3A_343 = arith.constant 48 : index
        %swap3A_344 = tpu.vector_load %arg18[%swap3A_342, %swap3A_343] {strides = array<i32>} : memref<128x128xf32, #tpu.memory_space<vmem>>, vector<1x16xf32>,
        %swap3A_345 = vector.shape_cast %swap3A_344 : vector<1x16xf32> to vector<16xf32>
        %swap3A_346 = vector.shape_cast %mul3A_337 : vector<16xf32> to vector<1x16xf32>
        tpu.vector_store %arg18[%swap3A_342, %swap3A_343], %swap3A_346 {strides = array<i32>} : memref<128x128xf32, #tpu.memory_space<vmem>>, vector<1x16xf32>,
        %mul3A_347 = arith.constant 2.000000e-02 : f32
        %mul3A_348 = vector.broadcast %mul3A_347 : f32 to vector<16xf32>
        %mul3A_349 = arith.mulf %scan3A_297#4, %mul3A_348 : vector<16xf32>
        %mul3A_350 = arith.constant 2 : i32
        %mul3A_351 = arith.muli %add3A_160, %mul3A_350 : i32
        %add3A_352 = arith.constant 1 : i32
        %add3A_353 = arith.addi %mul3A_351, %add3A_352 : i32
        %swap3A_354 = arith.index_cast %add3A_353 : i32 to index
        %swap3A_355 = arith.constant 64 : index
        %swap3A_356 = tpu.vector_load %arg18[%swap3A_354, %swap3A_355] {strides = array<i32>} : memref<128x128xf32, #tpu.memory_space<vmem>>, vector<1x16xf32>,
        %swap3A_357 = vector.shape_cast %swap3A_356 : vector<1x16xf32> to vector<16xf32>
        %swap3A_358 = vector.shape_cast %mul3A_349 : vector<16xf32> to vector<1x16xf32>
        tpu.vector_store %arg18[%swap3A_354, %swap3A_355], %swap3A_358 {strides = array<i32>} : memref<128x128xf32, #tpu.memory_space<vmem>>, vector<1x16xf32>,
        %mul3A_359 = arith.constant 2.000000e-02 : f32
        %mul3A_360 = vector.broadcast %mul3A_359 : f32 to vector<16xf32>
        %mul3A_361 = arith.mulf %scan3A_297#5, %mul3A_360 : vector<16xf32>
        %mul3A_362 = arith.constant 2 : i32
        %mul3A_363 = arith.muli %add3A_160, %mul3A_362 : i32
        %add3A_364 = arith.constant 1 : i32
        %add3A_365 = arith.addi %mul3A_363, %add3A_364 : i32
        %swap3A_366 = arith.index_cast %add3A_365 : i32 to index
        %swap3A_367 = arith.constant 80 : index
        %swap3A_368 = tpu.vector_load %arg18[%swap3A_366, %swap3A_367] {strides = array<i32>} : memref<128x128xf32, #tpu.memory_space<vmem>>, vector<1x16xf32>,
        %swap3A_369 = vector.shape_cast %swap3A_368 : vector<1x16xf32> to vector<16xf32>
        %swap3A_370 = vector.shape_cast %mul3A_361 : vector<16xf32> to vector<1x16xf32>
        tpu.vector_store %arg18[%swap3A_366, %swap3A_367], %swap3A_370 {strides = array<i32>} : memref<128x128xf32, #tpu.memory_space<vmem>>, vector<1x16xf32>,
        %mul3A_371 = arith.constant 2.000000e-02 : f32
        %mul3A_372 = vector.broadcast %mul3A_371 : f32 to vector<16xf32>
        %mul3A_373 = arith.mulf %scan3A_297#6, %mul3A_372 : vector<16xf32>
        %mul3A_374 = arith.constant 2 : i32
        %mul3A_375 = arith.muli %add3A_160, %mul3A_374 : i32
        %add3A_376 = arith.constant 1 : i32
        %add3A_377 = arith.addi %mul3A_375, %add3A_376 : i32
        %swap3A_378 = arith.index_cast %add3A_377 : i32 to index
        %swap3A_379 = arith.constant 96 : index
        %swap3A_380 = tpu.vector_load %arg18[%swap3A_378, %swap3A_379] {strides = array<i32>} : memref<128x128xf32, #tpu.memory_space<vmem>>, vector<1x16xf32>,
        %swap3A_381 = vector.shape_cast %swap3A_380 : vector<1x16xf32> to vector<16xf32>
        %swap3A_382 = vector.shape_cast %mul3A_373 : vector<16xf32> to vector<1x16xf32>
        tpu.vector_store %arg18[%swap3A_378, %swap3A_379], %swap3A_382 {strides = array<i32>} : memref<128x128xf32, #tpu.memory_space<vmem>>, vector<1x16xf32>,
        %mul3A_383 = arith.constant 2.000000e-02 : f32
        %mul3A_384 = vector.broadcast %mul3A_383 : f32 to vector<16xf32>
        %mul3A_385 = arith.mulf %scan3A_297#7, %mul3A_384 : vector<16xf32>
        %mul3A_386 = arith.constant 2 : i32
        %mul3A_387 = arith.muli %add3A_160, %mul3A_386 : i32
        %add3A_388 = arith.constant 1 : i32
        %add3A_389 = arith.addi %mul3A_387, %add3A_388 : i32
        %swap3A_390 = arith.index_cast %add3A_389 : i32 to index
        %swap3A_391 = arith.constant 112 : index
        %swap3A_392 = tpu.vector_load %arg18[%swap3A_390, %swap3A_391] {strides = array<i32>} : memref<128x128xf32, #tpu.memory_space<vmem>>, vector<1x16xf32>,
        %swap3A_393 = vector.shape_cast %swap3A_392 : vector<1x16xf32> to vector<16xf32>
        %swap3A_394 = vector.shape_cast %mul3A_385 : vector<16xf32> to vector<1x16xf32>
        tpu.vector_store %arg18[%swap3A_390, %swap3A_391], %swap3A_394 {strides = array<i32>} : memref<128x128xf32, #tpu.memory_space<vmem>>, vector<1x16xf32>,
      } else {
      }
      %add3A_98 = arith.constant 3 : i32
      %add3A_99 = arith.addi %add3A_47, %add3A_98 : i32
      %add3A_100 = arith.constant 6 : i32
      %add3A_101 = arith.addi %add3A_99, %add3A_100 : i32
      %sub3A_102 = arith.constant 1 : i32
      %sub3A_103 = arith.subi %add3A_101, %sub3A_102 : i32
      %lt3A_104 = arith.constant 64 : i32
      %lt3A_105 = arith.cmpi slt, %sub3A_103, %lt3A_104 : i32
      %convert_element_type3A_106 = arith.extui %lt3A_105 : i1 to i32
      %cond3A_107 = arith.constant 0 : i32
      %cond3A_108 = arith.cmpi ne, %convert_element_type3A_106, %cond3A_107 : i32
      scf.if %cond3A_108 {
        %dma_start3A_152 = arith.constant 0 : i32
        %dma_start3A_153 = tpu.memref_slice %arg5[%sub3A_103, %dma_start3A_152] : memref<64x100xi32, #tpu.memory_space<vmem>> -> memref<1x100xi32, #tpu.memory_space<vmem>>
        %dma_start3A_154 = tpu.memref_squeeze %dma_start3A_153 : memref<1x100xi32, #tpu.memory_space<vmem>> -> memref<100xi32, #tpu.memory_space<vmem>>
        %dma_start3A_155 = arith.constant 0 : i32
        %dma_start3A_156 = arith.constant 0 : i32
        %dma_start3A_157 = tpu.memref_slice %arg3[%dma_start3A_155, %dma_start3A_156] : memref<100000x128xf32, #tpu.memory_space<hbm>> -> memref<100000x128xf32, #tpu.memory_space<hbm>>
        tpu.enqueue_indirect_dma source(%dma_start3A_157 : memref<100000x128xf32, #tpu.memory_space<hbm>>) target(%arg8 : memref<100x128xf32, #tpu.memory_space<vmem>>) offsets(%dma_start3A_154 : memref<100xi32, #tpu.memory_space<vmem>>) semaphore(%arg14 : memref<!tpu.dma_semaphore, #tpu.memory_space<semaphore_mem>>)
      } else {
      }
      %add3A_109 = arith.constant 3 : i32
      %add3A_110 = arith.addi %add3A_47, %add3A_109 : i32
      %lt3A_111 = arith.constant 64 : i32
      %lt3A_112 = arith.cmpi slt, %add3A_110, %lt3A_111 : i32
      %convert_element_type3A_113 = arith.extui %lt3A_112 : i1 to i32
      %cond3A_114 = arith.constant 0 : i32
      %cond3A_115 = arith.cmpi ne, %convert_element_type3A_113, %cond3A_114 : i32
      scf.if %cond3A_115 {
        %add3A_152 = arith.constant 3 : i32
        %add3A_153 = arith.addi %add3A_47, %add3A_152 : i32
        %dma_wait3A = arith.constant 0 : i32
        %dma_wait3A_154 = tpu.memref_slice %arg5[%add3A_153, %dma_wait3A] : memref<64x100xi32, #tpu.memory_space<vmem>> -> memref<1x100xi32, #tpu.memory_space<vmem>>
        %dma_wait3A_155 = tpu.memref_squeeze %dma_wait3A_154 : memref<1x100xi32, #tpu.memory_space<vmem>> -> memref<100xi32, #tpu.memory_space<vmem>>
        %dma_wait3A_156 = arith.constant 0 : i32
        %dma_wait3A_157 = arith.constant 0 : i32
        %dma_wait3A_158 = tpu.memref_slice %arg3[%dma_wait3A_156, %dma_wait3A_157] : memref<100000x128xf32, #tpu.memory_space<hbm>> -> memref<100000x128xf32, #tpu.memory_space<hbm>>
        tpu.wait_indirect_dma semaphore(%arg15 : memref<!tpu.dma_semaphore, #tpu.memory_space<semaphore_mem>>) src(%dma_wait3A_158 : memref<100000x128xf32, #tpu.memory_space<hbm>>) dst(%arg9 : memref<100x128xf32, #tpu.memory_space<vmem>>)
        %add3A_159 = arith.constant 3 : i32
        %add3A_160 = arith.addi %add3A_47, %add3A_159 : i32
        %broadcast_in_dim3A = arith.constant 0.000000e+00 : f32
        %broadcast_in_dim3A_161 = vector.broadcast %broadcast_in_dim3A : f32 to vector<16xf32>
        %broadcast_in_dim3A_162 = arith.constant 0.000000e+00 : f32
        %broadcast_in_dim3A_163 = vector.broadcast %broadcast_in_dim3A_162 : f32 to vector<16xf32>
        %broadcast_in_dim3A_164 = arith.constant 0.000000e+00 : f32
        %broadcast_in_dim3A_165 = vector.broadcast %broadcast_in_dim3A_164 : f32 to vector<16xf32>
        %broadcast_in_dim3A_166 = arith.constant 0.000000e+00 : f32
        %broadcast_in_dim3A_167 = vector.broadcast %broadcast_in_dim3A_166 : f32 to vector<16xf32>
        %broadcast_in_dim3A_168 = arith.constant 0.000000e+00 : f32
        %broadcast_in_dim3A_169 = vector.broadcast %broadcast_in_dim3A_168 : f32 to vector<16xf32>
        %broadcast_in_dim3A_170 = arith.constant 0.000000e+00 : f32
        %broadcast_in_dim3A_171 = vector.broadcast %broadcast_in_dim3A_170 : f32 to vector<16xf32>
        %broadcast_in_dim3A_172 = arith.constant 0.000000e+00 : f32
        %broadcast_in_dim3A_173 = vector.broadcast %broadcast_in_dim3A_172 : f32 to vector<16xf32>
        %broadcast_in_dim3A_174 = arith.constant 0.000000e+00 : f32
        %broadcast_in_dim3A_175 = vector.broadcast %broadcast_in_dim3A_174 : f32 to vector<16xf32>
        %scan3A_176 = arith.constant 0 : i32
        %scan3A_177 = arith.constant 50 : i32
        %scan3A_178 = arith.addi %scan3A_176, %scan3A_177 : i32
        %scan3A_179 = arith.constant 1 : i32
        %scan3A_180:8 = scf.for %scan3A_395 = %scan3A_176 to %scan3A_178 step %scan3A_179 iter_args(%scan3A_396 = %broadcast_in_dim3A_161, %scan3A_397 = %broadcast_in_dim3A_163, %scan3A_398 = %broadcast_in_dim3A_165, %scan3A_399 = %broadcast_in_dim3A_167, %scan3A_400 = %broadcast_in_dim3A_169, %scan3A_401 = %broadcast_in_dim3A_171, %scan3A_402 = %broadcast_in_dim3A_173, %scan3A_403 = %broadcast_in_dim3A_175) -> (vector<16xf32>, vector<16xf32>, vector<16xf32>, vector<16xf32>, vector<16xf32>, vector<16xf32>, vector<16xf32>, vector<16xf32>)  : i32 {
          %add3A_404 = arith.constant 0 : i32
          %add3A_405 = arith.addi %add3A_404, %scan3A_395 : i32
          %get3A = arith.index_cast %add3A_405 : i32 to index
          %get3A_406 = arith.constant 0 : index
          %get3A_407 = tpu.vector_load %arg9[%get3A, %get3A_406] {strides = array<i32>} : memref<100x128xf32, #tpu.memory_space<vmem>>, vector<1x16xf32>,
          %get3A_408 = vector.shape_cast %get3A_407 : vector<1x16xf32> to vector<16xf32>
          %add3A_409 = arith.addf %scan3A_396, %get3A_408 : vector<16xf32>
          %get3A_410 = arith.index_cast %add3A_405 : i32 to index
          %get3A_411 = arith.constant 16 : index
          %get3A_412 = tpu.vector_load %arg9[%get3A_410, %get3A_411] {strides = array<i32>} : memref<100x128xf32, #tpu.memory_space<vmem>>, vector<1x16xf32>,
          %get3A_413 = vector.shape_cast %get3A_412 : vector<1x16xf32> to vector<16xf32>
          %add3A_414 = arith.addf %scan3A_397, %get3A_413 : vector<16xf32>
          %get3A_415 = arith.index_cast %add3A_405 : i32 to index
          %get3A_416 = arith.constant 32 : index
          %get3A_417 = tpu.vector_load %arg9[%get3A_415, %get3A_416] {strides = array<i32>} : memref<100x128xf32, #tpu.memory_space<vmem>>, vector<1x16xf32>,
          %get3A_418 = vector.shape_cast %get3A_417 : vector<1x16xf32> to vector<16xf32>
          %add3A_419 = arith.addf %scan3A_398, %get3A_418 : vector<16xf32>
          %get3A_420 = arith.index_cast %add3A_405 : i32 to index
          %get3A_421 = arith.constant 48 : index
          %get3A_422 = tpu.vector_load %arg9[%get3A_420, %get3A_421] {strides = array<i32>} : memref<100x128xf32, #tpu.memory_space<vmem>>, vector<1x16xf32>,
          %get3A_423 = vector.shape_cast %get3A_422 : vector<1x16xf32> to vector<16xf32>
          %add3A_424 = arith.addf %scan3A_399, %get3A_423 : vector<16xf32>
          %get3A_425 = arith.index_cast %add3A_405 : i32 to index
          %get3A_426 = arith.constant 64 : index
          %get3A_427 = tpu.vector_load %arg9[%get3A_425, %get3A_426] {strides = array<i32>} : memref<100x128xf32, #tpu.memory_space<vmem>>, vector<1x16xf32>,
          %get3A_428 = vector.shape_cast %get3A_427 : vector<1x16xf32> to vector<16xf32>
          %add3A_429 = arith.addf %scan3A_400, %get3A_428 : vector<16xf32>
          %get3A_430 = arith.index_cast %add3A_405 : i32 to index
          %get3A_431 = arith.constant 80 : index
          %get3A_432 = tpu.vector_load %arg9[%get3A_430, %get3A_431] {strides = array<i32>} : memref<100x128xf32, #tpu.memory_space<vmem>>, vector<1x16xf32>,
          %get3A_433 = vector.shape_cast %get3A_432 : vector<1x16xf32> to vector<16xf32>
          %add3A_434 = arith.addf %scan3A_401, %get3A_433 : vector<16xf32>
          %get3A_435 = arith.index_cast %add3A_405 : i32 to index
          %get3A_436 = arith.constant 96 : index
          %get3A_437 = tpu.vector_load %arg9[%get3A_435, %get3A_436] {strides = array<i32>} : memref<100x128xf32, #tpu.memory_space<vmem>>, vector<1x16xf32>,
          %get3A_438 = vector.shape_cast %get3A_437 : vector<1x16xf32> to vector<16xf32>
          %add3A_439 = arith.addf %scan3A_402, %get3A_438 : vector<16xf32>
          %get3A_440 = arith.index_cast %add3A_405 : i32 to index
          %get3A_441 = arith.constant 112 : index
          %get3A_442 = tpu.vector_load %arg9[%get3A_440, %get3A_441] {strides = array<i32>} : memref<100x128xf32, #tpu.memory_space<vmem>>, vector<1x16xf32>,
          %get3A_443 = vector.shape_cast %get3A_442 : vector<1x16xf32> to vector<16xf32>
          %add3A_444 = arith.addf %scan3A_403, %get3A_443 : vector<16xf32>
          scf.yield %add3A_409, %add3A_414, %add3A_419, %add3A_424, %add3A_429, %add3A_434, %add3A_439, %add3A_444 : vector<16xf32>, vector<16xf32>, vector<16xf32>, vector<16xf32>, vector<16xf32>, vector<16xf32>, vector<16xf32>, vector<16xf32>
        }
        %scan3A_181 = arith.constant 50 : i32
        %mul3A_182 = arith.constant 2.000000e-02 : f32
        %mul3A_183 = vector.broadcast %mul3A_182 : f32 to vector<16xf32>
        %mul3A_184 = arith.mulf %scan3A_180#0, %mul3A_183 : vector<16xf32>
        %mul3A_185 = arith.constant 2 : i32
        %mul3A_186 = arith.muli %add3A_160, %mul3A_185 : i32
        %add3A_187 = arith.constant 0 : i32
        %add3A_188 = arith.addi %mul3A_186, %add3A_187 : i32
        %swap3A = arith.index_cast %add3A_188 : i32 to index
        %swap3A_189 = arith.constant 0 : index
        %swap3A_190 = tpu.vector_load %arg18[%swap3A, %swap3A_189] {strides = array<i32>} : memref<128x128xf32, #tpu.memory_space<vmem>>, vector<1x16xf32>,
        %swap3A_191 = vector.shape_cast %swap3A_190 : vector<1x16xf32> to vector<16xf32>
        %swap3A_192 = vector.shape_cast %mul3A_184 : vector<16xf32> to vector<1x16xf32>
        tpu.vector_store %arg18[%swap3A, %swap3A_189], %swap3A_192 {strides = array<i32>} : memref<128x128xf32, #tpu.memory_space<vmem>>, vector<1x16xf32>,
        %mul3A_193 = arith.constant 2.000000e-02 : f32
        %mul3A_194 = vector.broadcast %mul3A_193 : f32 to vector<16xf32>
        %mul3A_195 = arith.mulf %scan3A_180#1, %mul3A_194 : vector<16xf32>
        %mul3A_196 = arith.constant 2 : i32
        %mul3A_197 = arith.muli %add3A_160, %mul3A_196 : i32
        %add3A_198 = arith.constant 0 : i32
        %add3A_199 = arith.addi %mul3A_197, %add3A_198 : i32
        %swap3A_200 = arith.index_cast %add3A_199 : i32 to index
        %swap3A_201 = arith.constant 16 : index
        %swap3A_202 = tpu.vector_load %arg18[%swap3A_200, %swap3A_201] {strides = array<i32>} : memref<128x128xf32, #tpu.memory_space<vmem>>, vector<1x16xf32>,
        %swap3A_203 = vector.shape_cast %swap3A_202 : vector<1x16xf32> to vector<16xf32>
        %swap3A_204 = vector.shape_cast %mul3A_195 : vector<16xf32> to vector<1x16xf32>
        tpu.vector_store %arg18[%swap3A_200, %swap3A_201], %swap3A_204 {strides = array<i32>} : memref<128x128xf32, #tpu.memory_space<vmem>>, vector<1x16xf32>,
        %mul3A_205 = arith.constant 2.000000e-02 : f32
        %mul3A_206 = vector.broadcast %mul3A_205 : f32 to vector<16xf32>
        %mul3A_207 = arith.mulf %scan3A_180#2, %mul3A_206 : vector<16xf32>
        %mul3A_208 = arith.constant 2 : i32
        %mul3A_209 = arith.muli %add3A_160, %mul3A_208 : i32
        %add3A_210 = arith.constant 0 : i32
        %add3A_211 = arith.addi %mul3A_209, %add3A_210 : i32
        %swap3A_212 = arith.index_cast %add3A_211 : i32 to index
        %swap3A_213 = arith.constant 32 : index
        %swap3A_214 = tpu.vector_load %arg18[%swap3A_212, %swap3A_213] {strides = array<i32>} : memref<128x128xf32, #tpu.memory_space<vmem>>, vector<1x16xf32>,
        %swap3A_215 = vector.shape_cast %swap3A_214 : vector<1x16xf32> to vector<16xf32>
        %swap3A_216 = vector.shape_cast %mul3A_207 : vector<16xf32> to vector<1x16xf32>
        tpu.vector_store %arg18[%swap3A_212, %swap3A_213], %swap3A_216 {strides = array<i32>} : memref<128x128xf32, #tpu.memory_space<vmem>>, vector<1x16xf32>,
        %mul3A_217 = arith.constant 2.000000e-02 : f32
        %mul3A_218 = vector.broadcast %mul3A_217 : f32 to vector<16xf32>
        %mul3A_219 = arith.mulf %scan3A_180#3, %mul3A_218 : vector<16xf32>
        %mul3A_220 = arith.constant 2 : i32
        %mul3A_221 = arith.muli %add3A_160, %mul3A_220 : i32
        %add3A_222 = arith.constant 0 : i32
        %add3A_223 = arith.addi %mul3A_221, %add3A_222 : i32
        %swap3A_224 = arith.index_cast %add3A_223 : i32 to index
        %swap3A_225 = arith.constant 48 : index
        %swap3A_226 = tpu.vector_load %arg18[%swap3A_224, %swap3A_225] {strides = array<i32>} : memref<128x128xf32, #tpu.memory_space<vmem>>, vector<1x16xf32>,
        %swap3A_227 = vector.shape_cast %swap3A_226 : vector<1x16xf32> to vector<16xf32>
        %swap3A_228 = vector.shape_cast %mul3A_219 : vector<16xf32> to vector<1x16xf32>
        tpu.vector_store %arg18[%swap3A_224, %swap3A_225], %swap3A_228 {strides = array<i32>} : memref<128x128xf32, #tpu.memory_space<vmem>>, vector<1x16xf32>,
        %mul3A_229 = arith.constant 2.000000e-02 : f32
        %mul3A_230 = vector.broadcast %mul3A_229 : f32 to vector<16xf32>
        %mul3A_231 = arith.mulf %scan3A_180#4, %mul3A_230 : vector<16xf32>
        %mul3A_232 = arith.constant 2 : i32
        %mul3A_233 = arith.muli %add3A_160, %mul3A_232 : i32
        %add3A_234 = arith.constant 0 : i32
        %add3A_235 = arith.addi %mul3A_233, %add3A_234 : i32
        %swap3A_236 = arith.index_cast %add3A_235 : i32 to index
        %swap3A_237 = arith.constant 64 : index
        %swap3A_238 = tpu.vector_load %arg18[%swap3A_236, %swap3A_237] {strides = array<i32>} : memref<128x128xf32, #tpu.memory_space<vmem>>, vector<1x16xf32>,
        %swap3A_239 = vector.shape_cast %swap3A_238 : vector<1x16xf32> to vector<16xf32>
        %swap3A_240 = vector.shape_cast %mul3A_231 : vector<16xf32> to vector<1x16xf32>
        tpu.vector_store %arg18[%swap3A_236, %swap3A_237], %swap3A_240 {strides = array<i32>} : memref<128x128xf32, #tpu.memory_space<vmem>>, vector<1x16xf32>,
        %mul3A_241 = arith.constant 2.000000e-02 : f32
        %mul3A_242 = vector.broadcast %mul3A_241 : f32 to vector<16xf32>
        %mul3A_243 = arith.mulf %scan3A_180#5, %mul3A_242 : vector<16xf32>
        %mul3A_244 = arith.constant 2 : i32
        %mul3A_245 = arith.muli %add3A_160, %mul3A_244 : i32
        %add3A_246 = arith.constant 0 : i32
        %add3A_247 = arith.addi %mul3A_245, %add3A_246 : i32
        %swap3A_248 = arith.index_cast %add3A_247 : i32 to index
        %swap3A_249 = arith.constant 80 : index
        %swap3A_250 = tpu.vector_load %arg18[%swap3A_248, %swap3A_249] {strides = array<i32>} : memref<128x128xf32, #tpu.memory_space<vmem>>, vector<1x16xf32>,
        %swap3A_251 = vector.shape_cast %swap3A_250 : vector<1x16xf32> to vector<16xf32>
        %swap3A_252 = vector.shape_cast %mul3A_243 : vector<16xf32> to vector<1x16xf32>
        tpu.vector_store %arg18[%swap3A_248, %swap3A_249], %swap3A_252 {strides = array<i32>} : memref<128x128xf32, #tpu.memory_space<vmem>>, vector<1x16xf32>,
        %mul3A_253 = arith.constant 2.000000e-02 : f32
        %mul3A_254 = vector.broadcast %mul3A_253 : f32 to vector<16xf32>
        %mul3A_255 = arith.mulf %scan3A_180#6, %mul3A_254 : vector<16xf32>
        %mul3A_256 = arith.constant 2 : i32
        %mul3A_257 = arith.muli %add3A_160, %mul3A_256 : i32
        %add3A_258 = arith.constant 0 : i32
        %add3A_259 = arith.addi %mul3A_257, %add3A_258 : i32
        %swap3A_260 = arith.index_cast %add3A_259 : i32 to index
        %swap3A_261 = arith.constant 96 : index
        %swap3A_262 = tpu.vector_load %arg18[%swap3A_260, %swap3A_261] {strides = array<i32>} : memref<128x128xf32, #tpu.memory_space<vmem>>, vector<1x16xf32>,
        %swap3A_263 = vector.shape_cast %swap3A_262 : vector<1x16xf32> to vector<16xf32>
        %swap3A_264 = vector.shape_cast %mul3A_255 : vector<16xf32> to vector<1x16xf32>
        tpu.vector_store %arg18[%swap3A_260, %swap3A_261], %swap3A_264 {strides = array<i32>} : memref<128x128xf32, #tpu.memory_space<vmem>>, vector<1x16xf32>,
        %mul3A_265 = arith.constant 2.000000e-02 : f32
        %mul3A_266 = vector.broadcast %mul3A_265 : f32 to vector<16xf32>
        %mul3A_267 = arith.mulf %scan3A_180#7, %mul3A_266 : vector<16xf32>
        %mul3A_268 = arith.constant 2 : i32
        %mul3A_269 = arith.muli %add3A_160, %mul3A_268 : i32
        %add3A_270 = arith.constant 0 : i32
        %add3A_271 = arith.addi %mul3A_269, %add3A_270 : i32
        %swap3A_272 = arith.index_cast %add3A_271 : i32 to index
        %swap3A_273 = arith.constant 112 : index
        %swap3A_274 = tpu.vector_load %arg18[%swap3A_272, %swap3A_273] {strides = array<i32>} : memref<128x128xf32, #tpu.memory_space<vmem>>, vector<1x16xf32>,
        %swap3A_275 = vector.shape_cast %swap3A_274 : vector<1x16xf32> to vector<16xf32>
        %swap3A_276 = vector.shape_cast %mul3A_267 : vector<16xf32> to vector<1x16xf32>
        tpu.vector_store %arg18[%swap3A_272, %swap3A_273], %swap3A_276 {strides = array<i32>} : memref<128x128xf32, #tpu.memory_space<vmem>>, vector<1x16xf32>,
        %broadcast_in_dim3A_277 = arith.constant 0.000000e+00 : f32
        %broadcast_in_dim3A_278 = vector.broadcast %broadcast_in_dim3A_277 : f32 to vector<16xf32>
        %broadcast_in_dim3A_279 = arith.constant 0.000000e+00 : f32
        %broadcast_in_dim3A_280 = vector.broadcast %broadcast_in_dim3A_279 : f32 to vector<16xf32>
        %broadcast_in_dim3A_281 = arith.constant 0.000000e+00 : f32
        %broadcast_in_dim3A_282 = vector.broadcast %broadcast_in_dim3A_281 : f32 to vector<16xf32>
        %broadcast_in_dim3A_283 = arith.constant 0.000000e+00 : f32
        %broadcast_in_dim3A_284 = vector.broadcast %broadcast_in_dim3A_283 : f32 to vector<16xf32>
        %broadcast_in_dim3A_285 = arith.constant 0.000000e+00 : f32
        %broadcast_in_dim3A_286 = vector.broadcast %broadcast_in_dim3A_285 : f32 to vector<16xf32>
        %broadcast_in_dim3A_287 = arith.constant 0.000000e+00 : f32
        %broadcast_in_dim3A_288 = vector.broadcast %broadcast_in_dim3A_287 : f32 to vector<16xf32>
        %broadcast_in_dim3A_289 = arith.constant 0.000000e+00 : f32
        %broadcast_in_dim3A_290 = vector.broadcast %broadcast_in_dim3A_289 : f32 to vector<16xf32>
        %broadcast_in_dim3A_291 = arith.constant 0.000000e+00 : f32
        %broadcast_in_dim3A_292 = vector.broadcast %broadcast_in_dim3A_291 : f32 to vector<16xf32>
        %scan3A_293 = arith.constant 0 : i32
        %scan3A_294 = arith.constant 50 : i32
        %scan3A_295 = arith.addi %scan3A_293, %scan3A_294 : i32
        %scan3A_296 = arith.constant 1 : i32
        %scan3A_297:8 = scf.for %scan3A_395 = %scan3A_293 to %scan3A_295 step %scan3A_296 iter_args(%scan3A_396 = %broadcast_in_dim3A_278, %scan3A_397 = %broadcast_in_dim3A_280, %scan3A_398 = %broadcast_in_dim3A_282, %scan3A_399 = %broadcast_in_dim3A_284, %scan3A_400 = %broadcast_in_dim3A_286, %scan3A_401 = %broadcast_in_dim3A_288, %scan3A_402 = %broadcast_in_dim3A_290, %scan3A_403 = %broadcast_in_dim3A_292) -> (vector<16xf32>, vector<16xf32>, vector<16xf32>, vector<16xf32>, vector<16xf32>, vector<16xf32>, vector<16xf32>, vector<16xf32>)  : i32 {
          %add3A_404 = arith.constant 50 : i32
          %add3A_405 = arith.addi %add3A_404, %scan3A_395 : i32
          %get3A = arith.index_cast %add3A_405 : i32 to index
          %get3A_406 = arith.constant 0 : index
          %get3A_407 = tpu.vector_load %arg9[%get3A, %get3A_406] {strides = array<i32>} : memref<100x128xf32, #tpu.memory_space<vmem>>, vector<1x16xf32>,
          %get3A_408 = vector.shape_cast %get3A_407 : vector<1x16xf32> to vector<16xf32>
          %add3A_409 = arith.addf %scan3A_396, %get3A_408 : vector<16xf32>
          %get3A_410 = arith.index_cast %add3A_405 : i32 to index
          %get3A_411 = arith.constant 16 : index
          %get3A_412 = tpu.vector_load %arg9[%get3A_410, %get3A_411] {strides = array<i32>} : memref<100x128xf32, #tpu.memory_space<vmem>>, vector<1x16xf32>,
          %get3A_413 = vector.shape_cast %get3A_412 : vector<1x16xf32> to vector<16xf32>
          %add3A_414 = arith.addf %scan3A_397, %get3A_413 : vector<16xf32>
          %get3A_415 = arith.index_cast %add3A_405 : i32 to index
          %get3A_416 = arith.constant 32 : index
          %get3A_417 = tpu.vector_load %arg9[%get3A_415, %get3A_416] {strides = array<i32>} : memref<100x128xf32, #tpu.memory_space<vmem>>, vector<1x16xf32>,
          %get3A_418 = vector.shape_cast %get3A_417 : vector<1x16xf32> to vector<16xf32>
          %add3A_419 = arith.addf %scan3A_398, %get3A_418 : vector<16xf32>
          %get3A_420 = arith.index_cast %add3A_405 : i32 to index
          %get3A_421 = arith.constant 48 : index
          %get3A_422 = tpu.vector_load %arg9[%get3A_420, %get3A_421] {strides = array<i32>} : memref<100x128xf32, #tpu.memory_space<vmem>>, vector<1x16xf32>,
          %get3A_423 = vector.shape_cast %get3A_422 : vector<1x16xf32> to vector<16xf32>
          %add3A_424 = arith.addf %scan3A_399, %get3A_423 : vector<16xf32>
          %get3A_425 = arith.index_cast %add3A_405 : i32 to index
          %get3A_426 = arith.constant 64 : index
          %get3A_427 = tpu.vector_load %arg9[%get3A_425, %get3A_426] {strides = array<i32>} : memref<100x128xf32, #tpu.memory_space<vmem>>, vector<1x16xf32>,
          %get3A_428 = vector.shape_cast %get3A_427 : vector<1x16xf32> to vector<16xf32>
          %add3A_429 = arith.addf %scan3A_400, %get3A_428 : vector<16xf32>
          %get3A_430 = arith.index_cast %add3A_405 : i32 to index
          %get3A_431 = arith.constant 80 : index
          %get3A_432 = tpu.vector_load %arg9[%get3A_430, %get3A_431] {strides = array<i32>} : memref<100x128xf32, #tpu.memory_space<vmem>>, vector<1x16xf32>,
          %get3A_433 = vector.shape_cast %get3A_432 : vector<1x16xf32> to vector<16xf32>
          %add3A_434 = arith.addf %scan3A_401, %get3A_433 : vector<16xf32>
          %get3A_435 = arith.index_cast %add3A_405 : i32 to index
          %get3A_436 = arith.constant 96 : index
          %get3A_437 = tpu.vector_load %arg9[%get3A_435, %get3A_436] {strides = array<i32>} : memref<100x128xf32, #tpu.memory_space<vmem>>, vector<1x16xf32>,
          %get3A_438 = vector.shape_cast %get3A_437 : vector<1x16xf32> to vector<16xf32>
          %add3A_439 = arith.addf %scan3A_402, %get3A_438 : vector<16xf32>
          %get3A_440 = arith.index_cast %add3A_405 : i32 to index
          %get3A_441 = arith.constant 112 : index
          %get3A_442 = tpu.vector_load %arg9[%get3A_440, %get3A_441] {strides = array<i32>} : memref<100x128xf32, #tpu.memory_space<vmem>>, vector<1x16xf32>,
          %get3A_443 = vector.shape_cast %get3A_442 : vector<1x16xf32> to vector<16xf32>
          %add3A_444 = arith.addf %scan3A_403, %get3A_443 : vector<16xf32>
          scf.yield %add3A_409, %add3A_414, %add3A_419, %add3A_424, %add3A_429, %add3A_434, %add3A_439, %add3A_444 : vector<16xf32>, vector<16xf32>, vector<16xf32>, vector<16xf32>, vector<16xf32>, vector<16xf32>, vector<16xf32>, vector<16xf32>
        }
        %scan3A_298 = arith.constant 50 : i32
        %mul3A_299 = arith.constant 2.000000e-02 : f32
        %mul3A_300 = vector.broadcast %mul3A_299 : f32 to vector<16xf32>
        %mul3A_301 = arith.mulf %scan3A_297#0, %mul3A_300 : vector<16xf32>
        %mul3A_302 = arith.constant 2 : i32
        %mul3A_303 = arith.muli %add3A_160, %mul3A_302 : i32
        %add3A_304 = arith.constant 1 : i32
        %add3A_305 = arith.addi %mul3A_303, %add3A_304 : i32
        %swap3A_306 = arith.index_cast %add3A_305 : i32 to index
        %swap3A_307 = arith.constant 0 : index
        %swap3A_308 = tpu.vector_load %arg18[%swap3A_306, %swap3A_307] {strides = array<i32>} : memref<128x128xf32, #tpu.memory_space<vmem>>, vector<1x16xf32>,
        %swap3A_309 = vector.shape_cast %swap3A_308 : vector<1x16xf32> to vector<16xf32>
        %swap3A_310 = vector.shape_cast %mul3A_301 : vector<16xf32> to vector<1x16xf32>
        tpu.vector_store %arg18[%swap3A_306, %swap3A_307], %swap3A_310 {strides = array<i32>} : memref<128x128xf32, #tpu.memory_space<vmem>>, vector<1x16xf32>,
        %mul3A_311 = arith.constant 2.000000e-02 : f32
        %mul3A_312 = vector.broadcast %mul3A_311 : f32 to vector<16xf32>
        %mul3A_313 = arith.mulf %scan3A_297#1, %mul3A_312 : vector<16xf32>
        %mul3A_314 = arith.constant 2 : i32
        %mul3A_315 = arith.muli %add3A_160, %mul3A_314 : i32
        %add3A_316 = arith.constant 1 : i32
        %add3A_317 = arith.addi %mul3A_315, %add3A_316 : i32
        %swap3A_318 = arith.index_cast %add3A_317 : i32 to index
        %swap3A_319 = arith.constant 16 : index
        %swap3A_320 = tpu.vector_load %arg18[%swap3A_318, %swap3A_319] {strides = array<i32>} : memref<128x128xf32, #tpu.memory_space<vmem>>, vector<1x16xf32>,
        %swap3A_321 = vector.shape_cast %swap3A_320 : vector<1x16xf32> to vector<16xf32>
        %swap3A_322 = vector.shape_cast %mul3A_313 : vector<16xf32> to vector<1x16xf32>
        tpu.vector_store %arg18[%swap3A_318, %swap3A_319], %swap3A_322 {strides = array<i32>} : memref<128x128xf32, #tpu.memory_space<vmem>>, vector<1x16xf32>,
        %mul3A_323 = arith.constant 2.000000e-02 : f32
        %mul3A_324 = vector.broadcast %mul3A_323 : f32 to vector<16xf32>
        %mul3A_325 = arith.mulf %scan3A_297#2, %mul3A_324 : vector<16xf32>
        %mul3A_326 = arith.constant 2 : i32
        %mul3A_327 = arith.muli %add3A_160, %mul3A_326 : i32
        %add3A_328 = arith.constant 1 : i32
        %add3A_329 = arith.addi %mul3A_327, %add3A_328 : i32
        %swap3A_330 = arith.index_cast %add3A_329 : i32 to index
        %swap3A_331 = arith.constant 32 : index
        %swap3A_332 = tpu.vector_load %arg18[%swap3A_330, %swap3A_331] {strides = array<i32>} : memref<128x128xf32, #tpu.memory_space<vmem>>, vector<1x16xf32>,
        %swap3A_333 = vector.shape_cast %swap3A_332 : vector<1x16xf32> to vector<16xf32>
        %swap3A_334 = vector.shape_cast %mul3A_325 : vector<16xf32> to vector<1x16xf32>
        tpu.vector_store %arg18[%swap3A_330, %swap3A_331], %swap3A_334 {strides = array<i32>} : memref<128x128xf32, #tpu.memory_space<vmem>>, vector<1x16xf32>,
        %mul3A_335 = arith.constant 2.000000e-02 : f32
        %mul3A_336 = vector.broadcast %mul3A_335 : f32 to vector<16xf32>
        %mul3A_337 = arith.mulf %scan3A_297#3, %mul3A_336 : vector<16xf32>
        %mul3A_338 = arith.constant 2 : i32
        %mul3A_339 = arith.muli %add3A_160, %mul3A_338 : i32
        %add3A_340 = arith.constant 1 : i32
        %add3A_341 = arith.addi %mul3A_339, %add3A_340 : i32
        %swap3A_342 = arith.index_cast %add3A_341 : i32 to index
        %swap3A_343 = arith.constant 48 : index
        %swap3A_344 = tpu.vector_load %arg18[%swap3A_342, %swap3A_343] {strides = array<i32>} : memref<128x128xf32, #tpu.memory_space<vmem>>, vector<1x16xf32>,
        %swap3A_345 = vector.shape_cast %swap3A_344 : vector<1x16xf32> to vector<16xf32>
        %swap3A_346 = vector.shape_cast %mul3A_337 : vector<16xf32> to vector<1x16xf32>
        tpu.vector_store %arg18[%swap3A_342, %swap3A_343], %swap3A_346 {strides = array<i32>} : memref<128x128xf32, #tpu.memory_space<vmem>>, vector<1x16xf32>,
        %mul3A_347 = arith.constant 2.000000e-02 : f32
        %mul3A_348 = vector.broadcast %mul3A_347 : f32 to vector<16xf32>
        %mul3A_349 = arith.mulf %scan3A_297#4, %mul3A_348 : vector<16xf32>
        %mul3A_350 = arith.constant 2 : i32
        %mul3A_351 = arith.muli %add3A_160, %mul3A_350 : i32
        %add3A_352 = arith.constant 1 : i32
        %add3A_353 = arith.addi %mul3A_351, %add3A_352 : i32
        %swap3A_354 = arith.index_cast %add3A_353 : i32 to index
        %swap3A_355 = arith.constant 64 : index
        %swap3A_356 = tpu.vector_load %arg18[%swap3A_354, %swap3A_355] {strides = array<i32>} : memref<128x128xf32, #tpu.memory_space<vmem>>, vector<1x16xf32>,
        %swap3A_357 = vector.shape_cast %swap3A_356 : vector<1x16xf32> to vector<16xf32>
        %swap3A_358 = vector.shape_cast %mul3A_349 : vector<16xf32> to vector<1x16xf32>
        tpu.vector_store %arg18[%swap3A_354, %swap3A_355], %swap3A_358 {strides = array<i32>} : memref<128x128xf32, #tpu.memory_space<vmem>>, vector<1x16xf32>,
        %mul3A_359 = arith.constant 2.000000e-02 : f32
        %mul3A_360 = vector.broadcast %mul3A_359 : f32 to vector<16xf32>
        %mul3A_361 = arith.mulf %scan3A_297#5, %mul3A_360 : vector<16xf32>
        %mul3A_362 = arith.constant 2 : i32
        %mul3A_363 = arith.muli %add3A_160, %mul3A_362 : i32
        %add3A_364 = arith.constant 1 : i32
        %add3A_365 = arith.addi %mul3A_363, %add3A_364 : i32
        %swap3A_366 = arith.index_cast %add3A_365 : i32 to index
        %swap3A_367 = arith.constant 80 : index
        %swap3A_368 = tpu.vector_load %arg18[%swap3A_366, %swap3A_367] {strides = array<i32>} : memref<128x128xf32, #tpu.memory_space<vmem>>, vector<1x16xf32>,
        %swap3A_369 = vector.shape_cast %swap3A_368 : vector<1x16xf32> to vector<16xf32>
        %swap3A_370 = vector.shape_cast %mul3A_361 : vector<16xf32> to vector<1x16xf32>
        tpu.vector_store %arg18[%swap3A_366, %swap3A_367], %swap3A_370 {strides = array<i32>} : memref<128x128xf32, #tpu.memory_space<vmem>>, vector<1x16xf32>,
        %mul3A_371 = arith.constant 2.000000e-02 : f32
        %mul3A_372 = vector.broadcast %mul3A_371 : f32 to vector<16xf32>
        %mul3A_373 = arith.mulf %scan3A_297#6, %mul3A_372 : vector<16xf32>
        %mul3A_374 = arith.constant 2 : i32
        %mul3A_375 = arith.muli %add3A_160, %mul3A_374 : i32
        %add3A_376 = arith.constant 1 : i32
        %add3A_377 = arith.addi %mul3A_375, %add3A_376 : i32
        %swap3A_378 = arith.index_cast %add3A_377 : i32 to index
        %swap3A_379 = arith.constant 96 : index
        %swap3A_380 = tpu.vector_load %arg18[%swap3A_378, %swap3A_379] {strides = array<i32>} : memref<128x128xf32, #tpu.memory_space<vmem>>, vector<1x16xf32>,
        %swap3A_381 = vector.shape_cast %swap3A_380 : vector<1x16xf32> to vector<16xf32>
        %swap3A_382 = vector.shape_cast %mul3A_373 : vector<16xf32> to vector<1x16xf32>
        tpu.vector_store %arg18[%swap3A_378, %swap3A_379], %swap3A_382 {strides = array<i32>} : memref<128x128xf32, #tpu.memory_space<vmem>>, vector<1x16xf32>,
        %mul3A_383 = arith.constant 2.000000e-02 : f32
        %mul3A_384 = vector.broadcast %mul3A_383 : f32 to vector<16xf32>
        %mul3A_385 = arith.mulf %scan3A_297#7, %mul3A_384 : vector<16xf32>
        %mul3A_386 = arith.constant 2 : i32
        %mul3A_387 = arith.muli %add3A_160, %mul3A_386 : i32
        %add3A_388 = arith.constant 1 : i32
        %add3A_389 = arith.addi %mul3A_387, %add3A_388 : i32
        %swap3A_390 = arith.index_cast %add3A_389 : i32 to index
        %swap3A_391 = arith.constant 112 : index
        %swap3A_392 = tpu.vector_load %arg18[%swap3A_390, %swap3A_391] {strides = array<i32>} : memref<128x128xf32, #tpu.memory_space<vmem>>, vector<1x16xf32>,
        %swap3A_393 = vector.shape_cast %swap3A_392 : vector<1x16xf32> to vector<16xf32>
        %swap3A_394 = vector.shape_cast %mul3A_385 : vector<16xf32> to vector<1x16xf32>
        tpu.vector_store %arg18[%swap3A_390, %swap3A_391], %swap3A_394 {strides = array<i32>} : memref<128x128xf32, #tpu.memory_space<vmem>>, vector<1x16xf32>,
      } else {
      }
      %add3A_116 = arith.constant 4 : i32
      %add3A_117 = arith.addi %add3A_47, %add3A_116 : i32
      %add3A_118 = arith.constant 6 : i32
      %add3A_119 = arith.addi %add3A_117, %add3A_118 : i32
      %sub3A_120 = arith.constant 1 : i32
      %sub3A_121 = arith.subi %add3A_119, %sub3A_120 : i32
      %lt3A_122 = arith.constant 64 : i32
      %lt3A_123 = arith.cmpi slt, %sub3A_121, %lt3A_122 : i32
      %convert_element_type3A_124 = arith.extui %lt3A_123 : i1 to i32
      %cond3A_125 = arith.constant 0 : i32
      %cond3A_126 = arith.cmpi ne, %convert_element_type3A_124, %cond3A_125 : i32
      scf.if %cond3A_126 {
        %dma_start3A_152 = arith.constant 0 : i32
        %dma_start3A_153 = tpu.memref_slice %arg5[%sub3A_121, %dma_start3A_152] : memref<64x100xi32, #tpu.memory_space<vmem>> -> memref<1x100xi32, #tpu.memory_space<vmem>>
        %dma_start3A_154 = tpu.memref_squeeze %dma_start3A_153 : memref<1x100xi32, #tpu.memory_space<vmem>> -> memref<100xi32, #tpu.memory_space<vmem>>
        %dma_start3A_155 = arith.constant 0 : i32
        %dma_start3A_156 = arith.constant 0 : i32
        %dma_start3A_157 = tpu.memref_slice %arg3[%dma_start3A_155, %dma_start3A_156] : memref<100000x128xf32, #tpu.memory_space<hbm>> -> memref<100000x128xf32, #tpu.memory_space<hbm>>
        tpu.enqueue_indirect_dma source(%dma_start3A_157 : memref<100000x128xf32, #tpu.memory_space<hbm>>) target(%arg9 : memref<100x128xf32, #tpu.memory_space<vmem>>) offsets(%dma_start3A_154 : memref<100xi32, #tpu.memory_space<vmem>>) semaphore(%arg15 : memref<!tpu.dma_semaphore, #tpu.memory_space<semaphore_mem>>)
      } else {
      }
      %add3A_127 = arith.constant 4 : i32
      %add3A_128 = arith.addi %add3A_47, %add3A_127 : i32
      %lt3A_129 = arith.constant 64 : i32
      %lt3A_130 = arith.cmpi slt, %add3A_128, %lt3A_129 : i32
      %convert_element_type3A_131 = arith.extui %lt3A_130 : i1 to i32
      %cond3A_132 = arith.constant 0 : i32
      %cond3A_133 = arith.cmpi ne, %convert_element_type3A_131, %cond3A_132 : i32
      scf.if %cond3A_133 {
        %add3A_152 = arith.constant 4 : i32
        %add3A_153 = arith.addi %add3A_47, %add3A_152 : i32
        %dma_wait3A = arith.constant 0 : i32
        %dma_wait3A_154 = tpu.memref_slice %arg5[%add3A_153, %dma_wait3A] : memref<64x100xi32, #tpu.memory_space<vmem>> -> memref<1x100xi32, #tpu.memory_space<vmem>>
        %dma_wait3A_155 = tpu.memref_squeeze %dma_wait3A_154 : memref<1x100xi32, #tpu.memory_space<vmem>> -> memref<100xi32, #tpu.memory_space<vmem>>
        %dma_wait3A_156 = arith.constant 0 : i32
        %dma_wait3A_157 = arith.constant 0 : i32
        %dma_wait3A_158 = tpu.memref_slice %arg3[%dma_wait3A_156, %dma_wait3A_157] : memref<100000x128xf32, #tpu.memory_space<hbm>> -> memref<100000x128xf32, #tpu.memory_space<hbm>>
        tpu.wait_indirect_dma semaphore(%arg16 : memref<!tpu.dma_semaphore, #tpu.memory_space<semaphore_mem>>) src(%dma_wait3A_158 : memref<100000x128xf32, #tpu.memory_space<hbm>>) dst(%arg10 : memref<100x128xf32, #tpu.memory_space<vmem>>)
        %add3A_159 = arith.constant 4 : i32
        %add3A_160 = arith.addi %add3A_47, %add3A_159 : i32
        %broadcast_in_dim3A = arith.constant 0.000000e+00 : f32
        %broadcast_in_dim3A_161 = vector.broadcast %broadcast_in_dim3A : f32 to vector<16xf32>
        %broadcast_in_dim3A_162 = arith.constant 0.000000e+00 : f32
        %broadcast_in_dim3A_163 = vector.broadcast %broadcast_in_dim3A_162 : f32 to vector<16xf32>
        %broadcast_in_dim3A_164 = arith.constant 0.000000e+00 : f32
        %broadcast_in_dim3A_165 = vector.broadcast %broadcast_in_dim3A_164 : f32 to vector<16xf32>
        %broadcast_in_dim3A_166 = arith.constant 0.000000e+00 : f32
        %broadcast_in_dim3A_167 = vector.broadcast %broadcast_in_dim3A_166 : f32 to vector<16xf32>
        %broadcast_in_dim3A_168 = arith.constant 0.000000e+00 : f32
        %broadcast_in_dim3A_169 = vector.broadcast %broadcast_in_dim3A_168 : f32 to vector<16xf32>
        %broadcast_in_dim3A_170 = arith.constant 0.000000e+00 : f32
        %broadcast_in_dim3A_171 = vector.broadcast %broadcast_in_dim3A_170 : f32 to vector<16xf32>
        %broadcast_in_dim3A_172 = arith.constant 0.000000e+00 : f32
        %broadcast_in_dim3A_173 = vector.broadcast %broadcast_in_dim3A_172 : f32 to vector<16xf32>
        %broadcast_in_dim3A_174 = arith.constant 0.000000e+00 : f32
        %broadcast_in_dim3A_175 = vector.broadcast %broadcast_in_dim3A_174 : f32 to vector<16xf32>
        %scan3A_176 = arith.constant 0 : i32
        %scan3A_177 = arith.constant 50 : i32
        %scan3A_178 = arith.addi %scan3A_176, %scan3A_177 : i32
        %scan3A_179 = arith.constant 1 : i32
        %scan3A_180:8 = scf.for %scan3A_395 = %scan3A_176 to %scan3A_178 step %scan3A_179 iter_args(%scan3A_396 = %broadcast_in_dim3A_161, %scan3A_397 = %broadcast_in_dim3A_163, %scan3A_398 = %broadcast_in_dim3A_165, %scan3A_399 = %broadcast_in_dim3A_167, %scan3A_400 = %broadcast_in_dim3A_169, %scan3A_401 = %broadcast_in_dim3A_171, %scan3A_402 = %broadcast_in_dim3A_173, %scan3A_403 = %broadcast_in_dim3A_175) -> (vector<16xf32>, vector<16xf32>, vector<16xf32>, vector<16xf32>, vector<16xf32>, vector<16xf32>, vector<16xf32>, vector<16xf32>)  : i32 {
          %add3A_404 = arith.constant 0 : i32
          %add3A_405 = arith.addi %add3A_404, %scan3A_395 : i32
          %get3A = arith.index_cast %add3A_405 : i32 to index
          %get3A_406 = arith.constant 0 : index
          %get3A_407 = tpu.vector_load %arg10[%get3A, %get3A_406] {strides = array<i32>} : memref<100x128xf32, #tpu.memory_space<vmem>>, vector<1x16xf32>,
          %get3A_408 = vector.shape_cast %get3A_407 : vector<1x16xf32> to vector<16xf32>
          %add3A_409 = arith.addf %scan3A_396, %get3A_408 : vector<16xf32>
          %get3A_410 = arith.index_cast %add3A_405 : i32 to index
          %get3A_411 = arith.constant 16 : index
          %get3A_412 = tpu.vector_load %arg10[%get3A_410, %get3A_411] {strides = array<i32>} : memref<100x128xf32, #tpu.memory_space<vmem>>, vector<1x16xf32>,
          %get3A_413 = vector.shape_cast %get3A_412 : vector<1x16xf32> to vector<16xf32>
          %add3A_414 = arith.addf %scan3A_397, %get3A_413 : vector<16xf32>
          %get3A_415 = arith.index_cast %add3A_405 : i32 to index
          %get3A_416 = arith.constant 32 : index
          %get3A_417 = tpu.vector_load %arg10[%get3A_415, %get3A_416] {strides = array<i32>} : memref<100x128xf32, #tpu.memory_space<vmem>>, vector<1x16xf32>,
          %get3A_418 = vector.shape_cast %get3A_417 : vector<1x16xf32> to vector<16xf32>
          %add3A_419 = arith.addf %scan3A_398, %get3A_418 : vector<16xf32>
          %get3A_420 = arith.index_cast %add3A_405 : i32 to index
          %get3A_421 = arith.constant 48 : index
          %get3A_422 = tpu.vector_load %arg10[%get3A_420, %get3A_421] {strides = array<i32>} : memref<100x128xf32, #tpu.memory_space<vmem>>, vector<1x16xf32>,
          %get3A_423 = vector.shape_cast %get3A_422 : vector<1x16xf32> to vector<16xf32>
          %add3A_424 = arith.addf %scan3A_399, %get3A_423 : vector<16xf32>
          %get3A_425 = arith.index_cast %add3A_405 : i32 to index
          %get3A_426 = arith.constant 64 : index
          %get3A_427 = tpu.vector_load %arg10[%get3A_425, %get3A_426] {strides = array<i32>} : memref<100x128xf32, #tpu.memory_space<vmem>>, vector<1x16xf32>,
          %get3A_428 = vector.shape_cast %get3A_427 : vector<1x16xf32> to vector<16xf32>
          %add3A_429 = arith.addf %scan3A_400, %get3A_428 : vector<16xf32>
          %get3A_430 = arith.index_cast %add3A_405 : i32 to index
          %get3A_431 = arith.constant 80 : index
          %get3A_432 = tpu.vector_load %arg10[%get3A_430, %get3A_431] {strides = array<i32>} : memref<100x128xf32, #tpu.memory_space<vmem>>, vector<1x16xf32>,
          %get3A_433 = vector.shape_cast %get3A_432 : vector<1x16xf32> to vector<16xf32>
          %add3A_434 = arith.addf %scan3A_401, %get3A_433 : vector<16xf32>
          %get3A_435 = arith.index_cast %add3A_405 : i32 to index
          %get3A_436 = arith.constant 96 : index
          %get3A_437 = tpu.vector_load %arg10[%get3A_435, %get3A_436] {strides = array<i32>} : memref<100x128xf32, #tpu.memory_space<vmem>>, vector<1x16xf32>,
          %get3A_438 = vector.shape_cast %get3A_437 : vector<1x16xf32> to vector<16xf32>
          %add3A_439 = arith.addf %scan3A_402, %get3A_438 : vector<16xf32>
          %get3A_440 = arith.index_cast %add3A_405 : i32 to index
          %get3A_441 = arith.constant 112 : index
          %get3A_442 = tpu.vector_load %arg10[%get3A_440, %get3A_441] {strides = array<i32>} : memref<100x128xf32, #tpu.memory_space<vmem>>, vector<1x16xf32>,
          %get3A_443 = vector.shape_cast %get3A_442 : vector<1x16xf32> to vector<16xf32>
          %add3A_444 = arith.addf %scan3A_403, %get3A_443 : vector<16xf32>
          scf.yield %add3A_409, %add3A_414, %add3A_419, %add3A_424, %add3A_429, %add3A_434, %add3A_439, %add3A_444 : vector<16xf32>, vector<16xf32>, vector<16xf32>, vector<16xf32>, vector<16xf32>, vector<16xf32>, vector<16xf32>, vector<16xf32>
        }
        %scan3A_181 = arith.constant 50 : i32
        %mul3A_182 = arith.constant 2.000000e-02 : f32
        %mul3A_183 = vector.broadcast %mul3A_182 : f32 to vector<16xf32>
        %mul3A_184 = arith.mulf %scan3A_180#0, %mul3A_183 : vector<16xf32>
        %mul3A_185 = arith.constant 2 : i32
        %mul3A_186 = arith.muli %add3A_160, %mul3A_185 : i32
        %add3A_187 = arith.constant 0 : i32
        %add3A_188 = arith.addi %mul3A_186, %add3A_187 : i32
        %swap3A = arith.index_cast %add3A_188 : i32 to index
        %swap3A_189 = arith.constant 0 : index
        %swap3A_190 = tpu.vector_load %arg18[%swap3A, %swap3A_189] {strides = array<i32>} : memref<128x128xf32, #tpu.memory_space<vmem>>, vector<1x16xf32>,
        %swap3A_191 = vector.shape_cast %swap3A_190 : vector<1x16xf32> to vector<16xf32>
        %swap3A_192 = vector.shape_cast %mul3A_184 : vector<16xf32> to vector<1x16xf32>
        tpu.vector_store %arg18[%swap3A, %swap3A_189], %swap3A_192 {strides = array<i32>} : memref<128x128xf32, #tpu.memory_space<vmem>>, vector<1x16xf32>,
        %mul3A_193 = arith.constant 2.000000e-02 : f32
        %mul3A_194 = vector.broadcast %mul3A_193 : f32 to vector<16xf32>
        %mul3A_195 = arith.mulf %scan3A_180#1, %mul3A_194 : vector<16xf32>
        %mul3A_196 = arith.constant 2 : i32
        %mul3A_197 = arith.muli %add3A_160, %mul3A_196 : i32
        %add3A_198 = arith.constant 0 : i32
        %add3A_199 = arith.addi %mul3A_197, %add3A_198 : i32
        %swap3A_200 = arith.index_cast %add3A_199 : i32 to index
        %swap3A_201 = arith.constant 16 : index
        %swap3A_202 = tpu.vector_load %arg18[%swap3A_200, %swap3A_201] {strides = array<i32>} : memref<128x128xf32, #tpu.memory_space<vmem>>, vector<1x16xf32>,
        %swap3A_203 = vector.shape_cast %swap3A_202 : vector<1x16xf32> to vector<16xf32>
        %swap3A_204 = vector.shape_cast %mul3A_195 : vector<16xf32> to vector<1x16xf32>
        tpu.vector_store %arg18[%swap3A_200, %swap3A_201], %swap3A_204 {strides = array<i32>} : memref<128x128xf32, #tpu.memory_space<vmem>>, vector<1x16xf32>,
        %mul3A_205 = arith.constant 2.000000e-02 : f32
        %mul3A_206 = vector.broadcast %mul3A_205 : f32 to vector<16xf32>
        %mul3A_207 = arith.mulf %scan3A_180#2, %mul3A_206 : vector<16xf32>
        %mul3A_208 = arith.constant 2 : i32
        %mul3A_209 = arith.muli %add3A_160, %mul3A_208 : i32
        %add3A_210 = arith.constant 0 : i32
        %add3A_211 = arith.addi %mul3A_209, %add3A_210 : i32
        %swap3A_212 = arith.index_cast %add3A_211 : i32 to index
        %swap3A_213 = arith.constant 32 : index
        %swap3A_214 = tpu.vector_load %arg18[%swap3A_212, %swap3A_213] {strides = array<i32>} : memref<128x128xf32, #tpu.memory_space<vmem>>, vector<1x16xf32>,
        %swap3A_215 = vector.shape_cast %swap3A_214 : vector<1x16xf32> to vector<16xf32>
        %swap3A_216 = vector.shape_cast %mul3A_207 : vector<16xf32> to vector<1x16xf32>
        tpu.vector_store %arg18[%swap3A_212, %swap3A_213], %swap3A_216 {strides = array<i32>} : memref<128x128xf32, #tpu.memory_space<vmem>>, vector<1x16xf32>,
        %mul3A_217 = arith.constant 2.000000e-02 : f32
        %mul3A_218 = vector.broadcast %mul3A_217 : f32 to vector<16xf32>
        %mul3A_219 = arith.mulf %scan3A_180#3, %mul3A_218 : vector<16xf32>
        %mul3A_220 = arith.constant 2 : i32
        %mul3A_221 = arith.muli %add3A_160, %mul3A_220 : i32
        %add3A_222 = arith.constant 0 : i32
        %add3A_223 = arith.addi %mul3A_221, %add3A_222 : i32
        %swap3A_224 = arith.index_cast %add3A_223 : i32 to index
        %swap3A_225 = arith.constant 48 : index
        %swap3A_226 = tpu.vector_load %arg18[%swap3A_224, %swap3A_225] {strides = array<i32>} : memref<128x128xf32, #tpu.memory_space<vmem>>, vector<1x16xf32>,
        %swap3A_227 = vector.shape_cast %swap3A_226 : vector<1x16xf32> to vector<16xf32>
        %swap3A_228 = vector.shape_cast %mul3A_219 : vector<16xf32> to vector<1x16xf32>
        tpu.vector_store %arg18[%swap3A_224, %swap3A_225], %swap3A_228 {strides = array<i32>} : memref<128x128xf32, #tpu.memory_space<vmem>>, vector<1x16xf32>,
        %mul3A_229 = arith.constant 2.000000e-02 : f32
        %mul3A_230 = vector.broadcast %mul3A_229 : f32 to vector<16xf32>
        %mul3A_231 = arith.mulf %scan3A_180#4, %mul3A_230 : vector<16xf32>
        %mul3A_232 = arith.constant 2 : i32
        %mul3A_233 = arith.muli %add3A_160, %mul3A_232 : i32
        %add3A_234 = arith.constant 0 : i32
        %add3A_235 = arith.addi %mul3A_233, %add3A_234 : i32
        %swap3A_236 = arith.index_cast %add3A_235 : i32 to index
        %swap3A_237 = arith.constant 64 : index
        %swap3A_238 = tpu.vector_load %arg18[%swap3A_236, %swap3A_237] {strides = array<i32>} : memref<128x128xf32, #tpu.memory_space<vmem>>, vector<1x16xf32>,
        %swap3A_239 = vector.shape_cast %swap3A_238 : vector<1x16xf32> to vector<16xf32>
        %swap3A_240 = vector.shape_cast %mul3A_231 : vector<16xf32> to vector<1x16xf32>
        tpu.vector_store %arg18[%swap3A_236, %swap3A_237], %swap3A_240 {strides = array<i32>} : memref<128x128xf32, #tpu.memory_space<vmem>>, vector<1x16xf32>,
        %mul3A_241 = arith.constant 2.000000e-02 : f32
        %mul3A_242 = vector.broadcast %mul3A_241 : f32 to vector<16xf32>
        %mul3A_243 = arith.mulf %scan3A_180#5, %mul3A_242 : vector<16xf32>
        %mul3A_244 = arith.constant 2 : i32
        %mul3A_245 = arith.muli %add3A_160, %mul3A_244 : i32
        %add3A_246 = arith.constant 0 : i32
        %add3A_247 = arith.addi %mul3A_245, %add3A_246 : i32
        %swap3A_248 = arith.index_cast %add3A_247 : i32 to index
        %swap3A_249 = arith.constant 80 : index
        %swap3A_250 = tpu.vector_load %arg18[%swap3A_248, %swap3A_249] {strides = array<i32>} : memref<128x128xf32, #tpu.memory_space<vmem>>, vector<1x16xf32>,
        %swap3A_251 = vector.shape_cast %swap3A_250 : vector<1x16xf32> to vector<16xf32>
        %swap3A_252 = vector.shape_cast %mul3A_243 : vector<16xf32> to vector<1x16xf32>
        tpu.vector_store %arg18[%swap3A_248, %swap3A_249], %swap3A_252 {strides = array<i32>} : memref<128x128xf32, #tpu.memory_space<vmem>>, vector<1x16xf32>,
        %mul3A_253 = arith.constant 2.000000e-02 : f32
        %mul3A_254 = vector.broadcast %mul3A_253 : f32 to vector<16xf32>
        %mul3A_255 = arith.mulf %scan3A_180#6, %mul3A_254 : vector<16xf32>
        %mul3A_256 = arith.constant 2 : i32
        %mul3A_257 = arith.muli %add3A_160, %mul3A_256 : i32
        %add3A_258 = arith.constant 0 : i32
        %add3A_259 = arith.addi %mul3A_257, %add3A_258 : i32
        %swap3A_260 = arith.index_cast %add3A_259 : i32 to index
        %swap3A_261 = arith.constant 96 : index
        %swap3A_262 = tpu.vector_load %arg18[%swap3A_260, %swap3A_261] {strides = array<i32>} : memref<128x128xf32, #tpu.memory_space<vmem>>, vector<1x16xf32>,
        %swap3A_263 = vector.shape_cast %swap3A_262 : vector<1x16xf32> to vector<16xf32>
        %swap3A_264 = vector.shape_cast %mul3A_255 : vector<16xf32> to vector<1x16xf32>
        tpu.vector_store %arg18[%swap3A_260, %swap3A_261], %swap3A_264 {strides = array<i32>} : memref<128x128xf32, #tpu.memory_space<vmem>>, vector<1x16xf32>,
        %mul3A_265 = arith.constant 2.000000e-02 : f32
        %mul3A_266 = vector.broadcast %mul3A_265 : f32 to vector<16xf32>
        %mul3A_267 = arith.mulf %scan3A_180#7, %mul3A_266 : vector<16xf32>
        %mul3A_268 = arith.constant 2 : i32
        %mul3A_269 = arith.muli %add3A_160, %mul3A_268 : i32
        %add3A_270 = arith.constant 0 : i32
        %add3A_271 = arith.addi %mul3A_269, %add3A_270 : i32
        %swap3A_272 = arith.index_cast %add3A_271 : i32 to index
        %swap3A_273 = arith.constant 112 : index
        %swap3A_274 = tpu.vector_load %arg18[%swap3A_272, %swap3A_273] {strides = array<i32>} : memref<128x128xf32, #tpu.memory_space<vmem>>, vector<1x16xf32>,
        %swap3A_275 = vector.shape_cast %swap3A_274 : vector<1x16xf32> to vector<16xf32>
        %swap3A_276 = vector.shape_cast %mul3A_267 : vector<16xf32> to vector<1x16xf32>
        tpu.vector_store %arg18[%swap3A_272, %swap3A_273], %swap3A_276 {strides = array<i32>} : memref<128x128xf32, #tpu.memory_space<vmem>>, vector<1x16xf32>,
        %broadcast_in_dim3A_277 = arith.constant 0.000000e+00 : f32
        %broadcast_in_dim3A_278 = vector.broadcast %broadcast_in_dim3A_277 : f32 to vector<16xf32>
        %broadcast_in_dim3A_279 = arith.constant 0.000000e+00 : f32
        %broadcast_in_dim3A_280 = vector.broadcast %broadcast_in_dim3A_279 : f32 to vector<16xf32>
        %broadcast_in_dim3A_281 = arith.constant 0.000000e+00 : f32
        %broadcast_in_dim3A_282 = vector.broadcast %broadcast_in_dim3A_281 : f32 to vector<16xf32>
        %broadcast_in_dim3A_283 = arith.constant 0.000000e+00 : f32
        %broadcast_in_dim3A_284 = vector.broadcast %broadcast_in_dim3A_283 : f32 to vector<16xf32>
        %broadcast_in_dim3A_285 = arith.constant 0.000000e+00 : f32
        %broadcast_in_dim3A_286 = vector.broadcast %broadcast_in_dim3A_285 : f32 to vector<16xf32>
        %broadcast_in_dim3A_287 = arith.constant 0.000000e+00 : f32
        %broadcast_in_dim3A_288 = vector.broadcast %broadcast_in_dim3A_287 : f32 to vector<16xf32>
        %broadcast_in_dim3A_289 = arith.constant 0.000000e+00 : f32
        %broadcast_in_dim3A_290 = vector.broadcast %broadcast_in_dim3A_289 : f32 to vector<16xf32>
        %broadcast_in_dim3A_291 = arith.constant 0.000000e+00 : f32
        %broadcast_in_dim3A_292 = vector.broadcast %broadcast_in_dim3A_291 : f32 to vector<16xf32>
        %scan3A_293 = arith.constant 0 : i32
        %scan3A_294 = arith.constant 50 : i32
        %scan3A_295 = arith.addi %scan3A_293, %scan3A_294 : i32
        %scan3A_296 = arith.constant 1 : i32
        %scan3A_297:8 = scf.for %scan3A_395 = %scan3A_293 to %scan3A_295 step %scan3A_296 iter_args(%scan3A_396 = %broadcast_in_dim3A_278, %scan3A_397 = %broadcast_in_dim3A_280, %scan3A_398 = %broadcast_in_dim3A_282, %scan3A_399 = %broadcast_in_dim3A_284, %scan3A_400 = %broadcast_in_dim3A_286, %scan3A_401 = %broadcast_in_dim3A_288, %scan3A_402 = %broadcast_in_dim3A_290, %scan3A_403 = %broadcast_in_dim3A_292) -> (vector<16xf32>, vector<16xf32>, vector<16xf32>, vector<16xf32>, vector<16xf32>, vector<16xf32>, vector<16xf32>, vector<16xf32>)  : i32 {
          %add3A_404 = arith.constant 50 : i32
          %add3A_405 = arith.addi %add3A_404, %scan3A_395 : i32
          %get3A = arith.index_cast %add3A_405 : i32 to index
          %get3A_406 = arith.constant 0 : index
          %get3A_407 = tpu.vector_load %arg10[%get3A, %get3A_406] {strides = array<i32>} : memref<100x128xf32, #tpu.memory_space<vmem>>, vector<1x16xf32>,
          %get3A_408 = vector.shape_cast %get3A_407 : vector<1x16xf32> to vector<16xf32>
          %add3A_409 = arith.addf %scan3A_396, %get3A_408 : vector<16xf32>
          %get3A_410 = arith.index_cast %add3A_405 : i32 to index
          %get3A_411 = arith.constant 16 : index
          %get3A_412 = tpu.vector_load %arg10[%get3A_410, %get3A_411] {strides = array<i32>} : memref<100x128xf32, #tpu.memory_space<vmem>>, vector<1x16xf32>,
          %get3A_413 = vector.shape_cast %get3A_412 : vector<1x16xf32> to vector<16xf32>
          %add3A_414 = arith.addf %scan3A_397, %get3A_413 : vector<16xf32>
          %get3A_415 = arith.index_cast %add3A_405 : i32 to index
          %get3A_416 = arith.constant 32 : index
          %get3A_417 = tpu.vector_load %arg10[%get3A_415, %get3A_416] {strides = array<i32>} : memref<100x128xf32, #tpu.memory_space<vmem>>, vector<1x16xf32>,
          %get3A_418 = vector.shape_cast %get3A_417 : vector<1x16xf32> to vector<16xf32>
          %add3A_419 = arith.addf %scan3A_398, %get3A_418 : vector<16xf32>
          %get3A_420 = arith.index_cast %add3A_405 : i32 to index
          %get3A_421 = arith.constant 48 : index
          %get3A_422 = tpu.vector_load %arg10[%get3A_420, %get3A_421] {strides = array<i32>} : memref<100x128xf32, #tpu.memory_space<vmem>>, vector<1x16xf32>,
          %get3A_423 = vector.shape_cast %get3A_422 : vector<1x16xf32> to vector<16xf32>
          %add3A_424 = arith.addf %scan3A_399, %get3A_423 : vector<16xf32>
          %get3A_425 = arith.index_cast %add3A_405 : i32 to index
          %get3A_426 = arith.constant 64 : index
          %get3A_427 = tpu.vector_load %arg10[%get3A_425, %get3A_426] {strides = array<i32>} : memref<100x128xf32, #tpu.memory_space<vmem>>, vector<1x16xf32>,
          %get3A_428 = vector.shape_cast %get3A_427 : vector<1x16xf32> to vector<16xf32>
          %add3A_429 = arith.addf %scan3A_400, %get3A_428 : vector<16xf32>
          %get3A_430 = arith.index_cast %add3A_405 : i32 to index
          %get3A_431 = arith.constant 80 : index
          %get3A_432 = tpu.vector_load %arg10[%get3A_430, %get3A_431] {strides = array<i32>} : memref<100x128xf32, #tpu.memory_space<vmem>>, vector<1x16xf32>,
          %get3A_433 = vector.shape_cast %get3A_432 : vector<1x16xf32> to vector<16xf32>
          %add3A_434 = arith.addf %scan3A_401, %get3A_433 : vector<16xf32>
          %get3A_435 = arith.index_cast %add3A_405 : i32 to index
          %get3A_436 = arith.constant 96 : index
          %get3A_437 = tpu.vector_load %arg10[%get3A_435, %get3A_436] {strides = array<i32>} : memref<100x128xf32, #tpu.memory_space<vmem>>, vector<1x16xf32>,
          %get3A_438 = vector.shape_cast %get3A_437 : vector<1x16xf32> to vector<16xf32>
          %add3A_439 = arith.addf %scan3A_402, %get3A_438 : vector<16xf32>
          %get3A_440 = arith.index_cast %add3A_405 : i32 to index
          %get3A_441 = arith.constant 112 : index
          %get3A_442 = tpu.vector_load %arg10[%get3A_440, %get3A_441] {strides = array<i32>} : memref<100x128xf32, #tpu.memory_space<vmem>>, vector<1x16xf32>,
          %get3A_443 = vector.shape_cast %get3A_442 : vector<1x16xf32> to vector<16xf32>
          %add3A_444 = arith.addf %scan3A_403, %get3A_443 : vector<16xf32>
          scf.yield %add3A_409, %add3A_414, %add3A_419, %add3A_424, %add3A_429, %add3A_434, %add3A_439, %add3A_444 : vector<16xf32>, vector<16xf32>, vector<16xf32>, vector<16xf32>, vector<16xf32>, vector<16xf32>, vector<16xf32>, vector<16xf32>
        }
        %scan3A_298 = arith.constant 50 : i32
        %mul3A_299 = arith.constant 2.000000e-02 : f32
        %mul3A_300 = vector.broadcast %mul3A_299 : f32 to vector<16xf32>
        %mul3A_301 = arith.mulf %scan3A_297#0, %mul3A_300 : vector<16xf32>
        %mul3A_302 = arith.constant 2 : i32
        %mul3A_303 = arith.muli %add3A_160, %mul3A_302 : i32
        %add3A_304 = arith.constant 1 : i32
        %add3A_305 = arith.addi %mul3A_303, %add3A_304 : i32
        %swap3A_306 = arith.index_cast %add3A_305 : i32 to index
        %swap3A_307 = arith.constant 0 : index
        %swap3A_308 = tpu.vector_load %arg18[%swap3A_306, %swap3A_307] {strides = array<i32>} : memref<128x128xf32, #tpu.memory_space<vmem>>, vector<1x16xf32>,
        %swap3A_309 = vector.shape_cast %swap3A_308 : vector<1x16xf32> to vector<16xf32>
        %swap3A_310 = vector.shape_cast %mul3A_301 : vector<16xf32> to vector<1x16xf32>
        tpu.vector_store %arg18[%swap3A_306, %swap3A_307], %swap3A_310 {strides = array<i32>} : memref<128x128xf32, #tpu.memory_space<vmem>>, vector<1x16xf32>,
        %mul3A_311 = arith.constant 2.000000e-02 : f32
        %mul3A_312 = vector.broadcast %mul3A_311 : f32 to vector<16xf32>
        %mul3A_313 = arith.mulf %scan3A_297#1, %mul3A_312 : vector<16xf32>
        %mul3A_314 = arith.constant 2 : i32
        %mul3A_315 = arith.muli %add3A_160, %mul3A_314 : i32
        %add3A_316 = arith.constant 1 : i32
        %add3A_317 = arith.addi %mul3A_315, %add3A_316 : i32
        %swap3A_318 = arith.index_cast %add3A_317 : i32 to index
        %swap3A_319 = arith.constant 16 : index
        %swap3A_320 = tpu.vector_load %arg18[%swap3A_318, %swap3A_319] {strides = array<i32>} : memref<128x128xf32, #tpu.memory_space<vmem>>, vector<1x16xf32>,
        %swap3A_321 = vector.shape_cast %swap3A_320 : vector<1x16xf32> to vector<16xf32>
        %swap3A_322 = vector.shape_cast %mul3A_313 : vector<16xf32> to vector<1x16xf32>
        tpu.vector_store %arg18[%swap3A_318, %swap3A_319], %swap3A_322 {strides = array<i32>} : memref<128x128xf32, #tpu.memory_space<vmem>>, vector<1x16xf32>,
        %mul3A_323 = arith.constant 2.000000e-02 : f32
        %mul3A_324 = vector.broadcast %mul3A_323 : f32 to vector<16xf32>
        %mul3A_325 = arith.mulf %scan3A_297#2, %mul3A_324 : vector<16xf32>
        %mul3A_326 = arith.constant 2 : i32
        %mul3A_327 = arith.muli %add3A_160, %mul3A_326 : i32
        %add3A_328 = arith.constant 1 : i32
        %add3A_329 = arith.addi %mul3A_327, %add3A_328 : i32
        %swap3A_330 = arith.index_cast %add3A_329 : i32 to index
        %swap3A_331 = arith.constant 32 : index
        %swap3A_332 = tpu.vector_load %arg18[%swap3A_330, %swap3A_331] {strides = array<i32>} : memref<128x128xf32, #tpu.memory_space<vmem>>, vector<1x16xf32>,
        %swap3A_333 = vector.shape_cast %swap3A_332 : vector<1x16xf32> to vector<16xf32>
        %swap3A_334 = vector.shape_cast %mul3A_325 : vector<16xf32> to vector<1x16xf32>
        tpu.vector_store %arg18[%swap3A_330, %swap3A_331], %swap3A_334 {strides = array<i32>} : memref<128x128xf32, #tpu.memory_space<vmem>>, vector<1x16xf32>,
        %mul3A_335 = arith.constant 2.000000e-02 : f32
        %mul3A_336 = vector.broadcast %mul3A_335 : f32 to vector<16xf32>
        %mul3A_337 = arith.mulf %scan3A_297#3, %mul3A_336 : vector<16xf32>
        %mul3A_338 = arith.constant 2 : i32
        %mul3A_339 = arith.muli %add3A_160, %mul3A_338 : i32
        %add3A_340 = arith.constant 1 : i32
        %add3A_341 = arith.addi %mul3A_339, %add3A_340 : i32
        %swap3A_342 = arith.index_cast %add3A_341 : i32 to index
        %swap3A_343 = arith.constant 48 : index
        %swap3A_344 = tpu.vector_load %arg18[%swap3A_342, %swap3A_343] {strides = array<i32>} : memref<128x128xf32, #tpu.memory_space<vmem>>, vector<1x16xf32>,
        %swap3A_345 = vector.shape_cast %swap3A_344 : vector<1x16xf32> to vector<16xf32>
        %swap3A_346 = vector.shape_cast %mul3A_337 : vector<16xf32> to vector<1x16xf32>
        tpu.vector_store %arg18[%swap3A_342, %swap3A_343], %swap3A_346 {strides = array<i32>} : memref<128x128xf32, #tpu.memory_space<vmem>>, vector<1x16xf32>,
        %mul3A_347 = arith.constant 2.000000e-02 : f32
        %mul3A_348 = vector.broadcast %mul3A_347 : f32 to vector<16xf32>
        %mul3A_349 = arith.mulf %scan3A_297#4, %mul3A_348 : vector<16xf32>
        %mul3A_350 = arith.constant 2 : i32
        %mul3A_351 = arith.muli %add3A_160, %mul3A_350 : i32
        %add3A_352 = arith.constant 1 : i32
        %add3A_353 = arith.addi %mul3A_351, %add3A_352 : i32
        %swap3A_354 = arith.index_cast %add3A_353 : i32 to index
        %swap3A_355 = arith.constant 64 : index
        %swap3A_356 = tpu.vector_load %arg18[%swap3A_354, %swap3A_355] {strides = array<i32>} : memref<128x128xf32, #tpu.memory_space<vmem>>, vector<1x16xf32>,
        %swap3A_357 = vector.shape_cast %swap3A_356 : vector<1x16xf32> to vector<16xf32>
        %swap3A_358 = vector.shape_cast %mul3A_349 : vector<16xf32> to vector<1x16xf32>
        tpu.vector_store %arg18[%swap3A_354, %swap3A_355], %swap3A_358 {strides = array<i32>} : memref<128x128xf32, #tpu.memory_space<vmem>>, vector<1x16xf32>,
        %mul3A_359 = arith.constant 2.000000e-02 : f32
        %mul3A_360 = vector.broadcast %mul3A_359 : f32 to vector<16xf32>
        %mul3A_361 = arith.mulf %scan3A_297#5, %mul3A_360 : vector<16xf32>
        %mul3A_362 = arith.constant 2 : i32
        %mul3A_363 = arith.muli %add3A_160, %mul3A_362 : i32
        %add3A_364 = arith.constant 1 : i32
        %add3A_365 = arith.addi %mul3A_363, %add3A_364 : i32
        %swap3A_366 = arith.index_cast %add3A_365 : i32 to index
        %swap3A_367 = arith.constant 80 : index
        %swap3A_368 = tpu.vector_load %arg18[%swap3A_366, %swap3A_367] {strides = array<i32>} : memref<128x128xf32, #tpu.memory_space<vmem>>, vector<1x16xf32>,
        %swap3A_369 = vector.shape_cast %swap3A_368 : vector<1x16xf32> to vector<16xf32>
        %swap3A_370 = vector.shape_cast %mul3A_361 : vector<16xf32> to vector<1x16xf32>
        tpu.vector_store %arg18[%swap3A_366, %swap3A_367], %swap3A_370 {strides = array<i32>} : memref<128x128xf32, #tpu.memory_space<vmem>>, vector<1x16xf32>,
        %mul3A_371 = arith.constant 2.000000e-02 : f32
        %mul3A_372 = vector.broadcast %mul3A_371 : f32 to vector<16xf32>
        %mul3A_373 = arith.mulf %scan3A_297#6, %mul3A_372 : vector<16xf32>
        %mul3A_374 = arith.constant 2 : i32
        %mul3A_375 = arith.muli %add3A_160, %mul3A_374 : i32
        %add3A_376 = arith.constant 1 : i32
        %add3A_377 = arith.addi %mul3A_375, %add3A_376 : i32
        %swap3A_378 = arith.index_cast %add3A_377 : i32 to index
        %swap3A_379 = arith.constant 96 : index
        %swap3A_380 = tpu.vector_load %arg18[%swap3A_378, %swap3A_379] {strides = array<i32>} : memref<128x128xf32, #tpu.memory_space<vmem>>, vector<1x16xf32>,
        %swap3A_381 = vector.shape_cast %swap3A_380 : vector<1x16xf32> to vector<16xf32>
        %swap3A_382 = vector.shape_cast %mul3A_373 : vector<16xf32> to vector<1x16xf32>
        tpu.vector_store %arg18[%swap3A_378, %swap3A_379], %swap3A_382 {strides = array<i32>} : memref<128x128xf32, #tpu.memory_space<vmem>>, vector<1x16xf32>,
        %mul3A_383 = arith.constant 2.000000e-02 : f32
        %mul3A_384 = vector.broadcast %mul3A_383 : f32 to vector<16xf32>
        %mul3A_385 = arith.mulf %scan3A_297#7, %mul3A_384 : vector<16xf32>
        %mul3A_386 = arith.constant 2 : i32
        %mul3A_387 = arith.muli %add3A_160, %mul3A_386 : i32
        %add3A_388 = arith.constant 1 : i32
        %add3A_389 = arith.addi %mul3A_387, %add3A_388 : i32
        %swap3A_390 = arith.index_cast %add3A_389 : i32 to index
        %swap3A_391 = arith.constant 112 : index
        %swap3A_392 = tpu.vector_load %arg18[%swap3A_390, %swap3A_391] {strides = array<i32>} : memref<128x128xf32, #tpu.memory_space<vmem>>, vector<1x16xf32>,
        %swap3A_393 = vector.shape_cast %swap3A_392 : vector<1x16xf32> to vector<16xf32>
        %swap3A_394 = vector.shape_cast %mul3A_385 : vector<16xf32> to vector<1x16xf32>
        tpu.vector_store %arg18[%swap3A_390, %swap3A_391], %swap3A_394 {strides = array<i32>} : memref<128x128xf32, #tpu.memory_space<vmem>>, vector<1x16xf32>,
      } else {
      }
      %add3A_134 = arith.constant 5 : i32
      %add3A_135 = arith.addi %add3A_47, %add3A_134 : i32
      %add3A_136 = arith.constant 6 : i32
      %add3A_137 = arith.addi %add3A_135, %add3A_136 : i32
      %sub3A_138 = arith.constant 1 : i32
      %sub3A_139 = arith.subi %add3A_137, %sub3A_138 : i32
      %lt3A_140 = arith.constant 64 : i32
      %lt3A_141 = arith.cmpi slt, %sub3A_139, %lt3A_140 : i32
      %convert_element_type3A_142 = arith.extui %lt3A_141 : i1 to i32
      %cond3A_143 = arith.constant 0 : i32
      %cond3A_144 = arith.cmpi ne, %convert_element_type3A_142, %cond3A_143 : i32
      scf.if %cond3A_144 {
        %dma_start3A_152 = arith.constant 0 : i32
        %dma_start3A_153 = tpu.memref_slice %arg5[%sub3A_139, %dma_start3A_152] : memref<64x100xi32, #tpu.memory_space<vmem>> -> memref<1x100xi32, #tpu.memory_space<vmem>>
        %dma_start3A_154 = tpu.memref_squeeze %dma_start3A_153 : memref<1x100xi32, #tpu.memory_space<vmem>> -> memref<100xi32, #tpu.memory_space<vmem>>
        %dma_start3A_155 = arith.constant 0 : i32
        %dma_start3A_156 = arith.constant 0 : i32
        %dma_start3A_157 = tpu.memref_slice %arg3[%dma_start3A_155, %dma_start3A_156] : memref<100000x128xf32, #tpu.memory_space<hbm>> -> memref<100000x128xf32, #tpu.memory_space<hbm>>
        tpu.enqueue_indirect_dma source(%dma_start3A_157 : memref<100000x128xf32, #tpu.memory_space<hbm>>) target(%arg10 : memref<100x128xf32, #tpu.memory_space<vmem>>) offsets(%dma_start3A_154 : memref<100xi32, #tpu.memory_space<vmem>>) semaphore(%arg16 : memref<!tpu.dma_semaphore, #tpu.memory_space<semaphore_mem>>)
      } else {
      }
      %add3A_145 = arith.constant 5 : i32
      %add3A_146 = arith.addi %add3A_47, %add3A_145 : i32
      %lt3A_147 = arith.constant 64 : i32
      %lt3A_148 = arith.cmpi slt, %add3A_146, %lt3A_147 : i32
      %convert_element_type3A_149 = arith.extui %lt3A_148 : i1 to i32
      %cond3A_150 = arith.constant 0 : i32
      %cond3A_151 = arith.cmpi ne, %convert_element_type3A_149, %cond3A_150 : i32
      scf.if %cond3A_151 {
        %add3A_152 = arith.constant 5 : i32
        %add3A_153 = arith.addi %add3A_47, %add3A_152 : i32
        %dma_wait3A = arith.constant 0 : i32
        %dma_wait3A_154 = tpu.memref_slice %arg5[%add3A_153, %dma_wait3A] : memref<64x100xi32, #tpu.memory_space<vmem>> -> memref<1x100xi32, #tpu.memory_space<vmem>>
        %dma_wait3A_155 = tpu.memref_squeeze %dma_wait3A_154 : memref<1x100xi32, #tpu.memory_space<vmem>> -> memref<100xi32, #tpu.memory_space<vmem>>
        %dma_wait3A_156 = arith.constant 0 : i32
        %dma_wait3A_157 = arith.constant 0 : i32
        %dma_wait3A_158 = tpu.memref_slice %arg3[%dma_wait3A_156, %dma_wait3A_157] : memref<100000x128xf32, #tpu.memory_space<hbm>> -> memref<100000x128xf32, #tpu.memory_space<hbm>>
        tpu.wait_indirect_dma semaphore(%arg17 : memref<!tpu.dma_semaphore, #tpu.memory_space<semaphore_mem>>) src(%dma_wait3A_158 : memref<100000x128xf32, #tpu.memory_space<hbm>>) dst(%arg11 : memref<100x128xf32, #tpu.memory_space<vmem>>)
        %add3A_159 = arith.constant 5 : i32
        %add3A_160 = arith.addi %add3A_47, %add3A_159 : i32
        %broadcast_in_dim3A = arith.constant 0.000000e+00 : f32
        %broadcast_in_dim3A_161 = vector.broadcast %broadcast_in_dim3A : f32 to vector<16xf32>
        %broadcast_in_dim3A_162 = arith.constant 0.000000e+00 : f32
        %broadcast_in_dim3A_163 = vector.broadcast %broadcast_in_dim3A_162 : f32 to vector<16xf32>
        %broadcast_in_dim3A_164 = arith.constant 0.000000e+00 : f32
        %broadcast_in_dim3A_165 = vector.broadcast %broadcast_in_dim3A_164 : f32 to vector<16xf32>
        %broadcast_in_dim3A_166 = arith.constant 0.000000e+00 : f32
        %broadcast_in_dim3A_167 = vector.broadcast %broadcast_in_dim3A_166 : f32 to vector<16xf32>
        %broadcast_in_dim3A_168 = arith.constant 0.000000e+00 : f32
        %broadcast_in_dim3A_169 = vector.broadcast %broadcast_in_dim3A_168 : f32 to vector<16xf32>
        %broadcast_in_dim3A_170 = arith.constant 0.000000e+00 : f32
        %broadcast_in_dim3A_171 = vector.broadcast %broadcast_in_dim3A_170 : f32 to vector<16xf32>
        %broadcast_in_dim3A_172 = arith.constant 0.000000e+00 : f32
        %broadcast_in_dim3A_173 = vector.broadcast %broadcast_in_dim3A_172 : f32 to vector<16xf32>
        %broadcast_in_dim3A_174 = arith.constant 0.000000e+00 : f32
        %broadcast_in_dim3A_175 = vector.broadcast %broadcast_in_dim3A_174 : f32 to vector<16xf32>
        %scan3A_176 = arith.constant 0 : i32
        %scan3A_177 = arith.constant 50 : i32
        %scan3A_178 = arith.addi %scan3A_176, %scan3A_177 : i32
        %scan3A_179 = arith.constant 1 : i32
        %scan3A_180:8 = scf.for %scan3A_395 = %scan3A_176 to %scan3A_178 step %scan3A_179 iter_args(%scan3A_396 = %broadcast_in_dim3A_161, %scan3A_397 = %broadcast_in_dim3A_163, %scan3A_398 = %broadcast_in_dim3A_165, %scan3A_399 = %broadcast_in_dim3A_167, %scan3A_400 = %broadcast_in_dim3A_169, %scan3A_401 = %broadcast_in_dim3A_171, %scan3A_402 = %broadcast_in_dim3A_173, %scan3A_403 = %broadcast_in_dim3A_175) -> (vector<16xf32>, vector<16xf32>, vector<16xf32>, vector<16xf32>, vector<16xf32>, vector<16xf32>, vector<16xf32>, vector<16xf32>)  : i32 {
          %add3A_404 = arith.constant 0 : i32
          %add3A_405 = arith.addi %add3A_404, %scan3A_395 : i32
          %get3A = arith.index_cast %add3A_405 : i32 to index
          %get3A_406 = arith.constant 0 : index
          %get3A_407 = tpu.vector_load %arg11[%get3A, %get3A_406] {strides = array<i32>} : memref<100x128xf32, #tpu.memory_space<vmem>>, vector<1x16xf32>,
          %get3A_408 = vector.shape_cast %get3A_407 : vector<1x16xf32> to vector<16xf32>
          %add3A_409 = arith.addf %scan3A_396, %get3A_408 : vector<16xf32>
          %get3A_410 = arith.index_cast %add3A_405 : i32 to index
          %get3A_411 = arith.constant 16 : index
          %get3A_412 = tpu.vector_load %arg11[%get3A_410, %get3A_411] {strides = array<i32>} : memref<100x128xf32, #tpu.memory_space<vmem>>, vector<1x16xf32>,
          %get3A_413 = vector.shape_cast %get3A_412 : vector<1x16xf32> to vector<16xf32>
          %add3A_414 = arith.addf %scan3A_397, %get3A_413 : vector<16xf32>
          %get3A_415 = arith.index_cast %add3A_405 : i32 to index
          %get3A_416 = arith.constant 32 : index
          %get3A_417 = tpu.vector_load %arg11[%get3A_415, %get3A_416] {strides = array<i32>} : memref<100x128xf32, #tpu.memory_space<vmem>>, vector<1x16xf32>,
          %get3A_418 = vector.shape_cast %get3A_417 : vector<1x16xf32> to vector<16xf32>
          %add3A_419 = arith.addf %scan3A_398, %get3A_418 : vector<16xf32>
          %get3A_420 = arith.index_cast %add3A_405 : i32 to index
          %get3A_421 = arith.constant 48 : index
          %get3A_422 = tpu.vector_load %arg11[%get3A_420, %get3A_421] {strides = array<i32>} : memref<100x128xf32, #tpu.memory_space<vmem>>, vector<1x16xf32>,
          %get3A_423 = vector.shape_cast %get3A_422 : vector<1x16xf32> to vector<16xf32>
          %add3A_424 = arith.addf %scan3A_399, %get3A_423 : vector<16xf32>
          %get3A_425 = arith.index_cast %add3A_405 : i32 to index
          %get3A_426 = arith.constant 64 : index
          %get3A_427 = tpu.vector_load %arg11[%get3A_425, %get3A_426] {strides = array<i32>} : memref<100x128xf32, #tpu.memory_space<vmem>>, vector<1x16xf32>,
          %get3A_428 = vector.shape_cast %get3A_427 : vector<1x16xf32> to vector<16xf32>
          %add3A_429 = arith.addf %scan3A_400, %get3A_428 : vector<16xf32>
          %get3A_430 = arith.index_cast %add3A_405 : i32 to index
          %get3A_431 = arith.constant 80 : index
          %get3A_432 = tpu.vector_load %arg11[%get3A_430, %get3A_431] {strides = array<i32>} : memref<100x128xf32, #tpu.memory_space<vmem>>, vector<1x16xf32>,
          %get3A_433 = vector.shape_cast %get3A_432 : vector<1x16xf32> to vector<16xf32>
          %add3A_434 = arith.addf %scan3A_401, %get3A_433 : vector<16xf32>
          %get3A_435 = arith.index_cast %add3A_405 : i32 to index
          %get3A_436 = arith.constant 96 : index
          %get3A_437 = tpu.vector_load %arg11[%get3A_435, %get3A_436] {strides = array<i32>} : memref<100x128xf32, #tpu.memory_space<vmem>>, vector<1x16xf32>,
          %get3A_438 = vector.shape_cast %get3A_437 : vector<1x16xf32> to vector<16xf32>
          %add3A_439 = arith.addf %scan3A_402, %get3A_438 : vector<16xf32>
          %get3A_440 = arith.index_cast %add3A_405 : i32 to index
          %get3A_441 = arith.constant 112 : index
          %get3A_442 = tpu.vector_load %arg11[%get3A_440, %get3A_441] {strides = array<i32>} : memref<100x128xf32, #tpu.memory_space<vmem>>, vector<1x16xf32>,
          %get3A_443 = vector.shape_cast %get3A_442 : vector<1x16xf32> to vector<16xf32>
          %add3A_444 = arith.addf %scan3A_403, %get3A_443 : vector<16xf32>
          scf.yield %add3A_409, %add3A_414, %add3A_419, %add3A_424, %add3A_429, %add3A_434, %add3A_439, %add3A_444 : vector<16xf32>, vector<16xf32>, vector<16xf32>, vector<16xf32>, vector<16xf32>, vector<16xf32>, vector<16xf32>, vector<16xf32>
        }
        %scan3A_181 = arith.constant 50 : i32
        %mul3A_182 = arith.constant 2.000000e-02 : f32
        %mul3A_183 = vector.broadcast %mul3A_182 : f32 to vector<16xf32>
        %mul3A_184 = arith.mulf %scan3A_180#0, %mul3A_183 : vector<16xf32>
        %mul3A_185 = arith.constant 2 : i32
        %mul3A_186 = arith.muli %add3A_160, %mul3A_185 : i32
        %add3A_187 = arith.constant 0 : i32
        %add3A_188 = arith.addi %mul3A_186, %add3A_187 : i32
        %swap3A = arith.index_cast %add3A_188 : i32 to index
        %swap3A_189 = arith.constant 0 : index
        %swap3A_190 = tpu.vector_load %arg18[%swap3A, %swap3A_189] {strides = array<i32>} : memref<128x128xf32, #tpu.memory_space<vmem>>, vector<1x16xf32>,
        %swap3A_191 = vector.shape_cast %swap3A_190 : vector<1x16xf32> to vector<16xf32>
        %swap3A_192 = vector.shape_cast %mul3A_184 : vector<16xf32> to vector<1x16xf32>
        tpu.vector_store %arg18[%swap3A, %swap3A_189], %swap3A_192 {strides = array<i32>} : memref<128x128xf32, #tpu.memory_space<vmem>>, vector<1x16xf32>,
        %mul3A_193 = arith.constant 2.000000e-02 : f32
        %mul3A_194 = vector.broadcast %mul3A_193 : f32 to vector<16xf32>
        %mul3A_195 = arith.mulf %scan3A_180#1, %mul3A_194 : vector<16xf32>
        %mul3A_196 = arith.constant 2 : i32
        %mul3A_197 = arith.muli %add3A_160, %mul3A_196 : i32
        %add3A_198 = arith.constant 0 : i32
        %add3A_199 = arith.addi %mul3A_197, %add3A_198 : i32
        %swap3A_200 = arith.index_cast %add3A_199 : i32 to index
        %swap3A_201 = arith.constant 16 : index
        %swap3A_202 = tpu.vector_load %arg18[%swap3A_200, %swap3A_201] {strides = array<i32>} : memref<128x128xf32, #tpu.memory_space<vmem>>, vector<1x16xf32>,
        %swap3A_203 = vector.shape_cast %swap3A_202 : vector<1x16xf32> to vector<16xf32>
        %swap3A_204 = vector.shape_cast %mul3A_195 : vector<16xf32> to vector<1x16xf32>
        tpu.vector_store %arg18[%swap3A_200, %swap3A_201], %swap3A_204 {strides = array<i32>} : memref<128x128xf32, #tpu.memory_space<vmem>>, vector<1x16xf32>,
        %mul3A_205 = arith.constant 2.000000e-02 : f32
        %mul3A_206 = vector.broadcast %mul3A_205 : f32 to vector<16xf32>
        %mul3A_207 = arith.mulf %scan3A_180#2, %mul3A_206 : vector<16xf32>
        %mul3A_208 = arith.constant 2 : i32
        %mul3A_209 = arith.muli %add3A_160, %mul3A_208 : i32
        %add3A_210 = arith.constant 0 : i32
        %add3A_211 = arith.addi %mul3A_209, %add3A_210 : i32
        %swap3A_212 = arith.index_cast %add3A_211 : i32 to index
        %swap3A_213 = arith.constant 32 : index
        %swap3A_214 = tpu.vector_load %arg18[%swap3A_212, %swap3A_213] {strides = array<i32>} : memref<128x128xf32, #tpu.memory_space<vmem>>, vector<1x16xf32>,
        %swap3A_215 = vector.shape_cast %swap3A_214 : vector<1x16xf32> to vector<16xf32>
        %swap3A_216 = vector.shape_cast %mul3A_207 : vector<16xf32> to vector<1x16xf32>
        tpu.vector_store %arg18[%swap3A_212, %swap3A_213], %swap3A_216 {strides = array<i32>} : memref<128x128xf32, #tpu.memory_space<vmem>>, vector<1x16xf32>,
        %mul3A_217 = arith.constant 2.000000e-02 : f32
        %mul3A_218 = vector.broadcast %mul3A_217 : f32 to vector<16xf32>
        %mul3A_219 = arith.mulf %scan3A_180#3, %mul3A_218 : vector<16xf32>
        %mul3A_220 = arith.constant 2 : i32
        %mul3A_221 = arith.muli %add3A_160, %mul3A_220 : i32
        %add3A_222 = arith.constant 0 : i32
        %add3A_223 = arith.addi %mul3A_221, %add3A_222 : i32
        %swap3A_224 = arith.index_cast %add3A_223 : i32 to index
        %swap3A_225 = arith.constant 48 : index
        %swap3A_226 = tpu.vector_load %arg18[%swap3A_224, %swap3A_225] {strides = array<i32>} : memref<128x128xf32, #tpu.memory_space<vmem>>, vector<1x16xf32>,
        %swap3A_227 = vector.shape_cast %swap3A_226 : vector<1x16xf32> to vector<16xf32>
        %swap3A_228 = vector.shape_cast %mul3A_219 : vector<16xf32> to vector<1x16xf32>
        tpu.vector_store %arg18[%swap3A_224, %swap3A_225], %swap3A_228 {strides = array<i32>} : memref<128x128xf32, #tpu.memory_space<vmem>>, vector<1x16xf32>,
        %mul3A_229 = arith.constant 2.000000e-02 : f32
        %mul3A_230 = vector.broadcast %mul3A_229 : f32 to vector<16xf32>
        %mul3A_231 = arith.mulf %scan3A_180#4, %mul3A_230 : vector<16xf32>
        %mul3A_232 = arith.constant 2 : i32
        %mul3A_233 = arith.muli %add3A_160, %mul3A_232 : i32
        %add3A_234 = arith.constant 0 : i32
        %add3A_235 = arith.addi %mul3A_233, %add3A_234 : i32
        %swap3A_236 = arith.index_cast %add3A_235 : i32 to index
        %swap3A_237 = arith.constant 64 : index
        %swap3A_238 = tpu.vector_load %arg18[%swap3A_236, %swap3A_237] {strides = array<i32>} : memref<128x128xf32, #tpu.memory_space<vmem>>, vector<1x16xf32>,
        %swap3A_239 = vector.shape_cast %swap3A_238 : vector<1x16xf32> to vector<16xf32>
        %swap3A_240 = vector.shape_cast %mul3A_231 : vector<16xf32> to vector<1x16xf32>
        tpu.vector_store %arg18[%swap3A_236, %swap3A_237], %swap3A_240 {strides = array<i32>} : memref<128x128xf32, #tpu.memory_space<vmem>>, vector<1x16xf32>,
        %mul3A_241 = arith.constant 2.000000e-02 : f32
        %mul3A_242 = vector.broadcast %mul3A_241 : f32 to vector<16xf32>
        %mul3A_243 = arith.mulf %scan3A_180#5, %mul3A_242 : vector<16xf32>
        %mul3A_244 = arith.constant 2 : i32
        %mul3A_245 = arith.muli %add3A_160, %mul3A_244 : i32
        %add3A_246 = arith.constant 0 : i32
        %add3A_247 = arith.addi %mul3A_245, %add3A_246 : i32
        %swap3A_248 = arith.index_cast %add3A_247 : i32 to index
        %swap3A_249 = arith.constant 80 : index
        %swap3A_250 = tpu.vector_load %arg18[%swap3A_248, %swap3A_249] {strides = array<i32>} : memref<128x128xf32, #tpu.memory_space<vmem>>, vector<1x16xf32>,
        %swap3A_251 = vector.shape_cast %swap3A_250 : vector<1x16xf32> to vector<16xf32>
        %swap3A_252 = vector.shape_cast %mul3A_243 : vector<16xf32> to vector<1x16xf32>
        tpu.vector_store %arg18[%swap3A_248, %swap3A_249], %swap3A_252 {strides = array<i32>} : memref<128x128xf32, #tpu.memory_space<vmem>>, vector<1x16xf32>,
        %mul3A_253 = arith.constant 2.000000e-02 : f32
        %mul3A_254 = vector.broadcast %mul3A_253 : f32 to vector<16xf32>
        %mul3A_255 = arith.mulf %scan3A_180#6, %mul3A_254 : vector<16xf32>
        %mul3A_256 = arith.constant 2 : i32
        %mul3A_257 = arith.muli %add3A_160, %mul3A_256 : i32
        %add3A_258 = arith.constant 0 : i32
        %add3A_259 = arith.addi %mul3A_257, %add3A_258 : i32
        %swap3A_260 = arith.index_cast %add3A_259 : i32 to index
        %swap3A_261 = arith.constant 96 : index
        %swap3A_262 = tpu.vector_load %arg18[%swap3A_260, %swap3A_261] {strides = array<i32>} : memref<128x128xf32, #tpu.memory_space<vmem>>, vector<1x16xf32>,
        %swap3A_263 = vector.shape_cast %swap3A_262 : vector<1x16xf32> to vector<16xf32>
        %swap3A_264 = vector.shape_cast %mul3A_255 : vector<16xf32> to vector<1x16xf32>
        tpu.vector_store %arg18[%swap3A_260, %swap3A_261], %swap3A_264 {strides = array<i32>} : memref<128x128xf32, #tpu.memory_space<vmem>>, vector<1x16xf32>,
        %mul3A_265 = arith.constant 2.000000e-02 : f32
        %mul3A_266 = vector.broadcast %mul3A_265 : f32 to vector<16xf32>
        %mul3A_267 = arith.mulf %scan3A_180#7, %mul3A_266 : vector<16xf32>
        %mul3A_268 = arith.constant 2 : i32
        %mul3A_269 = arith.muli %add3A_160, %mul3A_268 : i32
        %add3A_270 = arith.constant 0 : i32
        %add3A_271 = arith.addi %mul3A_269, %add3A_270 : i32
        %swap3A_272 = arith.index_cast %add3A_271 : i32 to index
        %swap3A_273 = arith.constant 112 : index
        %swap3A_274 = tpu.vector_load %arg18[%swap3A_272, %swap3A_273] {strides = array<i32>} : memref<128x128xf32, #tpu.memory_space<vmem>>, vector<1x16xf32>,
        %swap3A_275 = vector.shape_cast %swap3A_274 : vector<1x16xf32> to vector<16xf32>
        %swap3A_276 = vector.shape_cast %mul3A_267 : vector<16xf32> to vector<1x16xf32>
        tpu.vector_store %arg18[%swap3A_272, %swap3A_273], %swap3A_276 {strides = array<i32>} : memref<128x128xf32, #tpu.memory_space<vmem>>, vector<1x16xf32>,
        %broadcast_in_dim3A_277 = arith.constant 0.000000e+00 : f32
        %broadcast_in_dim3A_278 = vector.broadcast %broadcast_in_dim3A_277 : f32 to vector<16xf32>
        %broadcast_in_dim3A_279 = arith.constant 0.000000e+00 : f32
        %broadcast_in_dim3A_280 = vector.broadcast %broadcast_in_dim3A_279 : f32 to vector<16xf32>
        %broadcast_in_dim3A_281 = arith.constant 0.000000e+00 : f32
        %broadcast_in_dim3A_282 = vector.broadcast %broadcast_in_dim3A_281 : f32 to vector<16xf32>
        %broadcast_in_dim3A_283 = arith.constant 0.000000e+00 : f32
        %broadcast_in_dim3A_284 = vector.broadcast %broadcast_in_dim3A_283 : f32 to vector<16xf32>
        %broadcast_in_dim3A_285 = arith.constant 0.000000e+00 : f32
        %broadcast_in_dim3A_286 = vector.broadcast %broadcast_in_dim3A_285 : f32 to vector<16xf32>
        %broadcast_in_dim3A_287 = arith.constant 0.000000e+00 : f32
        %broadcast_in_dim3A_288 = vector.broadcast %broadcast_in_dim3A_287 : f32 to vector<16xf32>
        %broadcast_in_dim3A_289 = arith.constant 0.000000e+00 : f32
        %broadcast_in_dim3A_290 = vector.broadcast %broadcast_in_dim3A_289 : f32 to vector<16xf32>
        %broadcast_in_dim3A_291 = arith.constant 0.000000e+00 : f32
        %broadcast_in_dim3A_292 = vector.broadcast %broadcast_in_dim3A_291 : f32 to vector<16xf32>
        %scan3A_293 = arith.constant 0 : i32
        %scan3A_294 = arith.constant 50 : i32
        %scan3A_295 = arith.addi %scan3A_293, %scan3A_294 : i32
        %scan3A_296 = arith.constant 1 : i32
        %scan3A_297:8 = scf.for %scan3A_395 = %scan3A_293 to %scan3A_295 step %scan3A_296 iter_args(%scan3A_396 = %broadcast_in_dim3A_278, %scan3A_397 = %broadcast_in_dim3A_280, %scan3A_398 = %broadcast_in_dim3A_282, %scan3A_399 = %broadcast_in_dim3A_284, %scan3A_400 = %broadcast_in_dim3A_286, %scan3A_401 = %broadcast_in_dim3A_288, %scan3A_402 = %broadcast_in_dim3A_290, %scan3A_403 = %broadcast_in_dim3A_292) -> (vector<16xf32>, vector<16xf32>, vector<16xf32>, vector<16xf32>, vector<16xf32>, vector<16xf32>, vector<16xf32>, vector<16xf32>)  : i32 {
          %add3A_404 = arith.constant 50 : i32
          %add3A_405 = arith.addi %add3A_404, %scan3A_395 : i32
          %get3A = arith.index_cast %add3A_405 : i32 to index
          %get3A_406 = arith.constant 0 : index
          %get3A_407 = tpu.vector_load %arg11[%get3A, %get3A_406] {strides = array<i32>} : memref<100x128xf32, #tpu.memory_space<vmem>>, vector<1x16xf32>,
          %get3A_408 = vector.shape_cast %get3A_407 : vector<1x16xf32> to vector<16xf32>
          %add3A_409 = arith.addf %scan3A_396, %get3A_408 : vector<16xf32>
          %get3A_410 = arith.index_cast %add3A_405 : i32 to index
          %get3A_411 = arith.constant 16 : index
          %get3A_412 = tpu.vector_load %arg11[%get3A_410, %get3A_411] {strides = array<i32>} : memref<100x128xf32, #tpu.memory_space<vmem>>, vector<1x16xf32>,
          %get3A_413 = vector.shape_cast %get3A_412 : vector<1x16xf32> to vector<16xf32>
          %add3A_414 = arith.addf %scan3A_397, %get3A_413 : vector<16xf32>
          %get3A_415 = arith.index_cast %add3A_405 : i32 to index
          %get3A_416 = arith.constant 32 : index
          %get3A_417 = tpu.vector_load %arg11[%get3A_415, %get3A_416] {strides = array<i32>} : memref<100x128xf32, #tpu.memory_space<vmem>>, vector<1x16xf32>,
          %get3A_418 = vector.shape_cast %get3A_417 : vector<1x16xf32> to vector<16xf32>
          %add3A_419 = arith.addf %scan3A_398, %get3A_418 : vector<16xf32>
          %get3A_420 = arith.index_cast %add3A_405 : i32 to index
          %get3A_421 = arith.constant 48 : index
          %get3A_422 = tpu.vector_load %arg11[%get3A_420, %get3A_421] {strides = array<i32>} : memref<100x128xf32, #tpu.memory_space<vmem>>, vector<1x16xf32>,
          %get3A_423 = vector.shape_cast %get3A_422 : vector<1x16xf32> to vector<16xf32>
          %add3A_424 = arith.addf %scan3A_399, %get3A_423 : vector<16xf32>
          %get3A_425 = arith.index_cast %add3A_405 : i32 to index
          %get3A_426 = arith.constant 64 : index
          %get3A_427 = tpu.vector_load %arg11[%get3A_425, %get3A_426] {strides = array<i32>} : memref<100x128xf32, #tpu.memory_space<vmem>>, vector<1x16xf32>,
          %get3A_428 = vector.shape_cast %get3A_427 : vector<1x16xf32> to vector<16xf32>
          %add3A_429 = arith.addf %scan3A_400, %get3A_428 : vector<16xf32>
          %get3A_430 = arith.index_cast %add3A_405 : i32 to index
          %get3A_431 = arith.constant 80 : index
          %get3A_432 = tpu.vector_load %arg11[%get3A_430, %get3A_431] {strides = array<i32>} : memref<100x128xf32, #tpu.memory_space<vmem>>, vector<1x16xf32>,
          %get3A_433 = vector.shape_cast %get3A_432 : vector<1x16xf32> to vector<16xf32>
          %add3A_434 = arith.addf %scan3A_401, %get3A_433 : vector<16xf32>
          %get3A_435 = arith.index_cast %add3A_405 : i32 to index
          %get3A_436 = arith.constant 96 : index
          %get3A_437 = tpu.vector_load %arg11[%get3A_435, %get3A_436] {strides = array<i32>} : memref<100x128xf32, #tpu.memory_space<vmem>>, vector<1x16xf32>,
          %get3A_438 = vector.shape_cast %get3A_437 : vector<1x16xf32> to vector<16xf32>
          %add3A_439 = arith.addf %scan3A_402, %get3A_438 : vector<16xf32>
          %get3A_440 = arith.index_cast %add3A_405 : i32 to index
          %get3A_441 = arith.constant 112 : index
          %get3A_442 = tpu.vector_load %arg11[%get3A_440, %get3A_441] {strides = array<i32>} : memref<100x128xf32, #tpu.memory_space<vmem>>, vector<1x16xf32>,
          %get3A_443 = vector.shape_cast %get3A_442 : vector<1x16xf32> to vector<16xf32>
          %add3A_444 = arith.addf %scan3A_403, %get3A_443 : vector<16xf32>
          scf.yield %add3A_409, %add3A_414, %add3A_419, %add3A_424, %add3A_429, %add3A_434, %add3A_439, %add3A_444 : vector<16xf32>, vector<16xf32>, vector<16xf32>, vector<16xf32>, vector<16xf32>, vector<16xf32>, vector<16xf32>, vector<16xf32>
        }
        %scan3A_298 = arith.constant 50 : i32
        %mul3A_299 = arith.constant 2.000000e-02 : f32
        %mul3A_300 = vector.broadcast %mul3A_299 : f32 to vector<16xf32>
        %mul3A_301 = arith.mulf %scan3A_297#0, %mul3A_300 : vector<16xf32>
        %mul3A_302 = arith.constant 2 : i32
        %mul3A_303 = arith.muli %add3A_160, %mul3A_302 : i32
        %add3A_304 = arith.constant 1 : i32
        %add3A_305 = arith.addi %mul3A_303, %add3A_304 : i32
        %swap3A_306 = arith.index_cast %add3A_305 : i32 to index
        %swap3A_307 = arith.constant 0 : index
        %swap3A_308 = tpu.vector_load %arg18[%swap3A_306, %swap3A_307] {strides = array<i32>} : memref<128x128xf32, #tpu.memory_space<vmem>>, vector<1x16xf32>,
        %swap3A_309 = vector.shape_cast %swap3A_308 : vector<1x16xf32> to vector<16xf32>
        %swap3A_310 = vector.shape_cast %mul3A_301 : vector<16xf32> to vector<1x16xf32>
        tpu.vector_store %arg18[%swap3A_306, %swap3A_307], %swap3A_310 {strides = array<i32>} : memref<128x128xf32, #tpu.memory_space<vmem>>, vector<1x16xf32>,
        %mul3A_311 = arith.constant 2.000000e-02 : f32
        %mul3A_312 = vector.broadcast %mul3A_311 : f32 to vector<16xf32>
        %mul3A_313 = arith.mulf %scan3A_297#1, %mul3A_312 : vector<16xf32>
        %mul3A_314 = arith.constant 2 : i32
        %mul3A_315 = arith.muli %add3A_160, %mul3A_314 : i32
        %add3A_316 = arith.constant 1 : i32
        %add3A_317 = arith.addi %mul3A_315, %add3A_316 : i32
        %swap3A_318 = arith.index_cast %add3A_317 : i32 to index
        %swap3A_319 = arith.constant 16 : index
        %swap3A_320 = tpu.vector_load %arg18[%swap3A_318, %swap3A_319] {strides = array<i32>} : memref<128x128xf32, #tpu.memory_space<vmem>>, vector<1x16xf32>,
        %swap3A_321 = vector.shape_cast %swap3A_320 : vector<1x16xf32> to vector<16xf32>
        %swap3A_322 = vector.shape_cast %mul3A_313 : vector<16xf32> to vector<1x16xf32>
        tpu.vector_store %arg18[%swap3A_318, %swap3A_319], %swap3A_322 {strides = array<i32>} : memref<128x128xf32, #tpu.memory_space<vmem>>, vector<1x16xf32>,
        %mul3A_323 = arith.constant 2.000000e-02 : f32
        %mul3A_324 = vector.broadcast %mul3A_323 : f32 to vector<16xf32>
        %mul3A_325 = arith.mulf %scan3A_297#2, %mul3A_324 : vector<16xf32>
        %mul3A_326 = arith.constant 2 : i32
        %mul3A_327 = arith.muli %add3A_160, %mul3A_326 : i32
        %add3A_328 = arith.constant 1 : i32
        %add3A_329 = arith.addi %mul3A_327, %add3A_328 : i32
        %swap3A_330 = arith.index_cast %add3A_329 : i32 to index
        %swap3A_331 = arith.constant 32 : index
        %swap3A_332 = tpu.vector_load %arg18[%swap3A_330, %swap3A_331] {strides = array<i32>} : memref<128x128xf32, #tpu.memory_space<vmem>>, vector<1x16xf32>,
        %swap3A_333 = vector.shape_cast %swap3A_332 : vector<1x16xf32> to vector<16xf32>
        %swap3A_334 = vector.shape_cast %mul3A_325 : vector<16xf32> to vector<1x16xf32>
        tpu.vector_store %arg18[%swap3A_330, %swap3A_331], %swap3A_334 {strides = array<i32>} : memref<128x128xf32, #tpu.memory_space<vmem>>, vector<1x16xf32>,
        %mul3A_335 = arith.constant 2.000000e-02 : f32
        %mul3A_336 = vector.broadcast %mul3A_335 : f32 to vector<16xf32>
        %mul3A_337 = arith.mulf %scan3A_297#3, %mul3A_336 : vector<16xf32>
        %mul3A_338 = arith.constant 2 : i32
        %mul3A_339 = arith.muli %add3A_160, %mul3A_338 : i32
        %add3A_340 = arith.constant 1 : i32
        %add3A_341 = arith.addi %mul3A_339, %add3A_340 : i32
        %swap3A_342 = arith.index_cast %add3A_341 : i32 to index
        %swap3A_343 = arith.constant 48 : index
        %swap3A_344 = tpu.vector_load %arg18[%swap3A_342, %swap3A_343] {strides = array<i32>} : memref<128x128xf32, #tpu.memory_space<vmem>>, vector<1x16xf32>,
        %swap3A_345 = vector.shape_cast %swap3A_344 : vector<1x16xf32> to vector<16xf32>
        %swap3A_346 = vector.shape_cast %mul3A_337 : vector<16xf32> to vector<1x16xf32>
        tpu.vector_store %arg18[%swap3A_342, %swap3A_343], %swap3A_346 {strides = array<i32>} : memref<128x128xf32, #tpu.memory_space<vmem>>, vector<1x16xf32>,
        %mul3A_347 = arith.constant 2.000000e-02 : f32
        %mul3A_348 = vector.broadcast %mul3A_347 : f32 to vector<16xf32>
        %mul3A_349 = arith.mulf %scan3A_297#4, %mul3A_348 : vector<16xf32>
        %mul3A_350 = arith.constant 2 : i32
        %mul3A_351 = arith.muli %add3A_160, %mul3A_350 : i32
        %add3A_352 = arith.constant 1 : i32
        %add3A_353 = arith.addi %mul3A_351, %add3A_352 : i32
        %swap3A_354 = arith.index_cast %add3A_353 : i32 to index
        %swap3A_355 = arith.constant 64 : index
        %swap3A_356 = tpu.vector_load %arg18[%swap3A_354, %swap3A_355] {strides = array<i32>} : memref<128x128xf32, #tpu.memory_space<vmem>>, vector<1x16xf32>,
        %swap3A_357 = vector.shape_cast %swap3A_356 : vector<1x16xf32> to vector<16xf32>
        %swap3A_358 = vector.shape_cast %mul3A_349 : vector<16xf32> to vector<1x16xf32>
        tpu.vector_store %arg18[%swap3A_354, %swap3A_355], %swap3A_358 {strides = array<i32>} : memref<128x128xf32, #tpu.memory_space<vmem>>, vector<1x16xf32>,
        %mul3A_359 = arith.constant 2.000000e-02 : f32
        %mul3A_360 = vector.broadcast %mul3A_359 : f32 to vector<16xf32>
        %mul3A_361 = arith.mulf %scan3A_297#5, %mul3A_360 : vector<16xf32>
        %mul3A_362 = arith.constant 2 : i32
        %mul3A_363 = arith.muli %add3A_160, %mul3A_362 : i32
        %add3A_364 = arith.constant 1 : i32
        %add3A_365 = arith.addi %mul3A_363, %add3A_364 : i32
        %swap3A_366 = arith.index_cast %add3A_365 : i32 to index
        %swap3A_367 = arith.constant 80 : index
        %swap3A_368 = tpu.vector_load %arg18[%swap3A_366, %swap3A_367] {strides = array<i32>} : memref<128x128xf32, #tpu.memory_space<vmem>>, vector<1x16xf32>,
        %swap3A_369 = vector.shape_cast %swap3A_368 : vector<1x16xf32> to vector<16xf32>
        %swap3A_370 = vector.shape_cast %mul3A_361 : vector<16xf32> to vector<1x16xf32>
        tpu.vector_store %arg18[%swap3A_366, %swap3A_367], %swap3A_370 {strides = array<i32>} : memref<128x128xf32, #tpu.memory_space<vmem>>, vector<1x16xf32>,
        %mul3A_371 = arith.constant 2.000000e-02 : f32
        %mul3A_372 = vector.broadcast %mul3A_371 : f32 to vector<16xf32>
        %mul3A_373 = arith.mulf %scan3A_297#6, %mul3A_372 : vector<16xf32>
        %mul3A_374 = arith.constant 2 : i32
        %mul3A_375 = arith.muli %add3A_160, %mul3A_374 : i32
        %add3A_376 = arith.constant 1 : i32
        %add3A_377 = arith.addi %mul3A_375, %add3A_376 : i32
        %swap3A_378 = arith.index_cast %add3A_377 : i32 to index
        %swap3A_379 = arith.constant 96 : index
        %swap3A_380 = tpu.vector_load %arg18[%swap3A_378, %swap3A_379] {strides = array<i32>} : memref<128x128xf32, #tpu.memory_space<vmem>>, vector<1x16xf32>,
        %swap3A_381 = vector.shape_cast %swap3A_380 : vector<1x16xf32> to vector<16xf32>
        %swap3A_382 = vector.shape_cast %mul3A_373 : vector<16xf32> to vector<1x16xf32>
        tpu.vector_store %arg18[%swap3A_378, %swap3A_379], %swap3A_382 {strides = array<i32>} : memref<128x128xf32, #tpu.memory_space<vmem>>, vector<1x16xf32>,
        %mul3A_383 = arith.constant 2.000000e-02 : f32
        %mul3A_384 = vector.broadcast %mul3A_383 : f32 to vector<16xf32>
        %mul3A_385 = arith.mulf %scan3A_297#7, %mul3A_384 : vector<16xf32>
        %mul3A_386 = arith.constant 2 : i32
        %mul3A_387 = arith.muli %add3A_160, %mul3A_386 : i32
        %add3A_388 = arith.constant 1 : i32
        %add3A_389 = arith.addi %mul3A_387, %add3A_388 : i32
        %swap3A_390 = arith.index_cast %add3A_389 : i32 to index
        %swap3A_391 = arith.constant 112 : index
        %swap3A_392 = tpu.vector_load %arg18[%swap3A_390, %swap3A_391] {strides = array<i32>} : memref<128x128xf32, #tpu.memory_space<vmem>>, vector<1x16xf32>,
        %swap3A_393 = vector.shape_cast %swap3A_392 : vector<1x16xf32> to vector<16xf32>
        %swap3A_394 = vector.shape_cast %mul3A_385 : vector<16xf32> to vector<1x16xf32>
        tpu.vector_store %arg18[%swap3A_390, %swap3A_391], %swap3A_394 {strides = array<i32>} : memref<128x128xf32, #tpu.memory_space<vmem>>, vector<1x16xf32>,
      } else {
      }
    }
    %scan3A_40 = arith.constant 11 : i32
    %mul3A_41 = arith.constant 128 : i32
    %mul3A_42 = arith.muli %add3A, %mul3A_41 : i32
    "tpu.region"() ({
      %run_scoped3A = tpu.sem_alloc : memref<!tpu.dma_semaphore, #tpu.memory_space<semaphore_mem>>
      %dma_start3A_43 = arith.constant 0 : i32
      %dma_start3A_44 = tpu.memref_slice %arg4[%mul3A_42, %dma_start3A_43] : memref<4096x128xf32, #tpu.memory_space<hbm>> -> memref<128x128xf32, #tpu.memory_space<hbm>>
      %dma_start3A_45 = arith.constant 0 : i32
      %dma_start3A_46 = tpu.memref_slice %arg4[%mul3A_42, %dma_start3A_45] : memref<4096x128xf32, #tpu.memory_space<hbm>> -> memref<128x128xf32, #tpu.memory_space<hbm>>
      tpu.enqueue_dma source(%arg18 : memref<128x128xf32, #tpu.memory_space<vmem>>) target(%dma_start3A_46 : memref<128x128xf32, #tpu.memory_space<hbm>>) target_semaphore(%run_scoped3A : memref<!tpu.dma_semaphore, #tpu.memory_space<semaphore_mem>>)
      %dma_wait3A = arith.constant 0 : i32
      %dma_wait3A_47 = tpu.memref_slice %arg4[%mul3A_42, %dma_wait3A] : memref<4096x128xf32, #tpu.memory_space<hbm>> -> memref<128x128xf32, #tpu.memory_space<hbm>>
      %dma_wait3A_48 = arith.constant 0 : i32
      %dma_wait3A_49 = tpu.memref_slice %arg4[%mul3A_42, %dma_wait3A_48] : memref<4096x128xf32, #tpu.memory_space<hbm>> -> memref<128x128xf32, #tpu.memory_space<hbm>>
      tpu.wait_dma2 semaphore(%run_scoped3A : memref<!tpu.dma_semaphore, #tpu.memory_space<semaphore_mem>>) src(%arg18 : memref<128x128xf32, #tpu.memory_space<vmem>>) dst(%dma_wait3A_49 : memref<128x128xf32, #tpu.memory_space<hbm>>)
      tpu.yield
    }) : () -> ()
    return
  }
}

</mosaic_0001>

<sc_bundles>
// kernel: kernel.3.cloned.1.call-start
scs
__scs_entry_jumppad:
0x0: {  	(pc) =	sbr.rel $0x88, $3  }
0x1: {  	(tag) =	ssettag $0x0;
	lr =	simm.s32 $0x1  }
0x2: {  	[smem:$0x3F9F] =	sst lr;
	_ =	strace $0xD0000000  }
0x3: {  	_ = 	snop  }
0x4: {  	_ = 	snop  }
0x5: {  	_ = 	snop  }
0x6: {  	_ = 	snop  }
0x7: {  	_ = 	snop  }
__scs_overlays_trampoline_lowered:
0x8: {  	[smem:$0x3FAE] =	sst s0  }
0x9: {  	[smem:$0x3FAF] =	sst s1  }
0xa: {  	[smem:$0x3FB0] =	sst s2  }
0xb: {  	[smem:$0x3FB1] =	sst s3  }
0xc: {  	[smem:$0x3FB2] =	sst s4  }
0xd: {  	[smem:$0x3FB3] =	sst s5  }
0xe: {  	[smem:$0x3FB4] =	sst s6  }
0xf: {  	[smem:$0x3FB5] =	sst s7  }
0x10: {  	[smem:$0x3FB6] =	sst s8  }
0x11: {  	[smem:$0x3FB7] =	sst s9;
	s0 =	simm.s32 @!p0 $0x0  }
0x12: {  	s1 =	sld [smem:$0x3F9D];
	s0 =	simm.s32 @p0 $0x1  }
0x13: {  	[smem:$0x3FB8] =	sst s0;
	s0 =	simm.s32 @!p1 $0x0  }
0x14: {  	s2 =	sld [smem:$0x3F9C];
	s0 =	simm.s32 @p1 $0x1  }
0x15: {  	[smem:$0x3FB9] =	sst s0;
	s0 =	simm.s32 @!p2 $0x0  }
0x16: {  	s3 =	sld [smem:$0x3FDB];
	s0 =	simm.s32 @p2 $0x1  }
0x17: {  	s4 =	simm.s32 $0x1BF5;
	[smem:$0x3FBB] =	sst s0  }
0x18: {  	s0 =	sld [smem:$0x3F9E];
	_ =	swait.ge [sflag:s4], $0x0  }
0x19: {  	s7 =	sld [smem:$0x3F9F]  }
0x1a: {  	s8 =	sadd.s32 $0xFFFFE003, lr  }
0x1b: {  	s9 =	sadd.s32 $0xFFFFFEF7, lr;
	s5 =	simm.s32 $0xFFFFFFFF;
	p2 =	slt.u32 s8, $0xFFFFF086  }
0x1c: {  	p1 =	slt.u32 s9, $0xF7A;
	s5 =	simm.s32 @!p2 $0x0  }
0x1d: {  	s5 =	simm.s32 @p1 $0x1;
	p0 =	seq.s32 s7, s2  }
0x1e: {  	s7 =	smul.u32 @!p0 $0xF7A, s2;
	p2 =	seq.s32 @!p0 s5, $0x0  }
0x1f: {  	s9 =	smul.u32 $0xF7A, s1;
	s8 =	simm.s32 @!p0 $0x1BF5;
	p2 =	por !p2, p0  }
0x20: {  	[sflag:s8] =	ssyncset.s32 @!p0 $0xFFFFF086;
	s6 =	sadd.s32 @!p0 s3, s7;
	s7 =	simm.s32 @!p0 $0x108  }
0x21: {  	s3 =	sadd.s32 s3, s9;
	s6 =	sadd.s32 @!p0 $0x88, s6;
	s7 =	simm.s32 @p2 $0x1082  }
0x22: {  	[simem:s7], [sflag:s8] =	dma.local @!p0 [hbm:s6], $0xF7A  }
0x23: {  	s9 =	sor.u32 $0xD0000000, s2;
	s6 =	simm.s32 $0x108;
	_ =	swait.ge @!p0 [sflag:s8], $0x0  }
0x24: {  	s3 =	sadd.s32 $0x88, s3;
	s6 =	simm.s32 @!p1 $0x1082;
	[sflag:s4] =	ssyncset.s32 $0xFFFFF086  }
0x25: {  	[simem:s6], [sflag:s4] =	dma.local [hbm:s3], $0xF7A  }
0x26: {  	[smem:$0x3F9F] =	sst s1;
	(tag) =	ssettag s2;
	_ =	strace s9  }
0x27: {  	s1 =	sld [smem:$0x3FAF]  }
0x28: {  	s2 =	sld [smem:$0x3FB0]  }
0x29: {  	s4 =	sld [smem:$0x3FB2]  }
0x2a: {  	p0 =	seq.s32 s5, $0x0;
	s5 =	sld [smem:$0x3FB3]  }
0x2b: {  	s6 =	sld [smem:$0x3FB4]  }
0x2c: {  	s7 =	sld [smem:$0x3FB5]  }
0x2d: {  	s3 =	simm.s32 $0x108;
	s8 =	sld [smem:$0x3FB6]  }
0x2e: {  	s3 =	simm.s32 @!p0 $0x1082;
	s9 =	sld [smem:$0x3FB7]  }
0x2f: {  	lr =	sadd.s32 s0, s3;
	s0 =	sld [smem:$0x3FAE]  }
0x30: {  	s3 =	sld [smem:$0x3FB1]  }
0x31: {  	[smem:$0x3FBA] =	sst s10  }
0x32: {  	s10 =	sld [smem:$0x3FB8];
	_ =	sdelay $0x3  }
0x33: {  	p0 =	seq.s32 s10, $0x1;
	s10 =	sld [smem:$0x3FBA];
	_ =	sdelay $0x3  }
0x34: {  	[smem:$0x3FBA] =	sst s10  }
0x35: {  	s10 =	sld [smem:$0x3FB9];
	_ =	sdelay $0x3  }
0x36: {  	p1 =	seq.s32 s10, $0x1;
	s10 =	sld [smem:$0x3FBA];
	_ =	sdelay $0x3  }
0x37: {  	[smem:$0x3FBA] =	sst s10  }
0x38: {  	s10 =	sld [smem:$0x3FBB]  }
0x39: {  	_ = 	snop;
	(pc) =	sbr.ind lr, $3  }
0x3a: {  	_ = 	snop  }
0x3b: {  	_ = 	snop  }
0x3c: {  	p2 =	seq.s32 s10, $0x1;
	s10 =	sld [smem:$0x3FBA]  }
0x3d: {  	_ =	shalt  }
0x3e: {  	_ =	shalt  }
0x3f: {  	_ =	shalt  }
0x40: {  	_ =	shalt  }
0x41: {  	_ =	shalt  }
0x42: {  	_ =	shalt  }
0x43: {  	_ =	shalt  }
0x44: {  	_ =	shalt  }
0x45: {  	_ =	shalt  }
0x46: {  	_ =	shalt  }
0x47: {  	_ =	shalt  }
0x48: {  	_ =	shalt  }
0x49: {  	_ =	shalt  }
0x4a: {  	_ =	shalt  }
0x4b: {  	_ =	shalt  }
0x4c: {  	_ =	shalt  }
0x4d: {  	_ =	shalt  }
0x4e: {  	_ =	shalt  }
0x4f: {  	_ =	shalt  }
0x50: {  	_ =	shalt  }
0x51: {  	_ =	shalt  }
0x52: {  	_ =	shalt  }
0x53: {  	_ =	shalt  }
0x54: {  	_ =	shalt  }
0x55: {  	_ =	shalt  }
0x56: {  	_ =	shalt  }
0x57: {  	_ =	shalt  }
0x58: {  	_ =	shalt  }
0x59: {  	_ =	shalt  }
0x5a: {  	_ =	shalt  }
0x5b: {  	_ =	shalt  }
0x5c: {  	_ =	shalt  }
0x5d: {  	_ =	shalt  }
0x5e: {  	_ =	shalt  }
0x5f: {  	_ =	shalt  }
0x60: {  	_ =	shalt  }
0x61: {  	_ =	shalt  }
0x62: {  	_ =	shalt  }
0x63: {  	_ =	shalt  }
0x64: {  	_ =	shalt  }
0x65: {  	_ =	shalt  }
0x66: {  	_ =	shalt  }
0x67: {  	_ =	shalt  }
0x68: {  	_ =	shalt  }
0x69: {  	_ =	shalt  }
0x6a: {  	_ =	shalt  }
0x6b: {  	_ =	shalt  }
0x6c: {  	_ =	shalt  }
0x6d: {  	_ =	shalt  }
0x6e: {  	_ =	shalt  }
0x6f: {  	_ =	shalt  }
0x70: {  	_ =	shalt  }
0x71: {  	_ =	shalt  }
0x72: {  	_ =	shalt  }
0x73: {  	_ =	shalt  }
0x74: {  	_ =	shalt  }
0x75: {  	_ =	shalt  }
0x76: {  	_ =	shalt  }
0x77: {  	_ =	shalt  }
0x78: {  	_ =	shalt  }
0x79: {  	_ =	shalt  }
0x7a: {  	_ =	shalt  }
0x7b: {  	_ =	shalt  }
0x7c: {  	_ =	shalt  }
0x7d: {  	_ =	shalt  }
0x7e: {  	_ =	shalt  }
0x7f: {  	_ =	shalt  }
0x80: {  	_ =	shalt  }
0x81: {  	_ =	shalt  }
0x82: {  	_ =	shalt  }
0x83: {  	_ =	shalt  }
0x84: {  	_ =	shalt  }
0x85: {  	_ =	shalt  }
0x86: {  	_ =	shalt  }
0x87: {  	_ =	shalt  }
.Lfunc_end0:
.L_simem_size_0:
called_computation_lowered:
.L_overlay_start_0:
0x88: {  	s2 =	sld [smem:$0x3FD9]  }
0x89: {  	s3 =	sld [smem:$0x3FFE];
	_ =	sdelay $0x1  }
0x8a: {  	s1 =	srdreg.scid  }
0x8b: {  	s0 =	sand.u32 $0x1, s1  }
0x8c: {  	s17 =	sshll.u32 s0, $0xA;
	s2 =	sadd.s32 s3, s2  }
0x8d: {  	s2 =	sadd.s32 s2, s17  }
0x8e: {  	[smem:$0x3FC6] =	sst s2  }
0x8f: {  	_ = 	snop  }
0x90: {  	s2 =	sld [smem:$0x3FC8]  }
0x91: {  	s18 =	sld [smem:$0x3FD0];
	(tm) =	ssettm $0x1  }
0x92: {  	s4 =	sld [smem:$0x3FFB];
	_ =	sdelay $0x3  }
0x93: {  	_ =	strace s4  }
0x94: {  	s4 =	sld [smem:$0x3FFC];
	_ =	sdelay $0x3  }
0x95: {  	_ =	strace s4  }
0x96: {  	s4 =	sld [smem:$0x3FFD];
	_ =	sdelay $0x3  }
0x97: {  	_ =	strace s4  }
0x98: {  	_ =	strace $0x8FFFFFFF  }
0x99: {  	s19 =	sld [smem:$0x3FDB];
	_ =	sdelay $0x1  }
0x9a: {  	s5 =	simm.s32 $_scs_section_size  }
0x9b: {  	s6 =	simm.s32 $_size__tile_overlayer_lowered;
	s7 =	simm.s32 $_tile_overlayer_lowered  }
0x9c: {  	s22 =	simm.s32 $0x1BFF;
	s21 =	sshll.u32 s7, $0x1;
	s4 =	sadd.s32 s5, s19  }
0x9d: {  	s8 =	simm.s32 $0x0;
	s20 =	sshll.u32 s6, $0x1;
	s6 =	sadd.s32 s21, s4  }
0x9e: {  	[timem:s8], [sflag:s22] =	dma.local [hbm:s6], s20  }
0x9f: {  	_ =	swait.ge [sflag:s22], s20  }
0xa0: {  	s5 =	ssub.s32 $0x0, s20;
	[sflag:s22] =	ssyncset.done $0x0  }
0xa1: {  	[sflag:s22] =	ssyncadd.s32 s5;
	_ =	sdelay $0x1  }
0xa2: {  	s23 =	simm.s32 $0x1B8B  }
0xa3: {  	_ =	swait.ge [sflag:s23], $0x1  }
0xa4: {  	[sflag:s23] =	ssyncset.done $0x0  }
0xa5: {  	s25 =	simm.s32 $0x1B8E;
	s24 =	sld [smem:$0x3FFE];
	[sflag:s23] =	ssyncadd.s32 $0xFFFFFFFF  }
0xa6: {  	s26 =	simm.s32 $execute0_lowered;
	[smem:$0x3FD2] =	sst s25  }
0xa7: {  	s6 =	sshll.u32 s26, $0x1;
	_ =	strace $0x80000046;
	[dreg:$0x1] =	wrdreg $0xFFFFFFFF  }
0xa8: {  	s28 =	simm.s32 $_size_execute0_lowered;
	s4 =	sadd.s32 s4, s6;
	[dreg:$0x0] =	wrdreg $0x0  }
0xa9: {  	s6 =	sshll.u32 s28, $0x1;
	[dreg:$0x2] =	wrdreg s4  }
0xaa: {  	[dreg:$0x3] =	wrdreg s6  }
0xab: {  	[dreg:$0x4] =	wrdreg $0xC0  }
0xac: {  	_ =	task [dreg:s8], $0x5FFFF  }
0xad: {  	[dreg:$0x1] =	wrdreg $0xFFFFFFFF  }
0xae: {  	[dreg:$0x0] =	wrdreg $0x60  }
0xaf: {  	[dreg:$0x2] =	wrdreg s24  }
0xb0: {  	[dreg:$0x3] =	wrdreg s2  }
0xb1: {  	[dreg:$0x4] =	wrdreg s18  }
0xb2: {  	[dreg:$0x5] =	wrdreg $0x9  }
0xb3: {  	_ =	task.clear_ibuf [dreg:s8], $0x6FFFF;
	_ =	strace $0x90000046  }
0xb4: {  	s29 =	simm.s32 $0x9;
	_ =	strace $0x80000048  }
0xb5: {  	_ =	swait.ge [sflag:s29], $0x1  }
0xb6: {  	[sflag:s29] =	ssyncadd.s32 $0xFFFFFFFF  }
0xb7: {  	_ =	strace $0x90000048  }
0xb8: {  	_ =	sfence  }
0xb9: {  	s30 =	sld [smem:$0x0];
	_ =	sdelay $0x2  }
0xba: {  	s31 =	sshll.u32 s1, $0xD;
	s1 =	sshrl.u32 s1, $0x2  }
0xbb: {  	s3 =	sand.u32 $0x4000, s31;
	s1 =	sadd.s32 s1, s30  }
0xbc: {  	s0 =	sor.u32 s3, s0;
	s1 =	sshll.u32 s1, $0x11  }
0xbd: {  	s0 =	sor.u32 s1, s0  }
0xbe: {  	s0 =	sadd.s32 $0x8F2B, s0  }
0xbf: {  	[sflag:s0] =	ssyncadd.remote.s32 $0x1  }
0xc0: {  	_ =	sfence.sel $0xFFFF  }
0xc1: {  	[dreg:$0x0] =	wrdreg $0xFFFFFFFF;
	(pc) =	sbr.abs _section_cstart, $3  }
0xc2: {  	[dreg:$0x1] =	wrdreg $0xFFFFFFFF  }
0xc3: {  	_ =	task.clear_ibuf [dreg:s8], $0x2FFFF;
	_ =	strace $0x9FFFFFFF  }
0xc4: {  	(tm) =	ssettm $0x7FFFFFFF  }
0xc5: {  	_ =	shalt  }
tec
execute0_lowered:
.L_overlay_start_1:
0x0: {  	(tag) =	ssettag $0x1  }
0x1: {  	s1 =	rddreg [dreg:$0x0]  }
0x2: {  	s2 =	rddreg [dreg:$0x1]  }
0x3: {  	s3 =	srdreg.scid;
	s0 =	stileid.u32  }
0x4: {  	s5 =	rddreg [dreg:$0x2];
	s8 =	simm.s32 $0x64;
	s9 =	simm.s32 $0x2000  }
0x5: {  	s10 =	simm.s32 $0x80;
	s11 =	simm.s32 $0x5400;
	s12 =	simm.s32 $0x100  }
0x6: {  	s13 =	simm.s32 $0x8800;
	s14 =	simm.s32 $0x180;
	s15 =	simm.s32 $0xBC00  }
0x7: {  	s16 =	simm.s32 $0x200;
	s17 =	simm.s32 $0xF000;
	s18 =	simm.s32 $0x1  }
0x8: {  	s19 =	simm.s32 $0x2;
	s20 =	simm.s32 $0x3;
	s21 =	simm.s32 $0x4  }
0x9: {  	s22 =	simm.s32 $0x15800;
	s23 =	simm.s32 $0x5;
	s24 =	simm.s32 $0x6  }
0xa: {  	s25 =	simm.s32 $0x0;
	s4 =	sand.u32 $0x1, s3;
	s6 =	sshll.u32 s0, $0x1  }
.Ltmp0:
0xb: {  	s3 =	simm.s32 $0x0;
	s6 =	sor.u32 s4, s6;
	(pc) =	sbr.rel .LBB2_1-.Ltmp0, $4  }
0xc: {  	[smem:$0x7FF] =	sst s3;
	s4 =	ssub.s32 $0x2, s4;
	s7 =	sshll.u32 s6, $0xA  }
0xd: {  	_ =	strace $0x80000047;
	s30 =	sshrl.u32 s4, $0x1;
	s31 =	sshll.u32 s6, $0xB  }
0xe: {  	s1 =	sadd.s32 s7, s1;
	s7 =	ssub.s32 s4, s30;
	s5 =	sadd.s32 s5, s31  }
0xf: {  	s4 =	sadd.s32 $0x400, s1;
	s6 =	smax.u32 s7, $0x1;
	s7 =	simm.s32 $0x7  }
.LBB2_28:
0x10: {  	s25 =	sadd.s32 $0x1, s25  }
0x11: {  	p0 =	sne.s32 s25, s6  }
.Ltmp1:
0x12: {  	_ = 	snop;
	(pc) =	sbr.rel @!p0 .LBB2_29-.Ltmp1, $4  }
0x13: {  	[hbm4b:s5+s3] =	stream.linear.scatter [tilespmem:s22], [sflag:$0x7], $0x4000, $0x38;
	[tilespmem:$0x19800] =	vst v63  }
0x14: {  	_ =	swait.ge [sflag:s7], $0x4000  }
0x15: {  	[sflag:s7] =	ssyncset.done $0x0  }
0x16: {  	[sflag:s7] =	ssyncadd.s32 $0xFFFFC000  }
.LBB2_1:
0x17: {  	[tilespmem:s3], [sflag:$0x7] =	stream.linear.gather [hbm4b:s4+s3], $0x2000, $0x38;
	[tilespmem:$0x19800] =	vst v63  }
0x18: {  	_ =	swait.ge [sflag:s7], $0x2000  }
0x19: {  	[sflag:s7] =	ssyncset.done $0x0  }
0x1a: {  	[sflag:s7] =	ssyncadd.s32 $0xFFFFE000  }
0x1b: {  	[tilespmem:s9], [sflag:$0x1] =	stream.indirect.gather [hbm4b:s2+s8], $0x80, s3, s8, $0xb8;
	[tilespmem:$0x19800] =	vst v63  }
0x1c: {  	_ = 	snop  }
0x1d: {  	[tilespmem:s11], [sflag:$0x2] =	stream.indirect.gather [hbm4b:s2+s8], $0x80, s10, s8, $0xb8;
	[tilespmem:$0x19800] =	vst v63  }
0x1e: {  	_ = 	snop  }
0x1f: {  	[tilespmem:s13], [sflag:$0x3] =	stream.indirect.gather [hbm4b:s2+s8], $0x80, s12, s8, $0xb8;
	[tilespmem:$0x19800] =	vst v63  }
0x20: {  	_ = 	snop  }
0x21: {  	[tilespmem:s15], [sflag:$0x4] =	stream.indirect.gather [hbm4b:s2+s8], $0x80, s14, s8, $0xb8;
	[tilespmem:$0x19800] =	vst v63  }
0x22: {  	s26 =	simm.s32 $0x0  }
0x23: {  	[tilespmem:s17], [sflag:$0x5] =	stream.indirect.gather [hbm4b:s2+s8], $0x80, s16, s8, $0xb8;
	[tilespmem:$0x19800] =	vst v63  }
.LBB2_2:
0x24: {  	s1 =	smul.u32 $0x6, s26;
	_ =	sdelay $0x1  }
0x25: {  	p0 =	seq.s32 s26, $0xA;
	s28 =	sadd.s32 $0x5, s1  }
0x26: {  	s1 =	sshll.u32 @!p0 s28, $0x7  }
0x27: {  	s29 =	simm.s32 @!p0 $0x64;
	s30 =	simm.s32 @!p0 $0x12400;
	s1 =	sand.u32 @!p0 $0x3FFFFF80, s1  }
0x28: {  	[tilespmem:s30], [sflag:$0x6] =	stream.indirect.gather @!p0 [hbm4b:s2+s29], $0x80, s1, s29, $0xb8;
	[tilespmem:$0x19800] =	vst v63  }
0x29: {  	_ =	swait.ge [sflag:s18], $0x3200  }
0x2a: {  	[sflag:s18] =	ssyncset.done $0x0  }
0x2b: {  	s31 =	simm.s32 $0x0;
	[sflag:s18] =	ssyncadd.s32 $0xFFFFCE00  }
0x2c: {  	v0 =	vld [tilespmem:s31+$0x2070]  }
0x2d: {  	v1 =	vld [tilespmem:s31+$0x2000]  }
0x2e: {  	v3 =	vld [tilespmem:s31+$0x2010]  }
0x2f: {  	v12 =	vld [tilespmem:s31+$0x2020]  }
0x30: {  	v11 =	vld [tilespmem:s31+$0x2030]  }
0x31: {  	v2 =	vimm.f32 $0.0e+00;
	v8 =	vimm.f32 $0.0e+00;
	v5 =	vld [tilespmem:s31+$0x2040]  }
0x32: {  	v9 =	vimm.f32 $0.0e+00;
	v6 =	vld [tilespmem:s31+$0x2050];
	v0 =	vadd.f32 v0, v2;
	v7 =	vadd.f32 v1, v2  }
0x33: {  	s29 =	simm.s32 $0x80;
	s30 =	simm.s32 $0x400;
	v10 =	vld [tilespmem:s31+$0x2060];
	v4 =	vadd.f32 v3, v2;
	v3 =	vimm.f32 $0.0e+00;
	v1 =	vimm.f32 $0.0e+00  }
.LBB2_3:
0x34: {  	p1 =	sne.s32 s30, $0x6200;
	v13 =	vld [tilespmem:s29+$0x2070];
	v2 =	vadd.f32 v12, v2  }
0x35: {  	v14 =	vld [tilespmem:s29+$0x2000];
	v8 =	vadd.f32 v11, v8  }
0x36: {  	v15 =	vld [tilespmem:s29+$0x2010];
	v9 =	vadd.f32 v5, v9  }
.Ltmp2:
0x37: {  	v12 =	vld [tilespmem:s29+$0x2020];
	v3 =	vadd.f32 v6, v3;
	(pc) =	sbr.rel @p1 .LBB2_3-.Ltmp2, $4  }
0x38: {  	v11 =	vld [tilespmem:s29+$0x2030];
	v1 =	vadd.f32 v10, v1  }
0x39: {  	v5 =	vld [tilespmem:s29+$0x2040];
	v0 =	vadd.f32 v13, v0  }
0x3a: {  	v7 =	vadd.f32 v14, v7;
	v6 =	vld [tilespmem:s29+$0x2050]  }
0x3b: {  	v4 =	vadd.f32 v15, v4;
	v10 =	vld [tilespmem:s29+$0x2060];
	s29 =	sshra.s32 s30, $0x2;
	s30 =	sadd.s32 $0x200, s30  }
0x3c: {  	v13 =	vld [tilespmem:s29+$0x2000]  }
0x3d: {  	v14 =	vld [tilespmem:s29+$0x2010]  }
0x3e: {  	v15 =	vld [tilespmem:s29+$0x2020]  }
0x3f: {  	v2 =	vadd.f32 v12, v2;
	v12 =	vld [tilespmem:s29+$0x2050]  }
0x40: {  	v8 =	vadd.f32 v11, v8;
	v11 =	vld [tilespmem:s29+$0x2060]  }
0x41: {  	v16 =	vld [tilespmem:s29+$0x2030];
	v5 =	vadd.f32 v5, v9;
	v7 =	vadd.f32 v13, v7  }
0x42: {  	v17 =	vld [tilespmem:s29+$0x2040];
	s1 =	smul.u32 $0x1800, s26;
	v3 =	vadd.f32 v6, v3;
	v4 =	vadd.f32 v14, v4  }
0x43: {  	v9 =	vld [tilespmem:s29+$0x2070];
	v1 =	vadd.f32 v10, v1;
	v2 =	vadd.f32 v15, v2;
	v7 =	vmul.f32 $1.999999960e-02, v7  }
0x44: {  	s29 =	sshra.s32 s1, $0x2;
	v3 =	vadd.f32 v12, v3;
	v4 =	vmul.f32 $1.999999960e-02, v4  }
0x45: {  	v1 =	vadd.f32 v11, v1;
	v2 =	vmul.f32 $1.999999960e-02, v2;
	[tilespmem:s29+$0x15800] =	vst v7  }
0x46: {  	v6 =	vadd.f32 v16, v8;
	v3 =	vmul.f32 $1.999999960e-02, v3;
	[tilespmem:s29+$0x15810] =	vst v4  }
0x47: {  	v5 =	vadd.f32 v17, v5;
	v1 =	vmul.f32 $1.999999960e-02, v1;
	[tilespmem:s29+$0x15820] =	vst v2  }
0x48: {  	v0 =	vadd.f32 v9, v0;
	v4 =	vmul.f32 $1.999999960e-02, v6;
	[tilespmem:s29+$0x15850] =	vst v3  }
0x49: {  	v2 =	vmul.f32 $1.999999960e-02, v5;
	[tilespmem:s29+$0x15860] =	vst v1  }
0x4a: {  	v0 =	vmul.f32 $1.999999960e-02, v0;
	[tilespmem:s29+$0x15830] =	vst v4  }
0x4b: {  	[tilespmem:s29+$0x15840] =	vst v2  }
0x4c: {  	s0 =	simm.s32 $0x0;
	[tilespmem:s29+$0x15870] =	vst v0  }
0x4d: {  	v0 =	vld [tilespmem:s0+$0x3970]  }
0x4e: {  	v2 =	vld [tilespmem:s0+$0x3900]  }
0x4f: {  	v3 =	vld [tilespmem:s0+$0x3910]  }
0x50: {  	v12 =	vld [tilespmem:s0+$0x3920]  }
0x51: {  	v10 =	vld [tilespmem:s0+$0x3930]  }
0x52: {  	v9 =	vimm.f32 $0.0e+00;
	v1 =	vimm.f32 $0.0e+00;
	v7 =	vld [tilespmem:s0+$0x3940]  }
0x53: {  	v6 =	vimm.f32 $0.0e+00;
	v8 =	vld [tilespmem:s0+$0x3950];
	v0 =	vadd.f32 v0, v1;
	v5 =	vadd.f32 v2, v1  }
0x54: {  	s30 =	simm.s32 $0x80;
	s31 =	simm.s32 $0x400;
	v11 =	vld [tilespmem:s0+$0x3960];
	v4 =	vadd.f32 v3, v1;
	v3 =	vimm.f32 $0.0e+00;
	v2 =	vimm.f32 $0.0e+00  }
.LBB2_5:
0x55: {  	p1 =	sne.s32 s31, $0x6200;
	v13 =	vld [tilespmem:s30+$0x3970];
	v1 =	vadd.f32 v12, v1  }
0x56: {  	v14 =	vld [tilespmem:s30+$0x3900];
	v6 =	vadd.f32 v10, v6  }
0x57: {  	v15 =	vld [tilespmem:s30+$0x3910];
	v9 =	vadd.f32 v7, v9  }
.Ltmp3:
0x58: {  	v12 =	vld [tilespmem:s30+$0x3920];
	v3 =	vadd.f32 v8, v3;
	(pc) =	sbr.rel @p1 .LBB2_5-.Ltmp3, $4  }
0x59: {  	v10 =	vld [tilespmem:s30+$0x3930];
	v2 =	vadd.f32 v11, v2  }
0x5a: {  	v7 =	vld [tilespmem:s30+$0x3940];
	v0 =	vadd.f32 v13, v0  }
0x5b: {  	v5 =	vadd.f32 v14, v5;
	v8 =	vld [tilespmem:s30+$0x3950]  }
0x5c: {  	v4 =	vadd.f32 v15, v4;
	v11 =	vld [tilespmem:s30+$0x3960];
	s30 =	sshra.s32 s31, $0x2;
	s31 =	sadd.s32 $0x200, s31  }
0x5d: {  	v13 =	vld [tilespmem:s30+$0x3900]  }
0x5e: {  	v14 =	vld [tilespmem:s30+$0x3910]  }
0x5f: {  	v15 =	vld [tilespmem:s30+$0x3920]  }
0x60: {  	v1 =	vadd.f32 v12, v1;
	v12 =	vld [tilespmem:s30+$0x3950]  }
0x61: {  	v16 =	vld [tilespmem:s30+$0x3930]  }
0x62: {  	v17 =	vld [tilespmem:s30+$0x3940];
	v7 =	vadd.f32 v7, v9;
	v5 =	vadd.f32 v13, v5  }
0x63: {  	v9 =	vld [tilespmem:s30+$0x3970];
	v3 =	vadd.f32 v8, v3;
	v4 =	vadd.f32 v14, v4  }
0x64: {  	v6 =	vadd.f32 v10, v6;
	v10 =	vld [tilespmem:s30+$0x3960];
	v1 =	vadd.f32 v15, v1;
	v5 =	vmul.f32 $1.999999960e-02, v5  }
0x65: {  	v3 =	vadd.f32 v12, v3;
	v4 =	vmul.f32 $1.999999960e-02, v4  }
0x66: {  	v6 =	vadd.f32 v16, v6;
	v1 =	vmul.f32 $1.999999960e-02, v1;
	[tilespmem:s29+$0x15880] =	vst v5  }
0x67: {  	v2 =	vadd.f32 v11, v2;
	v7 =	vadd.f32 v17, v7;
	v3 =	vmul.f32 $1.999999960e-02, v3;
	[tilespmem:s29+$0x15890] =	vst v4  }
0x68: {  	v0 =	vadd.f32 v9, v0;
	v4 =	vmul.f32 $1.999999960e-02, v6;
	[tilespmem:s29+$0x158A0] =	vst v1  }
0x69: {  	v2 =	vadd.f32 v10, v2;
	v1 =	vmul.f32 $1.999999960e-02, v7;
	[tilespmem:s29+$0x158D0] =	vst v3  }
0x6a: {  	s1 =	smul.u32 @!p0 $0xC00, s26;
	v0 =	vmul.f32 $1.999999960e-02, v0;
	[tilespmem:s29+$0x158B0] =	vst v4  }
0x6b: {  	[tilespmem:s29+$0x158C0] =	vst v1;
	v1 =	vmul.f32 $1.999999960e-02, v2  }
0x6c: {  	s30 =	sshra.s32 @!p0 s1, $0x2;
	[tilespmem:s29+$0x158F0] =	vst v0  }
0x6d: {  	s31 =	simm.s32 @!p0 $0x64;
	s0 =	simm.s32 @!p0 $0x2000;
	s1 =	sadd.s32 @!p0 $0x300, s30;
	[tilespmem:s29+$0x158E0] =	vst v1  }
0x6e: {  	[tilespmem:s0], [sflag:$0x1] =	stream.indirect.gather @!p0 [hbm4b:s2+s31], $0x80, s1, s31, $0xb8;
	[tilespmem:$0x19800] =	vst v63  }
0x6f: {  	_ =	swait.ge [sflag:s19], $0x3200  }
0x70: {  	[sflag:s19] =	ssyncset.done $0x0  }
0x71: {  	s0 =	simm.s32 $0x0;
	[sflag:s19] =	ssyncadd.s32 $0xFFFFCE00  }
0x72: {  	v0 =	vld [tilespmem:s0+$0x5470]  }
0x73: {  	v2 =	vld [tilespmem:s0+$0x5400]  }
0x74: {  	v3 =	vld [tilespmem:s0+$0x5410]  }
0x75: {  	v12 =	vld [tilespmem:s0+$0x5420]  }
0x76: {  	v10 =	vld [tilespmem:s0+$0x5430]  }
0x77: {  	v9 =	vimm.f32 $0.0e+00;
	v1 =	vimm.f32 $0.0e+00;
	v7 =	vld [tilespmem:s0+$0x5440]  }
0x78: {  	v6 =	vimm.f32 $0.0e+00;
	v8 =	vld [tilespmem:s0+$0x5450];
	v0 =	vadd.f32 v0, v1;
	v5 =	vadd.f32 v2, v1  }
0x79: {  	s31 =	simm.s32 $0x80;
	s1 =	simm.s32 $0x400;
	v11 =	vld [tilespmem:s0+$0x5460];
	v4 =	vadd.f32 v3, v1;
	v3 =	vimm.f32 $0.0e+00;
	v2 =	vimm.f32 $0.0e+00  }
.LBB2_7:
0x7a: {  	p1 =	sne.s32 s1, $0x6200;
	v13 =	vld [tilespmem:s31+$0x5470];
	v1 =	vadd.f32 v12, v1  }
0x7b: {  	v14 =	vld [tilespmem:s31+$0x5400];
	v6 =	vadd.f32 v10, v6  }
0x7c: {  	v15 =	vld [tilespmem:s31+$0x5410];
	v9 =	vadd.f32 v7, v9  }
.Ltmp4:
0x7d: {  	v12 =	vld [tilespmem:s31+$0x5420];
	v3 =	vadd.f32 v8, v3;
	(pc) =	sbr.rel @p1 .LBB2_7-.Ltmp4, $4  }
0x7e: {  	v10 =	vld [tilespmem:s31+$0x5430];
	v2 =	vadd.f32 v11, v2  }
0x7f: {  	v7 =	vld [tilespmem:s31+$0x5440];
	v0 =	vadd.f32 v13, v0  }
0x80: {  	v5 =	vadd.f32 v14, v5;
	v8 =	vld [tilespmem:s31+$0x5450]  }
0x81: {  	v4 =	vadd.f32 v15, v4;
	v11 =	vld [tilespmem:s31+$0x5460];
	s31 =	sshra.s32 s1, $0x2;
	s1 =	sadd.s32 $0x200, s1  }
0x82: {  	v13 =	vld [tilespmem:s31+$0x5400]  }
0x83: {  	v14 =	vld [tilespmem:s31+$0x5410]  }
0x84: {  	v15 =	vld [tilespmem:s31+$0x5420]  }
0x85: {  	v1 =	vadd.f32 v12, v1;
	v12 =	vld [tilespmem:s31+$0x5450]  }
0x86: {  	v16 =	vld [tilespmem:s31+$0x5430]  }
0x87: {  	v17 =	vld [tilespmem:s31+$0x5440];
	v7 =	vadd.f32 v7, v9;
	v5 =	vadd.f32 v13, v5  }
0x88: {  	v9 =	vld [tilespmem:s31+$0x5470];
	v3 =	vadd.f32 v8, v3;
	v4 =	vadd.f32 v14, v4  }
0x89: {  	v6 =	vadd.f32 v10, v6;
	v10 =	vld [tilespmem:s31+$0x5460];
	v1 =	vadd.f32 v15, v1;
	v5 =	vmul.f32 $1.999999960e-02, v5  }
0x8a: {  	v3 =	vadd.f32 v12, v3;
	v4 =	vmul.f32 $1.999999960e-02, v4  }
0x8b: {  	v6 =	vadd.f32 v16, v6;
	v1 =	vmul.f32 $1.999999960e-02, v1;
	[tilespmem:s29+$0x15900] =	vst v5  }
0x8c: {  	v2 =	vadd.f32 v11, v2;
	v7 =	vadd.f32 v17, v7;
	v3 =	vmul.f32 $1.999999960e-02, v3;
	[tilespmem:s29+$0x15910] =	vst v4  }
0x8d: {  	v0 =	vadd.f32 v9, v0;
	v4 =	vmul.f32 $1.999999960e-02, v6;
	[tilespmem:s29+$0x15920] =	vst v1  }
0x8e: {  	v2 =	vadd.f32 v10, v2;
	v1 =	vmul.f32 $1.999999960e-02, v7;
	[tilespmem:s29+$0x15950] =	vst v3  }
0x8f: {  	v0 =	vmul.f32 $1.999999960e-02, v0;
	[tilespmem:s29+$0x15930] =	vst v4  }
0x90: {  	[tilespmem:s29+$0x15940] =	vst v1;
	v1 =	vmul.f32 $1.999999960e-02, v2  }
0x91: {  	[tilespmem:s29+$0x15970] =	vst v0  }
0x92: {  	s0 =	simm.s32 $0x0;
	[tilespmem:s29+$0x15960] =	vst v1  }
0x93: {  	v0 =	vld [tilespmem:s0+$0x6D70]  }
0x94: {  	v2 =	vld [tilespmem:s0+$0x6D00]  }
0x95: {  	v3 =	vld [tilespmem:s0+$0x6D10]  }
0x96: {  	v12 =	vld [tilespmem:s0+$0x6D20]  }
0x97: {  	v10 =	vld [tilespmem:s0+$0x6D30]  }
0x98: {  	v9 =	vimm.f32 $0.0e+00;
	v1 =	vimm.f32 $0.0e+00;
	v7 =	vld [tilespmem:s0+$0x6D40]  }
0x99: {  	v6 =	vimm.f32 $0.0e+00;
	v8 =	vld [tilespmem:s0+$0x6D50];
	v0 =	vadd.f32 v0, v1;
	v5 =	vadd.f32 v2, v1  }
0x9a: {  	s1 =	simm.s32 $0x400;
	s31 =	simm.s32 $0x80;
	v11 =	vld [tilespmem:s0+$0x6D60];
	v4 =	vadd.f32 v3, v1;
	v3 =	vimm.f32 $0.0e+00;
	v2 =	vimm.f32 $0.0e+00  }
.LBB2_9:
0x9b: {  	p1 =	sne.s32 s1, $0x6200;
	v13 =	vld [tilespmem:s31+$0x6D70];
	v1 =	vadd.f32 v12, v1  }
0x9c: {  	v14 =	vld [tilespmem:s31+$0x6D00];
	v6 =	vadd.f32 v10, v6  }
0x9d: {  	v15 =	vld [tilespmem:s31+$0x6D10];
	v9 =	vadd.f32 v7, v9  }
.Ltmp5:
0x9e: {  	v12 =	vld [tilespmem:s31+$0x6D20];
	v3 =	vadd.f32 v8, v3;
	(pc) =	sbr.rel @p1 .LBB2_9-.Ltmp5, $4  }
0x9f: {  	v10 =	vld [tilespmem:s31+$0x6D30];
	v2 =	vadd.f32 v11, v2  }
0xa0: {  	v7 =	vld [tilespmem:s31+$0x6D40];
	v0 =	vadd.f32 v13, v0  }
0xa1: {  	v5 =	vadd.f32 v14, v5;
	v8 =	vld [tilespmem:s31+$0x6D50]  }
0xa2: {  	v4 =	vadd.f32 v15, v4;
	v11 =	vld [tilespmem:s31+$0x6D60];
	s31 =	sshra.s32 s1, $0x2;
	s1 =	sadd.s32 $0x200, s1  }
0xa3: {  	v13 =	vld [tilespmem:s31+$0x6D00]  }
0xa4: {  	v14 =	vld [tilespmem:s31+$0x6D10]  }
0xa5: {  	v15 =	vld [tilespmem:s31+$0x6D20]  }
0xa6: {  	v1 =	vadd.f32 v12, v1;
	v12 =	vld [tilespmem:s31+$0x6D50]  }
0xa7: {  	v16 =	vld [tilespmem:s31+$0x6D30]  }
0xa8: {  	v17 =	vld [tilespmem:s31+$0x6D40];
	v7 =	vadd.f32 v7, v9;
	v5 =	vadd.f32 v13, v5  }
0xa9: {  	v9 =	vld [tilespmem:s31+$0x6D70];
	v3 =	vadd.f32 v8, v3;
	v4 =	vadd.f32 v14, v4  }
0xaa: {  	v6 =	vadd.f32 v10, v6;
	v10 =	vld [tilespmem:s31+$0x6D60];
	v1 =	vadd.f32 v15, v1;
	v5 =	vmul.f32 $1.999999960e-02, v5  }
0xab: {  	v3 =	vadd.f32 v12, v3;
	v4 =	vmul.f32 $1.999999960e-02, v4  }
0xac: {  	v6 =	vadd.f32 v16, v6;
	v1 =	vmul.f32 $1.999999960e-02, v1;
	[tilespmem:s29+$0x15980] =	vst v5  }
0xad: {  	v2 =	vadd.f32 v11, v2;
	v7 =	vadd.f32 v17, v7;
	v3 =	vmul.f32 $1.999999960e-02, v3;
	[tilespmem:s29+$0x15990] =	vst v4  }
0xae: {  	v0 =	vadd.f32 v9, v0;
	v4 =	vmul.f32 $1.999999960e-02, v6;
	[tilespmem:s29+$0x159A0] =	vst v1  }
0xaf: {  	v2 =	vadd.f32 v10, v2;
	v1 =	vmul.f32 $1.999999960e-02, v7;
	[tilespmem:s29+$0x159D0] =	vst v3  }
0xb0: {  	v0 =	vmul.f32 $1.999999960e-02, v0;
	[tilespmem:s29+$0x159B0] =	vst v4  }
0xb1: {  	[tilespmem:s29+$0x159C0] =	vst v1;
	v1 =	vmul.f32 $1.999999960e-02, v2  }
0xb2: {  	[tilespmem:s29+$0x159F0] =	vst v0  }
0xb3: {  	s0 =	sadd.s32 @!p0 $0x380, s30;
	s1 =	simm.s32 @!p0 $0x64;
	s31 =	simm.s32 @!p0 $0x5400;
	[tilespmem:s29+$0x159E0] =	vst v1  }
0xb4: {  	[tilespmem:s31], [sflag:$0x2] =	stream.indirect.gather @!p0 [hbm4b:s2+s1], $0x80, s0, s1, $0xb8;
	[tilespmem:$0x19800] =	vst v63  }
0xb5: {  	_ =	swait.ge [sflag:s20], $0x3200  }
0xb6: {  	[sflag:s20] =	ssyncset.done $0x0  }
0xb7: {  	s0 =	simm.s32 $0x0;
	[sflag:s20] =	ssyncadd.s32 $0xFFFFCE00  }
0xb8: {  	v0 =	vld [tilespmem:s0+$0x8870]  }
0xb9: {  	v2 =	vld [tilespmem:s0+$0x8800]  }
0xba: {  	v3 =	vld [tilespmem:s0+$0x8810]  }
0xbb: {  	v12 =	vld [tilespmem:s0+$0x8820]  }
0xbc: {  	v10 =	vld [tilespmem:s0+$0x8830]  }
0xbd: {  	v9 =	vimm.f32 $0.0e+00;
	v1 =	vimm.f32 $0.0e+00;
	v7 =	vld [tilespmem:s0+$0x8840]  }
0xbe: {  	v6 =	vimm.f32 $0.0e+00;
	v8 =	vld [tilespmem:s0+$0x8850];
	v0 =	vadd.f32 v0, v1;
	v5 =	vadd.f32 v2, v1  }
0xbf: {  	s31 =	simm.s32 $0x80;
	s1 =	simm.s32 $0x400;
	v11 =	vld [tilespmem:s0+$0x8860];
	v4 =	vadd.f32 v3, v1;
	v3 =	vimm.f32 $0.0e+00;
	v2 =	vimm.f32 $0.0e+00  }
.LBB2_11:
0xc0: {  	p1 =	sne.s32 s1, $0x6200;
	v13 =	vld [tilespmem:s31+$0x8870];
	v1 =	vadd.f32 v12, v1  }
0xc1: {  	v14 =	vld [tilespmem:s31+$0x8800];
	v6 =	vadd.f32 v10, v6  }
0xc2: {  	v15 =	vld [tilespmem:s31+$0x8810];
	v9 =	vadd.f32 v7, v9  }
.Ltmp6:
0xc3: {  	v12 =	vld [tilespmem:s31+$0x8820];
	v3 =	vadd.f32 v8, v3;
	(pc) =	sbr.rel @p1 .LBB2_11-.Ltmp6, $4  }
0xc4: {  	v10 =	vld [tilespmem:s31+$0x8830];
	v2 =	vadd.f32 v11, v2  }
0xc5: {  	v7 =	vld [tilespmem:s31+$0x8840];
	v0 =	vadd.f32 v13, v0  }
0xc6: {  	v5 =	vadd.f32 v14, v5;
	v8 =	vld [tilespmem:s31+$0x8850]  }
0xc7: {  	v4 =	vadd.f32 v15, v4;
	v11 =	vld [tilespmem:s31+$0x8860];
	s31 =	sshra.s32 s1, $0x2;
	s1 =	sadd.s32 $0x200, s1  }
0xc8: {  	v13 =	vld [tilespmem:s31+$0x8800]  }
0xc9: {  	v14 =	vld [tilespmem:s31+$0x8810]  }
0xca: {  	v15 =	vld [tilespmem:s31+$0x8820]  }
0xcb: {  	v1 =	vadd.f32 v12, v1;
	v12 =	vld [tilespmem:s31+$0x8850]  }
0xcc: {  	v16 =	vld [tilespmem:s31+$0x8830]  }
0xcd: {  	v17 =	vld [tilespmem:s31+$0x8840];
	v7 =	vadd.f32 v7, v9;
	v5 =	vadd.f32 v13, v5  }
0xce: {  	v9 =	vld [tilespmem:s31+$0x8870];
	v3 =	vadd.f32 v8, v3;
	v4 =	vadd.f32 v14, v4  }
0xcf: {  	v6 =	vadd.f32 v10, v6;
	v10 =	vld [tilespmem:s31+$0x8860];
	v1 =	vadd.f32 v15, v1;
	v5 =	vmul.f32 $1.999999960e-02, v5  }
0xd0: {  	v3 =	vadd.f32 v12, v3;
	v4 =	vmul.f32 $1.999999960e-02, v4  }
0xd1: {  	v6 =	vadd.f32 v16, v6;
	v1 =	vmul.f32 $1.999999960e-02, v1;
	[tilespmem:s29+$0x15A00] =	vst v5  }
0xd2: {  	v2 =	vadd.f32 v11, v2;
	v7 =	vadd.f32 v17, v7;
	v3 =	vmul.f32 $1.999999960e-02, v3;
	[tilespmem:s29+$0x15A10] =	vst v4  }
0xd3: {  	v0 =	vadd.f32 v9, v0;
	v4 =	vmul.f32 $1.999999960e-02, v6;
	[tilespmem:s29+$0x15A20] =	vst v1  }
0xd4: {  	v2 =	vadd.f32 v10, v2;
	v1 =	vmul.f32 $1.999999960e-02, v7;
	[tilespmem:s29+$0x15A50] =	vst v3  }
0xd5: {  	v0 =	vmul.f32 $1.999999960e-02, v0;
	[tilespmem:s29+$0x15A30] =	vst v4  }
0xd6: {  	[tilespmem:s29+$0x15A40] =	vst v1;
	v1 =	vmul.f32 $1.999999960e-02, v2  }
0xd7: {  	[tilespmem:s29+$0x15A70] =	vst v0  }
0xd8: {  	s0 =	simm.s32 $0x0;
	[tilespmem:s29+$0x15A60] =	vst v1  }
0xd9: {  	v0 =	vld [tilespmem:s0+$0xA170]  }
0xda: {  	v2 =	vld [tilespmem:s0+$0xA100]  }
0xdb: {  	v3 =	vld [tilespmem:s0+$0xA110]  }
0xdc: {  	v12 =	vld [tilespmem:s0+$0xA120]  }
0xdd: {  	v10 =	vld [tilespmem:s0+$0xA130]  }
0xde: {  	v9 =	vimm.f32 $0.0e+00;
	v1 =	vimm.f32 $0.0e+00;
	v7 =	vld [tilespmem:s0+$0xA140]  }
0xdf: {  	v6 =	vimm.f32 $0.0e+00;
	v8 =	vld [tilespmem:s0+$0xA150];
	v0 =	vadd.f32 v0, v1;
	v5 =	vadd.f32 v2, v1  }
0xe0: {  	s1 =	simm.s32 $0x400;
	s31 =	simm.s32 $0x80;
	v11 =	vld [tilespmem:s0+$0xA160];
	v4 =	vadd.f32 v3, v1;
	v3 =	vimm.f32 $0.0e+00;
	v2 =	vimm.f32 $0.0e+00  }
.LBB2_13:
0xe1: {  	p1 =	sne.s32 s1, $0x6200;
	v13 =	vld [tilespmem:s31+$0xA170];
	v1 =	vadd.f32 v12, v1  }
0xe2: {  	v14 =	vld [tilespmem:s31+$0xA100];
	v6 =	vadd.f32 v10, v6  }
0xe3: {  	v15 =	vld [tilespmem:s31+$0xA110];
	v9 =	vadd.f32 v7, v9  }
.Ltmp7:
0xe4: {  	v12 =	vld [tilespmem:s31+$0xA120];
	v3 =	vadd.f32 v8, v3;
	(pc) =	sbr.rel @p1 .LBB2_13-.Ltmp7, $4  }
0xe5: {  	v10 =	vld [tilespmem:s31+$0xA130];
	v2 =	vadd.f32 v11, v2  }
0xe6: {  	v7 =	vld [tilespmem:s31+$0xA140];
	v0 =	vadd.f32 v13, v0  }
0xe7: {  	v5 =	vadd.f32 v14, v5;
	v8 =	vld [tilespmem:s31+$0xA150]  }
0xe8: {  	v4 =	vadd.f32 v15, v4;
	v11 =	vld [tilespmem:s31+$0xA160];
	s31 =	sshra.s32 s1, $0x2;
	s1 =	sadd.s32 $0x200, s1  }
0xe9: {  	v13 =	vld [tilespmem:s31+$0xA100]  }
0xea: {  	v14 =	vld [tilespmem:s31+$0xA110]  }
0xeb: {  	v15 =	vld [tilespmem:s31+$0xA120]  }
0xec: {  	v1 =	vadd.f32 v12, v1;
	v12 =	vld [tilespmem:s31+$0xA150]  }
0xed: {  	v16 =	vld [tilespmem:s31+$0xA130]  }
0xee: {  	v17 =	vld [tilespmem:s31+$0xA140];
	v7 =	vadd.f32 v7, v9;
	v5 =	vadd.f32 v13, v5  }
0xef: {  	v9 =	vld [tilespmem:s31+$0xA170];
	v3 =	vadd.f32 v8, v3;
	v4 =	vadd.f32 v14, v4  }
0xf0: {  	v6 =	vadd.f32 v10, v6;
	v10 =	vld [tilespmem:s31+$0xA160];
	v1 =	vadd.f32 v15, v1;
	v5 =	vmul.f32 $1.999999960e-02, v5  }
0xf1: {  	v3 =	vadd.f32 v12, v3;
	v4 =	vmul.f32 $1.999999960e-02, v4  }
0xf2: {  	v6 =	vadd.f32 v16, v6;
	v1 =	vmul.f32 $1.999999960e-02, v1;
	[tilespmem:s29+$0x15A80] =	vst v5  }
0xf3: {  	v2 =	vadd.f32 v11, v2;
	v7 =	vadd.f32 v17, v7;
	v3 =	vmul.f32 $1.999999960e-02, v3;
	[tilespmem:s29+$0x15A90] =	vst v4  }
0xf4: {  	v0 =	vadd.f32 v9, v0;
	v4 =	vmul.f32 $1.999999960e-02, v6;
	[tilespmem:s29+$0x15AA0] =	vst v1  }
0xf5: {  	v2 =	vadd.f32 v10, v2;
	v1 =	vmul.f32 $1.999999960e-02, v7;
	[tilespmem:s29+$0x15AD0] =	vst v3  }
0xf6: {  	v0 =	vmul.f32 $1.999999960e-02, v0;
	[tilespmem:s29+$0x15AB0] =	vst v4  }
0xf7: {  	[tilespmem:s29+$0x15AC0] =	vst v1;
	v1 =	vmul.f32 $1.999999960e-02, v2  }
0xf8: {  	[tilespmem:s29+$0x15AF0] =	vst v0  }
0xf9: {  	s0 =	sadd.s32 @!p0 $0x400, s30;
	s1 =	simm.s32 @!p0 $0x64;
	s30 =	simm.s32 @!p0 $0x8800;
	[tilespmem:s29+$0x15AE0] =	vst v1  }
0xfa: {  	[tilespmem:s30], [sflag:$0x3] =	stream.indirect.gather @!p0 [hbm4b:s2+s1], $0x80, s0, s1, $0xb8;
	[tilespmem:$0x19800] =	vst v63  }
0xfb: {  	_ =	swait.ge [sflag:s21], $0x3200  }
0xfc: {  	[sflag:s21] =	ssyncset.done $0x0  }
0xfd: {  	s31 =	simm.s32 $0x0;
	[sflag:s21] =	ssyncadd.s32 $0xFFFFCE00  }
0xfe: {  	v0 =	vld [tilespmem:s31+$0xBC70]  }
0xff: {  	v2 =	vld [tilespmem:s31+$0xBC00]  }
0x100: {  	v3 =	vld [tilespmem:s31+$0xBC10]  }
0x101: {  	v12 =	vld [tilespmem:s31+$0xBC20]  }
0x102: {  	v10 =	vld [tilespmem:s31+$0xBC30]  }
0x103: {  	v9 =	vimm.f32 $0.0e+00;
	v1 =	vimm.f32 $0.0e+00;
	v7 =	vld [tilespmem:s31+$0xBC40]  }
0x104: {  	v6 =	vimm.f32 $0.0e+00;
	v8 =	vld [tilespmem:s31+$0xBC50];
	v0 =	vadd.f32 v0, v1;
	v5 =	vadd.f32 v2, v1  }
0x105: {  	s30 =	simm.s32 $0x80;
	s1 =	simm.s32 $0x400;
	v11 =	vld [tilespmem:s31+$0xBC60];
	v4 =	vadd.f32 v3, v1;
	v3 =	vimm.f32 $0.0e+00;
	v2 =	vimm.f32 $0.0e+00  }
.LBB2_15:
0x106: {  	p1 =	sne.s32 s1, $0x6200;
	v13 =	vld [tilespmem:s30+$0xBC70];
	v1 =	vadd.f32 v12, v1  }
0x107: {  	v14 =	vld [tilespmem:s30+$0xBC00];
	v6 =	vadd.f32 v10, v6  }
0x108: {  	v15 =	vld [tilespmem:s30+$0xBC10];
	v9 =	vadd.f32 v7, v9  }
.Ltmp8:
0x109: {  	v12 =	vld [tilespmem:s30+$0xBC20];
	v3 =	vadd.f32 v8, v3;
	(pc) =	sbr.rel @p1 .LBB2_15-.Ltmp8, $4  }
0x10a: {  	v10 =	vld [tilespmem:s30+$0xBC30];
	v2 =	vadd.f32 v11, v2  }
0x10b: {  	v7 =	vld [tilespmem:s30+$0xBC40];
	v0 =	vadd.f32 v13, v0  }
0x10c: {  	v5 =	vadd.f32 v14, v5;
	v8 =	vld [tilespmem:s30+$0xBC50]  }
0x10d: {  	v4 =	vadd.f32 v15, v4;
	v11 =	vld [tilespmem:s30+$0xBC60];
	s30 =	sshra.s32 s1, $0x2;
	s1 =	sadd.s32 $0x200, s1  }
0x10e: {  	v13 =	vld [tilespmem:s30+$0xBC00]  }
0x10f: {  	v14 =	vld [tilespmem:s30+$0xBC10]  }
0x110: {  	v15 =	vld [tilespmem:s30+$0xBC20]  }
0x111: {  	v1 =	vadd.f32 v12, v1;
	v12 =	vld [tilespmem:s30+$0xBC50]  }
0x112: {  	v16 =	vld [tilespmem:s30+$0xBC30]  }
0x113: {  	v17 =	vld [tilespmem:s30+$0xBC40];
	v7 =	vadd.f32 v7, v9;
	v5 =	vadd.f32 v13, v5  }
0x114: {  	v9 =	vld [tilespmem:s30+$0xBC70];
	v3 =	vadd.f32 v8, v3;
	v4 =	vadd.f32 v14, v4  }
0x115: {  	v6 =	vadd.f32 v10, v6;
	v10 =	vld [tilespmem:s30+$0xBC60];
	v1 =	vadd.f32 v15, v1;
	v5 =	vmul.f32 $1.999999960e-02, v5  }
0x116: {  	v3 =	vadd.f32 v12, v3;
	v4 =	vmul.f32 $1.999999960e-02, v4  }
0x117: {  	v6 =	vadd.f32 v16, v6;
	v1 =	vmul.f32 $1.999999960e-02, v1;
	[tilespmem:s29+$0x15B00] =	vst v5  }
0x118: {  	v2 =	vadd.f32 v11, v2;
	v7 =	vadd.f32 v17, v7;
	v3 =	vmul.f32 $1.999999960e-02, v3;
	[tilespmem:s29+$0x15B10] =	vst v4  }
0x119: {  	v0 =	vadd.f32 v9, v0;
	v4 =	vmul.f32 $1.999999960e-02, v6;
	[tilespmem:s29+$0x15B20] =	vst v1  }
0x11a: {  	v2 =	vadd.f32 v10, v2;
	v1 =	vmul.f32 $1.999999960e-02, v7;
	[tilespmem:s29+$0x15B50] =	vst v3  }
0x11b: {  	v0 =	vmul.f32 $1.999999960e-02, v0;
	[tilespmem:s29+$0x15B30] =	vst v4  }
0x11c: {  	[tilespmem:s29+$0x15B40] =	vst v1;
	v1 =	vmul.f32 $1.999999960e-02, v2  }
0x11d: {  	[tilespmem:s29+$0x15B70] =	vst v0  }
0x11e: {  	s0 =	simm.s32 $0x0;
	[tilespmem:s29+$0x15B60] =	vst v1  }
0x11f: {  	v0 =	vld [tilespmem:s0+$0xD570]  }
0x120: {  	v2 =	vld [tilespmem:s0+$0xD500]  }
0x121: {  	v3 =	vld [tilespmem:s0+$0xD510]  }
0x122: {  	v12 =	vld [tilespmem:s0+$0xD520]  }
0x123: {  	v10 =	vld [tilespmem:s0+$0xD530]  }
0x124: {  	v9 =	vimm.f32 $0.0e+00;
	v1 =	vimm.f32 $0.0e+00;
	v7 =	vld [tilespmem:s0+$0xD540]  }
0x125: {  	v6 =	vimm.f32 $0.0e+00;
	v8 =	vld [tilespmem:s0+$0xD550];
	v0 =	vadd.f32 v0, v1;
	v5 =	vadd.f32 v2, v1  }
0x126: {  	s1 =	simm.s32 $0x400;
	s30 =	simm.s32 $0x80;
	v11 =	vld [tilespmem:s0+$0xD560];
	v4 =	vadd.f32 v3, v1;
	v3 =	vimm.f32 $0.0e+00;
	v2 =	vimm.f32 $0.0e+00  }
.LBB2_17:
0x127: {  	p1 =	sne.s32 s1, $0x6200;
	v13 =	vld [tilespmem:s30+$0xD570];
	v1 =	vadd.f32 v12, v1  }
0x128: {  	v14 =	vld [tilespmem:s30+$0xD500];
	v6 =	vadd.f32 v10, v6  }
0x129: {  	v15 =	vld [tilespmem:s30+$0xD510];
	v9 =	vadd.f32 v7, v9  }
.Ltmp9:
0x12a: {  	v12 =	vld [tilespmem:s30+$0xD520];
	v3 =	vadd.f32 v8, v3;
	(pc) =	sbr.rel @p1 .LBB2_17-.Ltmp9, $4  }
0x12b: {  	v10 =	vld [tilespmem:s30+$0xD530];
	v2 =	vadd.f32 v11, v2  }
0x12c: {  	v7 =	vld [tilespmem:s30+$0xD540];
	v0 =	vadd.f32 v13, v0  }
0x12d: {  	v5 =	vadd.f32 v14, v5;
	v8 =	vld [tilespmem:s30+$0xD550]  }
0x12e: {  	v4 =	vadd.f32 v15, v4;
	v11 =	vld [tilespmem:s30+$0xD560];
	s30 =	sshra.s32 s1, $0x2;
	s1 =	sadd.s32 $0x200, s1  }
0x12f: {  	v13 =	vld [tilespmem:s30+$0xD500]  }
0x130: {  	v14 =	vld [tilespmem:s30+$0xD510]  }
0x131: {  	v15 =	vld [tilespmem:s30+$0xD520]  }
0x132: {  	v16 =	vld [tilespmem:s30+$0xD530]  }
0x133: {  	v17 =	vld [tilespmem:s30+$0xD540]  }
0x134: {  	v1 =	vadd.f32 v12, v1;
	v58 =	vld [tilespmem:s30+$0xD550];
	v5 =	vadd.f32 v13, v5  }
0x135: {  	v60 =	vld [tilespmem:s30+$0xD570];
	v6 =	vadd.f32 v10, v6;
	v4 =	vadd.f32 v14, v4  }
0x136: {  	v59 =	vld [tilespmem:s30+$0xD560];
	v7 =	vadd.f32 v7, v9;
	v1 =	vadd.f32 v15, v1;
	v5 =	vmul.f32 $1.999999960e-02, v5  }
0x137: {  	v3 =	vadd.f32 v8, v3;
	v6 =	vadd.f32 v16, v6;
	v4 =	vmul.f32 $1.999999960e-02, v4  }
0x138: {  	v7 =	vadd.f32 v17, v7;
	v1 =	vmul.f32 $1.999999960e-02, v1;
	[tilespmem:s29+$0x15B80] =	vst v5  }
0x139: {  	v2 =	vadd.f32 v11, v2;
	v3 =	vadd.f32 v58, v3;
	v61 =	vmul.f32 $1.999999960e-02, v6;
	[tilespmem:s29+$0x15B90] =	vst v4  }
0x13a: {  	v0 =	vadd.f32 v60, v0;
	v62 =	vmul.f32 $1.999999960e-02, v7;
	[tilespmem:s29+$0x15BA0] =	vst v1  }
.Ltmp10:
0x13b: {  	v2 =	vadd.f32 v59, v2;
	v3 =	vmul.f32 $1.999999960e-02, v3;
	[tilespmem:s29+$0x15BB0] =	vst v61;
	(pc) =	sbr.rel @p0 .LBB2_28-.Ltmp10, $4  }
0x13c: {  	v0 =	vmul.f32 $1.999999960e-02, v0;
	[tilespmem:s29+$0x15BC0] =	vst v62  }
0x13d: {  	v63 =	vmul.f32 $1.999999960e-02, v2;
	[tilespmem:s29+$0x15BD0] =	vst v3  }
0x13e: {  	[tilespmem:s29+$0x15BF0] =	vst v0  }
0x13f: {  	[tilespmem:s29+$0x15BE0] =	vst v63  }
0x140: {  	s0 =	smul.u32 $0xC00, s26;
	_ =	sdelay $0x1  }
0x141: {  	s30 =	sshra.s32 s0, $0x2  }
0x142: {  	s0 =	sadd.s32 $0x480, s30  }
0x143: {  	[tilespmem:s15], [sflag:$0x4] =	stream.indirect.gather [hbm4b:s2+s8], $0x80, s0, s8, $0xb8;
	[tilespmem:$0x19800] =	vst v63  }
0x144: {  	_ =	swait.ge [sflag:s23], $0x3200  }
0x145: {  	[sflag:s23] =	ssyncset.done $0x0  }
0x146: {  	s0 =	simm.s32 $0x0;
	[sflag:s23] =	ssyncadd.s32 $0xFFFFCE00  }
0x147: {  	v0 =	vld [tilespmem:s0+$0xF070]  }
0x148: {  	v2 =	vld [tilespmem:s0+$0xF000]  }
0x149: {  	v3 =	vld [tilespmem:s0+$0xF010]  }
0x14a: {  	v12 =	vld [tilespmem:s0+$0xF020]  }
0x14b: {  	v10 =	vld [tilespmem:s0+$0xF030]  }
0x14c: {  	v1 =	vimm.f32 $0.0e+00;
	v6 =	vimm.f32 $0.0e+00;
	v7 =	vld [tilespmem:s0+$0xF040]  }
0x14d: {  	v9 =	vimm.f32 $0.0e+00;
	v8 =	vld [tilespmem:s0+$0xF050];
	v0 =	vadd.f32 v0, v1;
	v5 =	vadd.f32 v2, v1  }
0x14e: {  	s31 =	simm.s32 $0x80;
	s1 =	simm.s32 $0x400;
	v11 =	vld [tilespmem:s0+$0xF060];
	v4 =	vadd.f32 v3, v1;
	v3 =	vimm.f32 $0.0e+00;
	v2 =	vimm.f32 $0.0e+00  }
.LBB2_20:
0x14f: {  	p0 =	sne.s32 s1, $0x6200;
	v13 =	vld [tilespmem:s31+$0xF070];
	v1 =	vadd.f32 v12, v1  }
0x150: {  	v14 =	vld [tilespmem:s31+$0xF000];
	v6 =	vadd.f32 v10, v6  }
0x151: {  	v15 =	vld [tilespmem:s31+$0xF010];
	v9 =	vadd.f32 v7, v9  }
.Ltmp11:
0x152: {  	v12 =	vld [tilespmem:s31+$0xF020];
	v3 =	vadd.f32 v8, v3;
	(pc) =	sbr.rel @p0 .LBB2_20-.Ltmp11, $4  }
0x153: {  	v10 =	vld [tilespmem:s31+$0xF030];
	v2 =	vadd.f32 v11, v2  }
0x154: {  	v7 =	vld [tilespmem:s31+$0xF040];
	v0 =	vadd.f32 v13, v0  }
0x155: {  	v5 =	vadd.f32 v14, v5;
	v8 =	vld [tilespmem:s31+$0xF050]  }
0x156: {  	v4 =	vadd.f32 v15, v4;
	v11 =	vld [tilespmem:s31+$0xF060];
	s31 =	sshra.s32 s1, $0x2;
	s1 =	sadd.s32 $0x200, s1  }
0x157: {  	v13 =	vld [tilespmem:s31+$0xF000]  }
0x158: {  	v14 =	vld [tilespmem:s31+$0xF010]  }
0x159: {  	v15 =	vld [tilespmem:s31+$0xF020]  }
0x15a: {  	v1 =	vadd.f32 v12, v1;
	v12 =	vld [tilespmem:s31+$0xF050]  }
0x15b: {  	v16 =	vld [tilespmem:s31+$0xF030]  }
0x15c: {  	v17 =	vld [tilespmem:s31+$0xF040];
	v7 =	vadd.f32 v7, v9;
	v5 =	vadd.f32 v13, v5  }
0x15d: {  	v9 =	vld [tilespmem:s31+$0xF070];
	v3 =	vadd.f32 v8, v3;
	v4 =	vadd.f32 v14, v4  }
0x15e: {  	v6 =	vadd.f32 v10, v6;
	v10 =	vld [tilespmem:s31+$0xF060];
	v1 =	vadd.f32 v15, v1;
	v5 =	vmul.f32 $1.999999960e-02, v5  }
0x15f: {  	v3 =	vadd.f32 v12, v3;
	v4 =	vmul.f32 $1.999999960e-02, v4  }
0x160: {  	v6 =	vadd.f32 v16, v6;
	v1 =	vmul.f32 $1.999999960e-02, v1;
	[tilespmem:s29+$0x15C00] =	vst v5  }
0x161: {  	v2 =	vadd.f32 v11, v2;
	v7 =	vadd.f32 v17, v7;
	v3 =	vmul.f32 $1.999999960e-02, v3;
	[tilespmem:s29+$0x15C10] =	vst v4  }
0x162: {  	v0 =	vadd.f32 v9, v0;
	v4 =	vmul.f32 $1.999999960e-02, v6;
	[tilespmem:s29+$0x15C20] =	vst v1  }
0x163: {  	v2 =	vadd.f32 v10, v2;
	v1 =	vmul.f32 $1.999999960e-02, v7;
	[tilespmem:s29+$0x15C50] =	vst v3  }
0x164: {  	v0 =	vmul.f32 $1.999999960e-02, v0;
	[tilespmem:s29+$0x15C30] =	vst v4  }
0x165: {  	[tilespmem:s29+$0x15C40] =	vst v1;
	v1 =	vmul.f32 $1.999999960e-02, v2  }
0x166: {  	[tilespmem:s29+$0x15C70] =	vst v0  }
0x167: {  	s0 =	simm.s32 $0x0;
	[tilespmem:s29+$0x15C60] =	vst v1  }
0x168: {  	v0 =	vld [tilespmem:s0+$0x10970]  }
0x169: {  	v2 =	vld [tilespmem:s0+$0x10900]  }
0x16a: {  	v3 =	vld [tilespmem:s0+$0x10910]  }
0x16b: {  	v12 =	vld [tilespmem:s0+$0x10920]  }
0x16c: {  	v10 =	vld [tilespmem:s0+$0x10930]  }
0x16d: {  	v9 =	vimm.f32 $0.0e+00;
	v1 =	vimm.f32 $0.0e+00;
	v7 =	vld [tilespmem:s0+$0x10940]  }
0x16e: {  	v6 =	vimm.f32 $0.0e+00;
	v8 =	vld [tilespmem:s0+$0x10950];
	v0 =	vadd.f32 v0, v1;
	v5 =	vadd.f32 v2, v1  }
0x16f: {  	s1 =	simm.s32 $0x400;
	s31 =	simm.s32 $0x80;
	v11 =	vld [tilespmem:s0+$0x10960];
	v4 =	vadd.f32 v3, v1;
	v3 =	vimm.f32 $0.0e+00;
	v2 =	vimm.f32 $0.0e+00  }
.LBB2_22:
0x170: {  	p0 =	sne.s32 s1, $0x6200;
	v13 =	vld [tilespmem:s31+$0x10970];
	v1 =	vadd.f32 v12, v1  }
0x171: {  	v14 =	vld [tilespmem:s31+$0x10900];
	v6 =	vadd.f32 v10, v6  }
0x172: {  	v15 =	vld [tilespmem:s31+$0x10910];
	v9 =	vadd.f32 v7, v9  }
.Ltmp12:
0x173: {  	v12 =	vld [tilespmem:s31+$0x10920];
	v3 =	vadd.f32 v8, v3;
	(pc) =	sbr.rel @p0 .LBB2_22-.Ltmp12, $4  }
0x174: {  	v10 =	vld [tilespmem:s31+$0x10930];
	v2 =	vadd.f32 v11, v2  }
0x175: {  	v7 =	vld [tilespmem:s31+$0x10940];
	v0 =	vadd.f32 v13, v0  }
0x176: {  	v5 =	vadd.f32 v14, v5;
	v8 =	vld [tilespmem:s31+$0x10950]  }
0x177: {  	v4 =	vadd.f32 v15, v4;
	v11 =	vld [tilespmem:s31+$0x10960];
	s31 =	sshra.s32 s1, $0x2;
	s1 =	sadd.s32 $0x200, s1  }
0x178: {  	v13 =	vld [tilespmem:s31+$0x10900]  }
0x179: {  	v14 =	vld [tilespmem:s31+$0x10910]  }
0x17a: {  	v15 =	vld [tilespmem:s31+$0x10920]  }
0x17b: {  	v1 =	vadd.f32 v12, v1;
	v12 =	vld [tilespmem:s31+$0x10950]  }
0x17c: {  	v16 =	vld [tilespmem:s31+$0x10930]  }
0x17d: {  	v17 =	vld [tilespmem:s31+$0x10940];
	v7 =	vadd.f32 v7, v9;
	v5 =	vadd.f32 v13, v5  }
0x17e: {  	v9 =	vld [tilespmem:s31+$0x10970];
	v3 =	vadd.f32 v8, v3;
	v4 =	vadd.f32 v14, v4  }
0x17f: {  	v6 =	vadd.f32 v10, v6;
	v10 =	vld [tilespmem:s31+$0x10960];
	v1 =	vadd.f32 v15, v1;
	v5 =	vmul.f32 $1.999999960e-02, v5  }
0x180: {  	v3 =	vadd.f32 v12, v3;
	v4 =	vmul.f32 $1.999999960e-02, v4  }
0x181: {  	v6 =	vadd.f32 v16, v6;
	v1 =	vmul.f32 $1.999999960e-02, v1;
	[tilespmem:s29+$0x15C80] =	vst v5  }
0x182: {  	v2 =	vadd.f32 v11, v2;
	v7 =	vadd.f32 v17, v7;
	v3 =	vmul.f32 $1.999999960e-02, v3;
	[tilespmem:s29+$0x15C90] =	vst v4  }
0x183: {  	v0 =	vadd.f32 v9, v0;
	v4 =	vmul.f32 $1.999999960e-02, v6;
	[tilespmem:s29+$0x15CA0] =	vst v1  }
0x184: {  	v2 =	vadd.f32 v10, v2;
	v1 =	vmul.f32 $1.999999960e-02, v7;
	[tilespmem:s29+$0x15CD0] =	vst v3  }
0x185: {  	v0 =	vmul.f32 $1.999999960e-02, v0;
	[tilespmem:s29+$0x15CB0] =	vst v4  }
0x186: {  	[tilespmem:s29+$0x15CC0] =	vst v1;
	v1 =	vmul.f32 $1.999999960e-02, v2  }
0x187: {  	p0 =	sgt.u32 s26, $0x8;
	[tilespmem:s29+$0x15CF0] =	vst v0  }
0x188: {  	s0 =	sadd.s32 @!p0 $0x500, s30;
	s1 =	simm.s32 @!p0 $0x64;
	[tilespmem:s29+$0x15CE0] =	vst v1;
	s29 =	simm.s32 @!p0 $0xF000  }
0x189: {  	[tilespmem:s29], [sflag:$0x5] =	stream.indirect.gather @!p0 [hbm4b:s2+s1], $0x80, s0, s1, $0xb8;
	[tilespmem:$0x19800] =	vst v63  }
0x18a: {  	_ =	swait.ge [sflag:s24], $0x3200  }
0x18b: {  	[sflag:s24] =	ssyncset.done $0x0  }
0x18c: {  	s31 =	simm.s32 $0x0;
	[sflag:s24] =	ssyncadd.s32 $0xFFFFCE00  }
0x18d: {  	v0 =	vld [tilespmem:s31+$0x12470]  }
0x18e: {  	v1 =	vld [tilespmem:s31+$0x12400]  }
0x18f: {  	v3 =	vld [tilespmem:s31+$0x12410]  }
0x190: {  	v12 =	vld [tilespmem:s31+$0x12420]  }
0x191: {  	v11 =	vld [tilespmem:s31+$0x12430]  }
0x192: {  	v10 =	vimm.f32 $0.0e+00;
	v2 =	vimm.f32 $0.0e+00;
	v8 =	vld [tilespmem:s31+$0x12440]  }
0x193: {  	v7 =	vimm.f32 $0.0e+00;
	v5 =	vld [tilespmem:s31+$0x12450];
	v0 =	vadd.f32 v0, v2;
	v6 =	vadd.f32 v1, v2  }
0x194: {  	s29 =	simm.s32 $0x80;
	s1 =	simm.s32 $0x400;
	v9 =	vld [tilespmem:s31+$0x12460];
	v4 =	vadd.f32 v3, v2;
	v3 =	vimm.f32 $0.0e+00;
	v1 =	vimm.f32 $0.0e+00  }
.LBB2_24:
0x195: {  	p0 =	sne.s32 s1, $0x6200;
	v13 =	vld [tilespmem:s29+$0x12470];
	v2 =	vadd.f32 v12, v2  }
0x196: {  	v14 =	vld [tilespmem:s29+$0x12400];
	v7 =	vadd.f32 v11, v7  }
0x197: {  	v15 =	vld [tilespmem:s29+$0x12410];
	v10 =	vadd.f32 v8, v10  }
.Ltmp13:
0x198: {  	v12 =	vld [tilespmem:s29+$0x12420];
	v3 =	vadd.f32 v5, v3;
	(pc) =	sbr.rel @p0 .LBB2_24-.Ltmp13, $4  }
0x199: {  	v11 =	vld [tilespmem:s29+$0x12430];
	v1 =	vadd.f32 v9, v1  }
0x19a: {  	v8 =	vld [tilespmem:s29+$0x12440];
	v0 =	vadd.f32 v13, v0  }
0x19b: {  	v6 =	vadd.f32 v14, v6;
	v5 =	vld [tilespmem:s29+$0x12450]  }
0x19c: {  	v4 =	vadd.f32 v15, v4;
	v9 =	vld [tilespmem:s29+$0x12460];
	s29 =	sshra.s32 s1, $0x2;
	s1 =	sadd.s32 $0x200, s1  }
0x19d: {  	v13 =	vld [tilespmem:s29+$0x12400]  }
0x19e: {  	v14 =	vld [tilespmem:s29+$0x12410]  }
0x19f: {  	v15 =	vld [tilespmem:s29+$0x12420]  }
0x1a0: {  	v2 =	vadd.f32 v12, v2;
	v12 =	vld [tilespmem:s29+$0x12450]  }
0x1a1: {  	v7 =	vadd.f32 v11, v7;
	v11 =	vld [tilespmem:s29+$0x12460]  }
0x1a2: {  	v16 =	vld [tilespmem:s29+$0x12430];
	v8 =	vadd.f32 v8, v10;
	v6 =	vadd.f32 v13, v6  }
0x1a3: {  	v17 =	vld [tilespmem:s29+$0x12440];
	v3 =	vadd.f32 v5, v3;
	v4 =	vadd.f32 v14, v4  }
0x1a4: {  	s0 =	sshll.u32 s28, $0x8;
	v10 =	vld [tilespmem:s29+$0x12470];
	v1 =	vadd.f32 v9, v1;
	v2 =	vadd.f32 v15, v2;
	v6 =	vmul.f32 $1.999999960e-02, v6  }
0x1a5: {  	s28 =	sand.u32 $0x3FFFFF00, s0;
	v3 =	vadd.f32 v12, v3;
	v4 =	vmul.f32 $1.999999960e-02, v4  }
0x1a6: {  	v1 =	vadd.f32 v11, v1;
	v2 =	vmul.f32 $1.999999960e-02, v2;
	[tilespmem:s28+$0x15800] =	vst v6  }
0x1a7: {  	v5 =	vadd.f32 v16, v7;
	v3 =	vmul.f32 $1.999999960e-02, v3;
	[tilespmem:s28+$0x15810] =	vst v4  }
0x1a8: {  	v7 =	vadd.f32 v17, v8;
	v1 =	vmul.f32 $1.999999960e-02, v1;
	[tilespmem:s28+$0x15820] =	vst v2  }
0x1a9: {  	v0 =	vadd.f32 v10, v0;
	v4 =	vmul.f32 $1.999999960e-02, v5;
	[tilespmem:s28+$0x15850] =	vst v3  }
0x1aa: {  	v2 =	vmul.f32 $1.999999960e-02, v7;
	[tilespmem:s28+$0x15860] =	vst v1  }
0x1ab: {  	v0 =	vmul.f32 $1.999999960e-02, v0;
	[tilespmem:s28+$0x15830] =	vst v4  }
0x1ac: {  	[tilespmem:s28+$0x15840] =	vst v2  }
0x1ad: {  	s31 =	simm.s32 $0x0;
	[tilespmem:s28+$0x15870] =	vst v0  }
0x1ae: {  	v0 =	vld [tilespmem:s31+$0x13D70]  }
0x1af: {  	v2 =	vld [tilespmem:s31+$0x13D00]  }
0x1b0: {  	v3 =	vld [tilespmem:s31+$0x13D10]  }
0x1b1: {  	v12 =	vld [tilespmem:s31+$0x13D20]  }
0x1b2: {  	v10 =	vld [tilespmem:s31+$0x13D30]  }
0x1b3: {  	v9 =	vimm.f32 $0.0e+00;
	v1 =	vimm.f32 $0.0e+00;
	v7 =	vld [tilespmem:s31+$0x13D40]  }
0x1b4: {  	v6 =	vimm.f32 $0.0e+00;
	v8 =	vld [tilespmem:s31+$0x13D50];
	v0 =	vadd.f32 v0, v1;
	v5 =	vadd.f32 v2, v1  }
0x1b5: {  	s1 =	simm.s32 $0x400;
	s29 =	simm.s32 $0x80;
	v11 =	vld [tilespmem:s31+$0x13D60];
	v4 =	vadd.f32 v3, v1;
	v3 =	vimm.f32 $0.0e+00;
	v2 =	vimm.f32 $0.0e+00  }
.LBB2_26:
0x1b6: {  	p0 =	sne.s32 s1, $0x6200;
	v13 =	vld [tilespmem:s29+$0x13D70];
	v1 =	vadd.f32 v12, v1  }
0x1b7: {  	v14 =	vld [tilespmem:s29+$0x13D00];
	v6 =	vadd.f32 v10, v6  }
0x1b8: {  	v15 =	vld [tilespmem:s29+$0x13D10];
	v9 =	vadd.f32 v7, v9  }
.Ltmp14:
0x1b9: {  	v12 =	vld [tilespmem:s29+$0x13D20];
	v3 =	vadd.f32 v8, v3;
	(pc) =	sbr.rel @p0 .LBB2_26-.Ltmp14, $4  }
0x1ba: {  	v10 =	vld [tilespmem:s29+$0x13D30];
	v2 =	vadd.f32 v11, v2  }
0x1bb: {  	v7 =	vld [tilespmem:s29+$0x13D40];
	v0 =	vadd.f32 v13, v0  }
0x1bc: {  	v5 =	vadd.f32 v14, v5;
	v8 =	vld [tilespmem:s29+$0x13D50]  }
0x1bd: {  	v4 =	vadd.f32 v15, v4;
	v11 =	vld [tilespmem:s29+$0x13D60];
	s29 =	sshra.s32 s1, $0x2;
	s1 =	sadd.s32 $0x200, s1  }
0x1be: {  	v13 =	vld [tilespmem:s29+$0x13D00]  }
0x1bf: {  	v14 =	vld [tilespmem:s29+$0x13D10]  }
0x1c0: {  	v15 =	vld [tilespmem:s29+$0x13D20]  }
0x1c1: {  	v16 =	vld [tilespmem:s29+$0x13D30]  }
0x1c2: {  	v17 =	vld [tilespmem:s29+$0x13D40]  }
0x1c3: {  	v1 =	vadd.f32 v12, v1;
	v58 =	vld [tilespmem:s29+$0x13D50];
	v5 =	vadd.f32 v13, v5  }
0x1c4: {  	v60 =	vld [tilespmem:s29+$0x13D70];
	v6 =	vadd.f32 v10, v6;
	v4 =	vadd.f32 v14, v4  }
0x1c5: {  	v59 =	vld [tilespmem:s29+$0x13D60];
	v7 =	vadd.f32 v7, v9;
	v1 =	vadd.f32 v15, v1;
	v5 =	vmul.f32 $1.999999960e-02, v5  }
0x1c6: {  	v3 =	vadd.f32 v8, v3;
	v6 =	vadd.f32 v16, v6;
	v4 =	vmul.f32 $1.999999960e-02, v4  }
0x1c7: {  	v7 =	vadd.f32 v17, v7;
	v1 =	vmul.f32 $1.999999960e-02, v1;
	[tilespmem:s28+$0x15880] =	vst v5  }
0x1c8: {  	s26 =	sadd.s32 $0x1, s26;
	v2 =	vadd.f32 v11, v2;
	v3 =	vadd.f32 v58, v3;
	v61 =	vmul.f32 $1.999999960e-02, v6;
	[tilespmem:s28+$0x15890] =	vst v4  }
0x1c9: {  	p0 =	sne.s32 s26, $0xB;
	v0 =	vadd.f32 v60, v0;
	v62 =	vmul.f32 $1.999999960e-02, v7;
	[tilespmem:s28+$0x158A0] =	vst v1  }
.Ltmp15:
0x1ca: {  	v2 =	vadd.f32 v59, v2;
	v3 =	vmul.f32 $1.999999960e-02, v3;
	[tilespmem:s28+$0x158B0] =	vst v61;
	(pc) =	sbr.rel @p0 .LBB2_2-.Ltmp15, $4  }
.Ltmp16:
0x1cb: {  	v0 =	vmul.f32 $1.999999960e-02, v0;
	[tilespmem:s28+$0x158C0] =	vst v62;
	(pc) =	sbr.rel @!p0 .LBB2_28-.Ltmp16, $4  }
0x1cc: {  	v63 =	vmul.f32 $1.999999960e-02, v2;
	[tilespmem:s28+$0x158D0] =	vst v3  }
0x1cd: {  	[tilespmem:s28+$0x158F0] =	vst v0  }
0x1ce: {  	[tilespmem:s28+$0x158E0] =	vst v63  }
0x1cf: {  	_ = 	snop  }
.LBB2_29:
0x1d0: {  	_ =	sfence.sel $0x180000  }
0x1d1: {  	[bflag:$0x0] =	sbarrier.arrive $0xFFFF  }
0x1d2: {  	_ =	strace $0x90000047  }
0x1d3: {  	s0 =	stileid.u32;
	[bflag:$0x2] =	sbarrier.arrive $0xFFFF  }
0x1d4: {  	p0 =	sne.s32 s0, $0x0;
	s0 =	rddreg [dreg:$0x3]  }
0x1d5: {  	s0 =	sadd.s32 @!p0 $0x100000, s0  }
0x1d6: {  	[sflag:s0] =	ssyncadd.tile.s32 @!p0 $0x1;
	_ =	shalt  }
.Lfunc_end2:
_tile_overlayer_lowered:
.L_overlay_start_2:
0x1d7: {  	(tag) =	ssettag $0x2  }
0x1d8: {  	s0 =	rddreg [dreg:$0x0];
	s2 =	stileid.u32  }
0x1d9: {  	s1 =	rddreg [dreg:$0x1];
	p0 =	sne.s32 s2, $0x0  }
0x1da: {  	s3 =	rddreg [dreg:$0x2];
	[bflag:$0x3] =	sbarrier.arrive $0xFFFF;
	s2 =	simm.s32 @!p0 $0x1C07  }
0x1db: {  	[timem:s3], [sflag:s2] =	dma.local @!p0 [hbm:s0], s1  }
0x1dc: {  	s0 =	simm.s32 @!p0 $0x7  }
0x1dd: {  	_ =	swait.ge @!p0 [sflag:s0], s1  }
0x1de: {  	s1 =	ssub.s32 @!p0 $0x0, s1;
	[sflag:s0] =	ssyncset.done @!p0 $0x0  }
0x1df: {  	[sflag:s0] =	ssyncadd.s32 @!p0 s1  }
0x1e0: {  	[bflag:$0x3] =	sbarrier.arrive $0xFFFF  }
0x1e1: {  	_ =	shalt  }

</sc_bundles>
